<compile_context>
chip_gen: v7x
topology: tpu7x:2x2x1
jax: 0.10.2.dev20260603
libtpu: 0.0.44.dev20260713+nightly
codegen_flags: <defaults>
</compile_context>

<pallas_src>
import functools

import jax
import jax.numpy as jnp
from jax import lax
from jax.experimental import pallas as pl
from jax.experimental.pallas import tpu as pltpu
from jax.experimental.pallas import tpu_sc as plsc

_N = 10000
_E = 320000
_NW = 32
_EPW = _E // _NW
_BLK = 80
_NB = _EPW // _BLK
_NPAD = 10112
_RPT = _NPAD // 16


def _sc_mesh():
    return plsc.VectorSubcoreMesh(core_axis_name="c", subcore_axis_name="s")


_BLK2 = 100
_NB2 = _EPW // _BLK2
_NBUF = 2


def _make_sc_agg(D):
    zr = 8

    @functools.partial(
        pl.kernel,
        out_type=jax.ShapeDtypeStruct((2, _NPAD, D), jnp.float32),
        mesh=_sc_mesh(),
        compiler_params=pltpu.CompilerParams(use_tc_tiling_on_sc=False),
        scratch_types=[
            pltpu.VMEM((_NB2, _BLK2), jnp.int32),
            pltpu.VMEM((_NB2, _BLK2), jnp.int32),
        ] + [pltpu.VMEM((_BLK2, D), jnp.float32) for _ in range(_NBUF)] + [
            pltpu.VMEM((zr, D), jnp.float32),
            pltpu.VMEM_SHARED((_NPAD, D), jnp.float32),
        ] + [pltpu.SemaphoreType.DMA for _ in range(2 * _NBUF)],
    )
    def k(u_hbm, e_hbm, out_hbm, src_v, dst_v, r0, r1, zbuf, acc,
          g0, g1, s0, s1):
        rb = (r0, r1)
        gs = (g0, g1)
        ss = (s0, s1)
        c = lax.axis_index("c")
        s = lax.axis_index("s")
        wid = s * 2 + c

        def zrow(i, carry):
            for k16 in range(D // 16):
                zbuf[i, pl.ds(k16 * 16, 16)] = jnp.zeros((16,), jnp.float32)
            return carry

        lax.fori_loop(0, zr, zrow, 0)

        def zacc(i, carry):
            pltpu.sync_copy(zbuf, acc.at[pl.ds(s * _RPT + i * zr, zr)])
            return carry

        lax.fori_loop(0, _RPT // zr, zacc, 0)
        pltpu.sync_copy(e_hbm.at[0, wid], src_v)
        pltpu.sync_copy(e_hbm.at[1, wid], dst_v)
        plsc.subcore_barrier()

        def gath(j, b):
            pltpu.async_copy(u_hbm.at[src_v.at[j]], rb[b], gs[b])

        def wait_g(b):
            pltpu.make_async_copy(u_hbm.at[src_v.at[0]], rb[b], gs[b]).wait()

        def scat(j, b):
            pltpu.async_copy(rb[b], acc.at[dst_v.at[j]], ss[b], add=True)

        def wait_s(b):
            pltpu.make_async_copy(rb[b], acc.at[dst_v.at[0]], ss[b]).wait()

        for b in range(_NBUF):
            gath(b, b)

        def body(k4, carry):
            base = k4 * _NBUF
            for b in range(_NBUF):
                wait_g(b)
                scat(base + b, b)

            @pl.when(k4 < _NB2 // _NBUF - 1)
            def _():
                for b in range(_NBUF):
                    wait_s(b)
                    gath(base + _NBUF + b, b)

            return carry

        lax.fori_loop(0, _NB2 // _NBUF, body, 0)
        for b in range(_NBUF):
            wait_s(b)
        plsc.subcore_barrier()
        pltpu.sync_copy(acc.at[pl.ds(s * _RPT, _RPT)],
                        out_hbm.at[c].at[pl.ds(s * _RPT, _RPT)])

    return k


@functools.partial(
    pl.kernel,
    out_type=jax.ShapeDtypeStruct((2, _NPAD), jnp.float32),
    mesh=_sc_mesh(),
    compiler_params=pltpu.CompilerParams(use_tc_tiling_on_sc=False),
    scratch_types=[
        pltpu.VMEM((_NB2, _BLK2), jnp.int32),
        pltpu.VMEM((112,), jnp.float32),
        pltpu.VMEM((640,), jnp.float32),
        pltpu.VMEM_SHARED((_NPAD,), jnp.float32),
    ],
)
def _sc_deg(e_hbm, out_hbm, dst_v, ones_v, zbuf, acc):
    c = lax.axis_index("c")
    s = lax.axis_index("s")
    wid = s * 2 + c

    def fill_ones(i, carry):
        ones_v[pl.ds(i * 16, 16)] = jnp.ones((16,), jnp.float32)
        return carry

    lax.fori_loop(0, 7, fill_ones, 0)

    def fill_zeros(i, carry):
        zbuf[pl.ds(i * 16, 16)] = jnp.zeros((16,), jnp.float32)
        return carry

    lax.fori_loop(0, 40, fill_zeros, 0)
    pltpu.sync_copy(zbuf.at[pl.ds(0, _RPT)], acc.at[pl.ds(s * _RPT, _RPT)])
    pltpu.sync_copy(e_hbm.at[1, wid], dst_v)
    plsc.subcore_barrier()

    def body(j, carry):
        pltpu.sync_copy(ones_v.at[pl.ds(0, _BLK2)], acc.at[dst_v.at[j]],
                        add=True)
        return carry

    lax.fori_loop(0, _NB2, body, 0)
    plsc.subcore_barrier()
    pltpu.sync_copy(acc.at[pl.ds(s * _RPT, _RPT)],
                    out_hbm.at[c].at[pl.ds(s * _RPT, _RPT)])


_RB = 2000
_GRID = _N // _RB


def _row_spec(d):
    return pl.BlockSpec((_RB, d), lambda i: (i, 0))


def _full_spec(a, b):
    return pl.BlockSpec((a, b), lambda i: (0, 0))


def _tck0_body(x_ref, dv_ref, u1_ref):
    u1_ref[...] = dv_ref[...] * x_ref[...]


_tck0 = pl.pallas_call(
    _tck0_body,
    grid=(_GRID,),
    in_specs=[_row_spec(128), _row_spec(1)],
    out_specs=_row_spec(128),
    out_shape=jax.ShapeDtypeStruct((_N, 128), jnp.float32),
)


def _part_spec(d):
    return pl.BlockSpec((2, _RB, d), lambda i: (0, i, 0))


def _tck1_body(p, u1, dv, W1, b1, lo_ref, hi_ref):
    g = dv[...] * (p[0] + p[1] + u1[...])
    h = jnp.dot(g, W1[...], preferred_element_type=jnp.float32) + b1[...]
    u2 = dv[...] * jnp.maximum(h, 0.0)
    lo_ref[...] = u2[:, :128]
    hi_ref[...] = u2[:, 128:]


_tck1 = pl.pallas_call(
    _tck1_body,
    grid=(_GRID,),
    in_specs=[_part_spec(128), _row_spec(128), _row_spec(1),
              _full_spec(128, 256), _full_spec(1, 256)],
    out_specs=[_row_spec(128), _row_spec(128)],
    out_shape=[jax.ShapeDtypeStruct((_N, 128), jnp.float32),
               jax.ShapeDtypeStruct((_N, 128), jnp.float32)],
)


def _tck2_body(pa, pb, u2lo, u2hi, dv, W2, b2, W3, u3_ref):
    glo = pa[0] + pa[1] + u2lo[...]
    ghi = pb[0] + pb[1] + u2hi[...]
    g = dv[...] * jnp.concatenate([glo, ghi], axis=1)
    h = jnp.maximum(
        jnp.dot(g, W2[...], preferred_element_type=jnp.float32) + b2[...], 0.0)
    t = jnp.dot(h, W3[...], preferred_element_type=jnp.float32)
    u3 = dv[...] * t
    u3_ref[...] = jnp.concatenate(
        [u3, jnp.zeros((_RB, 8), jnp.float32)], axis=1)


_tck2 = pl.pallas_call(
    _tck2_body,
    grid=(_GRID,),
    in_specs=[_part_spec(128), _part_spec(128),
              _row_spec(128), _row_spec(128), _row_spec(1),
              _full_spec(256, 256), _full_spec(1, 256), _full_spec(256, 40)],
    out_specs=_row_spec(48),
    out_shape=jax.ShapeDtypeStruct((_N, 48), jnp.float32),
)


def _tck3_body(q, u3, dv, b3, out_ref):
    g = dv[...] * (q[0, :, :40] + q[1, :, :40] + u3[:, :40]) + b3[...]
    m = jnp.max(g, axis=1, keepdims=True)
    e = jnp.exp(g - m)
    out_ref[...] = g - m - jnp.log(jnp.sum(e, axis=1, keepdims=True))


_tck3 = pl.pallas_call(
    _tck3_body,
    grid=(_GRID,),
    in_specs=[_part_spec(48), _row_spec(48), _row_spec(1),
              _full_spec(1, 40)],
    out_specs=_row_spec(40),
    out_shape=jax.ShapeDtypeStruct((_N, 40), jnp.float32),
)

_agg128 = _make_sc_agg(128)
_agg48 = _make_sc_agg(48)


def kernel(x, edge_index, W1, b1, W2, b2, W3, b3):
    eidx = edge_index.astype(jnp.int32).reshape(2, _NW, _NB2, _BLK2)

    degp = _sc_deg(eidx)
    deg = degp[0, :_N] + degp[1, :_N] + 1.0
    dinv = lax.rsqrt(deg)[:, None]

    u1 = _tck0(x, dinv)
    p = _agg128(u1, eidx)
    u2lo, u2hi = _tck1(p, u1, dinv, W1, b1.reshape(1, -1))

    pa = _agg128(u2lo, eidx)
    pb = _agg128(u2hi, eidx)
    u3p = _tck2(pa, pb, u2lo, u2hi, dinv, W2, b2.reshape(1, -1), W3)

    q = _agg48(u3p, eidx)
    out = _tck3(q, u3p, dinv, b3.reshape(1, -1))
    return out

# --- scband reference (transcript-rebuilt; emitter-appended) ---
"""Pipeline reference for scband-gcnstack-69277822484761 (READ-ONLY COPY).

The authoritative reference and input builder live on the scoring server;
editing this copy changes nothing except your own understanding.
"""

import jax, jax.numpy as jnp
import numpy as np

N_NODES = 10000


def gcn_conv(x, src, dst, W, b, n):
    # PyG GCNConv: add self-loops, symmetric normalization, linear transform, aggregate, add bias
    loop = jnp.arange(n, dtype=src.dtype)
    s = jnp.concatenate([src, loop])
    d = jnp.concatenate([dst, loop])
    deg = jnp.zeros((n,), dtype=x.dtype).at[d].add(1.0)
    dinv = jnp.where(deg > 0, deg ** -0.5, 0.0)
    norm = dinv[s] * dinv[d]
    h = x @ W
    msg = h[s] * norm[:, None]
    out = jnp.zeros((n, W.shape[1]), dtype=x.dtype).at[d].add(msg)
    return out + b


def setup_inputs(seed: int = 0) -> dict:
    key = jax.random.key(seed)
    k = jax.random.split(key, 8)
    d_in, d_hid, d_out = 128, 256, 40
    x = jax.random.normal(k[0], (N_NODES, d_in), dtype=jnp.float32)
    edge_index = jax.random.randint(k[1], (2, 320000), 0, N_NODES, dtype=jnp.int64)
    W1 = jax.random.normal(k[2], (d_in, d_hid), dtype=jnp.float32) * 0.05
    b1 = jnp.zeros((d_hid,), dtype=jnp.float32)
    W2 = jax.random.normal(k[3], (d_hid, d_hid), dtype=jnp.float32) * 0.05
    b2 = jnp.zeros((d_hid,), dtype=jnp.float32)
    W3 = jax.random.normal(k[4], (d_hid, d_out), dtype=jnp.float32) * 0.05
    b3 = jnp.zeros((d_out,), dtype=jnp.float32)
    return {"x": x, "edge_index": edge_index, "W1": W1, "b1": b1, "W2": W2, "b2": b2, "W3": W3, "b3": b3}


def reference(x, edge_index, W1, b1, W2, b2, W3, b3):
    # eval mode: dropout is identity
    src, dst = edge_index[0], edge_index[1]
    n = x.shape[0]
    h = gcn_conv(x, src, dst, W1, b1, n)
    h = jax.nn.relu(h)
    h = gcn_conv(h, src, dst, W2, b2, n)
    h = jax.nn.relu(h)
    h = gcn_conv(h, src, dst, W3, b3, n)
    return jax.nn.log_softmax(h, axis=1)

if __name__ == "__main__":
    import jax
    _d = setup_inputs()
    print(jax.jit(kernel)(*tuple(_d.values())))

</pallas_src>

<mosaic_0001>
#map = affine_map<(d0, d1) -> (0, 0, 0, 0)>
#map1 = affine_map<(d0, d1) -> (0, 0)>
module attributes {stable_mosaic.version = 14 : i64} {
  func.func @_sc_deg(%arg0: i32, %arg1: i32, %arg2: memref<2x32x100x100xi32, #tpu.memory_space<hbm>>, %arg3: memref<2x10112xf32, #tpu.memory_space<hbm>>, %arg4: memref<100x100xi32, #tpu.memory_space<vmem>>, %arg5: memref<112xf32, #tpu.memory_space<vmem>>, %arg6: memref<640xf32, #tpu.memory_space<vmem>>, %arg7: memref<10112xf32, #tpu.memory_space<vmem_shared>>) attributes {dimension_semantics = [#tpu.dimension_semantics<core_parallel>, #tpu.dimension_semantics<subcore_parallel>], iteration_bounds = array<i64: 2, 16>, scalar_prefetch = 0 : i64, scratch_operands = 4 : i64, tpu.core_type = #tpu.core_type<sc_vector_subcore>, window_params = [{transform_indices = #map}, {transform_indices = #map1}]} {
    %mul3A = arith.constant 2 : i32
    %mul3A_0 = arith.muli %arg1, %mul3A : i32
    %add3A = arith.addi %mul3A_0, %arg0 : i32
    %scan3A = arith.constant 0 : i32
    %scan3A_1 = arith.constant 0 : i32
    %scan3A_2 = arith.constant 7 : i32
    %scan3A_3 = arith.addi %scan3A_1, %scan3A_2 : i32
    %scan3A_4 = arith.constant 1 : i32
    scf.for %scan3A_25 = %scan3A_1 to %scan3A_3 step %scan3A_4  : i32 {
      %broadcast_in_dim3A = arith.constant 1.000000e+00 : f32
      %broadcast_in_dim3A_26 = vector.broadcast %broadcast_in_dim3A : f32 to vector<16xf32>
      %mul3A_27 = arith.constant 16 : i32
      %mul3A_28 = arith.muli %scan3A_25, %mul3A_27 : i32
      %swap3A = arith.index_cast %mul3A_28 : i32 to index
      %swap3A_29 = tpu.vector_load %arg5[%swap3A] {strides = array<i32>} : memref<112xf32, #tpu.memory_space<vmem>>, vector<16xf32>,
      %swap3A_30 = vector.shape_cast %swap3A_29 : vector<16xf32> to vector<16xf32>
      %swap3A_31 = vector.shape_cast %broadcast_in_dim3A_26 : vector<16xf32> to vector<16xf32>
      tpu.vector_store %arg5[%swap3A], %swap3A_31 {strides = array<i32>} : memref<112xf32, #tpu.memory_space<vmem>>, vector<16xf32>,
    }
    %scan3A_5 = arith.constant 7 : i32
    %scan3A_6 = arith.constant 0 : i32
    %scan3A_7 = arith.constant 0 : i32
    %scan3A_8 = arith.constant 40 : i32
    %scan3A_9 = arith.addi %scan3A_7, %scan3A_8 : i32
    %scan3A_10 = arith.constant 1 : i32
    scf.for %scan3A_25 = %scan3A_7 to %scan3A_9 step %scan3A_10  : i32 {
      %broadcast_in_dim3A = arith.constant 0.000000e+00 : f32
      %broadcast_in_dim3A_26 = vector.broadcast %broadcast_in_dim3A : f32 to vector<16xf32>
      %mul3A_27 = arith.constant 16 : i32
      %mul3A_28 = arith.muli %scan3A_25, %mul3A_27 : i32
      %swap3A = arith.index_cast %mul3A_28 : i32 to index
      %swap3A_29 = tpu.vector_load %arg6[%swap3A] {strides = array<i32>} : memref<640xf32, #tpu.memory_space<vmem>>, vector<16xf32>,
      %swap3A_30 = vector.shape_cast %swap3A_29 : vector<16xf32> to vector<16xf32>
      %swap3A_31 = vector.shape_cast %broadcast_in_dim3A_26 : vector<16xf32> to vector<16xf32>
      tpu.vector_store %arg6[%swap3A], %swap3A_31 {strides = array<i32>} : memref<640xf32, #tpu.memory_space<vmem>>, vector<16xf32>,
    }
    %scan3A_11 = arith.constant 40 : i32
    %mul3A_12 = arith.constant 632 : i32
    %mul3A_13 = arith.muli %arg1, %mul3A_12 : i32
    "tpu.region"() ({
      %run_scoped3A_25 = tpu.sem_alloc : memref<!tpu.dma_semaphore, #tpu.memory_space<semaphore_mem>>
      %dma_start3A = arith.constant 0 : i32
      %dma_start3A_26 = tpu.memref_slice %arg6[%dma_start3A] : memref<640xf32, #tpu.memory_space<vmem>> -> memref<632xf32, #tpu.memory_space<vmem>>
      %dma_start3A_27 = tpu.memref_slice %arg7[%mul3A_13] : memref<10112xf32, #tpu.memory_space<vmem_shared>> -> memref<632xf32, #tpu.memory_space<vmem_shared>>
      %dma_start3A_28 = tpu.memref_slice %arg7[%mul3A_13] : memref<10112xf32, #tpu.memory_space<vmem_shared>> -> memref<632xf32, #tpu.memory_space<vmem_shared>>
      %dma_start3A_29 = arith.constant 0 : i32
      %dma_start3A_30 = tpu.memref_slice %arg6[%dma_start3A_29] : memref<640xf32, #tpu.memory_space<vmem>> -> memref<632xf32, #tpu.memory_space<vmem>>
      tpu.enqueue_dma source(%dma_start3A_30 : memref<632xf32, #tpu.memory_space<vmem>>) target(%dma_start3A_28 : memref<632xf32, #tpu.memory_space<vmem_shared>>) target_semaphore(%run_scoped3A_25 : memref<!tpu.dma_semaphore, #tpu.memory_space<semaphore_mem>>)
      %dma_wait3A = arith.constant 0 : i32
      %dma_wait3A_31 = tpu.memref_slice %arg6[%dma_wait3A] : memref<640xf32, #tpu.memory_space<vmem>> -> memref<632xf32, #tpu.memory_space<vmem>>
      %dma_wait3A_32 = tpu.memref_slice %arg7[%mul3A_13] : memref<10112xf32, #tpu.memory_space<vmem_shared>> -> memref<632xf32, #tpu.memory_space<vmem_shared>>
      %dma_wait3A_33 = tpu.memref_slice %arg7[%mul3A_13] : memref<10112xf32, #tpu.memory_space<vmem_shared>> -> memref<632xf32, #tpu.memory_space<vmem_shared>>
      %dma_wait3A_34 = arith.constant 0 : i32
      %dma_wait3A_35 = tpu.memref_slice %arg6[%dma_wait3A_34] : memref<640xf32, #tpu.memory_space<vmem>> -> memref<632xf32, #tpu.memory_space<vmem>>
      tpu.wait_dma2 semaphore(%run_scoped3A_25 : memref<!tpu.dma_semaphore, #tpu.memory_space<semaphore_mem>>) src(%dma_wait3A_35 : memref<632xf32, #tpu.memory_space<vmem>>) dst(%dma_wait3A_33 : memref<632xf32, #tpu.memory_space<vmem_shared>>)
      tpu.yield
    }) : () -> ()
    %run_scoped3A = arith.constant 1 : i32
    "tpu.region"() ({
      %run_scoped3A_25 = tpu.sem_alloc : memref<!tpu.dma_semaphore, #tpu.memory_space<semaphore_mem>>
      %dma_start3A = arith.constant 0 : i32
      %dma_start3A_26 = arith.constant 0 : i32
      %dma_start3A_27 = tpu.memref_slice %arg2[%run_scoped3A, %add3A, %dma_start3A, %dma_start3A_26] : memref<2x32x100x100xi32, #tpu.memory_space<hbm>> -> memref<1x1x100x100xi32, #tpu.memory_space<hbm>>
      %dma_start3A_28 = tpu.memref_squeeze %dma_start3A_27 : memref<1x1x100x100xi32, #tpu.memory_space<hbm>> -> memref<100x100xi32, #tpu.memory_space<hbm>>
      %dma_start3A_29 = arith.constant 0 : i32
      %dma_start3A_30 = arith.constant 0 : i32
      %dma_start3A_31 = tpu.memref_slice %arg2[%run_scoped3A, %add3A, %dma_start3A_29, %dma_start3A_30] : memref<2x32x100x100xi32, #tpu.memory_space<hbm>> -> memref<1x1x100x100xi32, #tpu.memory_space<hbm>>
      %dma_start3A_32 = tpu.memref_squeeze %dma_start3A_31 : memref<1x1x100x100xi32, #tpu.memory_space<hbm>> -> memref<100x100xi32, #tpu.memory_space<hbm>>
      tpu.enqueue_dma source(%dma_start3A_32 : memref<100x100xi32, #tpu.memory_space<hbm>>) target(%arg4 : memref<100x100xi32, #tpu.memory_space<vmem>>) target_semaphore(%run_scoped3A_25 : memref<!tpu.dma_semaphore, #tpu.memory_space<semaphore_mem>>)
      %dma_wait3A = arith.constant 0 : i32
      %dma_wait3A_33 = arith.constant 0 : i32
      %dma_wait3A_34 = tpu.memref_slice %arg2[%run_scoped3A, %add3A, %dma_wait3A, %dma_wait3A_33] : memref<2x32x100x100xi32, #tpu.memory_space<hbm>> -> memref<1x1x100x100xi32, #tpu.memory_space<hbm>>
      %dma_wait3A_35 = tpu.memref_squeeze %dma_wait3A_34 : memref<1x1x100x100xi32, #tpu.memory_space<hbm>> -> memref<100x100xi32, #tpu.memory_space<hbm>>
      %dma_wait3A_36 = arith.constant 0 : i32
      %dma_wait3A_37 = arith.constant 0 : i32
      %dma_wait3A_38 = tpu.memref_slice %arg2[%run_scoped3A, %add3A, %dma_wait3A_36, %dma_wait3A_37] : memref<2x32x100x100xi32, #tpu.memory_space<hbm>> -> memref<1x1x100x100xi32, #tpu.memory_space<hbm>>
      %dma_wait3A_39 = tpu.memref_squeeze %dma_wait3A_38 : memref<1x1x100x100xi32, #tpu.memory_space<hbm>> -> memref<100x100xi32, #tpu.memory_space<hbm>>
      tpu.wait_dma2 semaphore(%run_scoped3A_25 : memref<!tpu.dma_semaphore, #tpu.memory_space<semaphore_mem>>) src(%dma_wait3A_39 : memref<100x100xi32, #tpu.memory_space<hbm>>) dst(%arg4 : memref<100x100xi32, #tpu.memory_space<vmem>>)
      tpu.yield
    }) : () -> ()
    %barrier3A = arith.constant 0 : index
    tpu.barrier barrier_id(%barrier3A)
    %scan3A_14 = arith.constant 0 : i32
    %scan3A_15 = arith.constant 0 : i32
    %scan3A_16 = arith.constant 100 : i32
    %scan3A_17 = arith.addi %scan3A_15, %scan3A_16 : i32
    %scan3A_18 = arith.constant 1 : i32
    scf.for %scan3A_25 = %scan3A_15 to %scan3A_17 step %scan3A_18  : i32 {
      "tpu.region"() ({
        %run_scoped3A_26 = tpu.sem_alloc : memref<!tpu.dma_semaphore, #tpu.memory_space<semaphore_mem>>
        %dma_start3A = arith.constant 0 : i32
        %dma_start3A_27 = tpu.memref_slice %arg5[%dma_start3A] : memref<112xf32, #tpu.memory_space<vmem>> -> memref<100xf32, #tpu.memory_space<vmem>>
        %dma_start3A_28 = arith.constant 0 : i32
        %dma_start3A_29 = tpu.memref_slice %arg4[%scan3A_25, %dma_start3A_28] : memref<100x100xi32, #tpu.memory_space<vmem>> -> memref<1x100xi32, #tpu.memory_space<vmem>>
        %dma_start3A_30 = tpu.memref_squeeze %dma_start3A_29 : memref<1x100xi32, #tpu.memory_space<vmem>> -> memref<100xi32, #tpu.memory_space<vmem>>
        %dma_start3A_31 = arith.constant 0 : i32
        %dma_start3A_32 = tpu.memref_slice %arg7[%dma_start3A_31] : memref<10112xf32, #tpu.memory_space<vmem_shared>> -> memref<10112xf32, #tpu.memory_space<vmem_shared>>
        tpu.enqueue_indirect_dma source(%dma_start3A_27 : memref<100xf32, #tpu.memory_space<vmem>>) target(%dma_start3A_32 : memref<10112xf32, #tpu.memory_space<vmem_shared>>) offsets(%dma_start3A_30 : memref<100xi32, #tpu.memory_space<vmem>>) semaphore(%run_scoped3A_26 : memref<!tpu.dma_semaphore, #tpu.memory_space<semaphore_mem>>) {add = true}
        %dma_wait3A = arith.constant 0 : i32
        %dma_wait3A_33 = tpu.memref_slice %arg5[%dma_wait3A] : memref<112xf32, #tpu.memory_space<vmem>> -> memref<100xf32, #tpu.memory_space<vmem>>
        %dma_wait3A_34 = arith.constant 0 : i32
        %dma_wait3A_35 = tpu.memref_slice %arg4[%scan3A_25, %dma_wait3A_34] : memref<100x100xi32, #tpu.memory_space<vmem>> -> memref<1x100xi32, #tpu.memory_space<vmem>>
        %dma_wait3A_36 = tpu.memref_squeeze %dma_wait3A_35 : memref<1x100xi32, #tpu.memory_space<vmem>> -> memref<100xi32, #tpu.memory_space<vmem>>
        %dma_wait3A_37 = arith.constant 0 : i32
        %dma_wait3A_38 = tpu.memref_slice %arg7[%dma_wait3A_37] : memref<10112xf32, #tpu.memory_space<vmem_shared>> -> memref<10112xf32, #tpu.memory_space<vmem_shared>>
        tpu.wait_indirect_dma semaphore(%run_scoped3A_26 : memref<!tpu.dma_semaphore, #tpu.memory_space<semaphore_mem>>) src(%dma_wait3A_33 : memref<100xf32, #tpu.memory_space<vmem>>) dst(%dma_wait3A_38 : memref<10112xf32, #tpu.memory_space<vmem_shared>>)
        tpu.yield
      }) : () -> ()
    }
    %scan3A_19 = arith.constant 100 : i32
    %barrier3A_20 = arith.constant 0 : index
    tpu.barrier barrier_id(%barrier3A_20)
    %mul3A_21 = arith.constant 632 : i32
    %mul3A_22 = arith.muli %arg1, %mul3A_21 : i32
    %mul3A_23 = arith.constant 632 : i32
    %mul3A_24 = arith.muli %arg1, %mul3A_23 : i32
    "tpu.region"() ({
      %run_scoped3A_25 = tpu.sem_alloc : memref<!tpu.dma_semaphore, #tpu.memory_space<semaphore_mem>>
      %dma_start3A = arith.constant 0 : i32
      %dma_start3A_26 = tpu.memref_slice %arg3[%arg0, %dma_start3A] : memref<2x10112xf32, #tpu.memory_space<hbm>> -> memref<1x10112xf32, #tpu.memory_space<hbm>>
      %dma_start3A_27 = tpu.memref_squeeze %dma_start3A_26 : memref<1x10112xf32, #tpu.memory_space<hbm>> -> memref<10112xf32, #tpu.memory_space<hbm>>
      %dma_start3A_28 = tpu.memref_slice %dma_start3A_27[%mul3A_24] : memref<10112xf32, #tpu.memory_space<hbm>> -> memref<632xf32, #tpu.memory_space<hbm>>
      %dma_start3A_29 = tpu.memref_slice %arg7[%mul3A_22] : memref<10112xf32, #tpu.memory_space<vmem_shared>> -> memref<632xf32, #tpu.memory_space<vmem_shared>>
      tpu.enqueue_dma source(%dma_start3A_29 : memref<632xf32, #tpu.memory_space<vmem_shared>>) target(%dma_start3A_28 : memref<632xf32, #tpu.memory_space<hbm>>) target_semaphore(%run_scoped3A_25 : memref<!tpu.dma_semaphore, #tpu.memory_space<semaphore_mem>>)
      %dma_wait3A = arith.constant 0 : i32
      %dma_wait3A_30 = tpu.memref_slice %arg3[%arg0, %dma_wait3A] : memref<2x10112xf32, #tpu.memory_space<hbm>> -> memref<1x10112xf32, #tpu.memory_space<hbm>>
      %dma_wait3A_31 = tpu.memref_squeeze %dma_wait3A_30 : memref<1x10112xf32, #tpu.memory_space<hbm>> -> memref<10112xf32, #tpu.memory_space<hbm>>
      %dma_wait3A_32 = tpu.memref_slice %dma_wait3A_31[%mul3A_24] : memref<10112xf32, #tpu.memory_space<hbm>> -> memref<632xf32, #tpu.memory_space<hbm>>
      %dma_wait3A_33 = tpu.memref_slice %arg7[%mul3A_22] : memref<10112xf32, #tpu.memory_space<vmem_shared>> -> memref<632xf32, #tpu.memory_space<vmem_shared>>
      tpu.wait_dma2 semaphore(%run_scoped3A_25 : memref<!tpu.dma_semaphore, #tpu.memory_space<semaphore_mem>>) src(%dma_wait3A_33 : memref<632xf32, #tpu.memory_space<vmem_shared>>) dst(%dma_wait3A_32 : memref<632xf32, #tpu.memory_space<hbm>>)
      tpu.yield
    }) : () -> ()
    return
  }
}

#map = affine_map<(d0, d1) -> (0, 0)>
#map1 = affine_map<(d0, d1) -> (0, 0, 0, 0)>
#map2 = affine_map<(d0, d1) -> (0, 0, 0)>
module attributes {stable_mosaic.version = 14 : i64} {
  func.func @k(%arg0: i32, %arg1: i32, %arg2: memref<10000x128xf32, #tpu.memory_space<hbm>>, %arg3: memref<2x32x100x100xi32, #tpu.memory_space<hbm>>, %arg4: memref<2x10112x128xf32, #tpu.memory_space<hbm>>, %arg5: memref<100x100xi32, #tpu.memory_space<vmem>>, %arg6: memref<100x100xi32, #tpu.memory_space<vmem>>, %arg7: memref<100x128xf32, #tpu.memory_space<vmem>>, %arg8: memref<100x128xf32, #tpu.memory_space<vmem>>, %arg9: memref<8x128xf32, #tpu.memory_space<vmem>>, %arg10: memref<10112x128xf32, #tpu.memory_space<vmem_shared>>, %arg11: memref<!tpu.dma_semaphore, #tpu.memory_space<semaphore_mem>>, %arg12: memref<!tpu.dma_semaphore, #tpu.memory_space<semaphore_mem>>, %arg13: memref<!tpu.dma_semaphore, #tpu.memory_space<semaphore_mem>>, %arg14: memref<!tpu.dma_semaphore, #tpu.memory_space<semaphore_mem>>) attributes {dimension_semantics = [#tpu.dimension_semantics<core_parallel>, #tpu.dimension_semantics<subcore_parallel>], iteration_bounds = array<i64: 2, 16>, scalar_prefetch = 0 : i64, scratch_operands = 10 : i64, tpu.core_type = #tpu.core_type<sc_vector_subcore>, window_params = [{transform_indices = #map}, {transform_indices = #map1}, {transform_indices = #map2}]} {
    %mul3A = arith.constant 2 : i32
    %mul3A_0 = arith.muli %arg1, %mul3A : i32
    %add3A = arith.addi %mul3A_0, %arg0 : i32
    %scan3A = arith.constant 0 : i32
    %scan3A_1 = arith.constant 0 : i32
    %scan3A_2 = arith.constant 8 : i32
    %scan3A_3 = arith.addi %scan3A_1, %scan3A_2 : i32
    %scan3A_4 = arith.constant 1 : i32
    scf.for %scan3A_50 = %scan3A_1 to %scan3A_3 step %scan3A_4  : i32 {
      %broadcast_in_dim3A = arith.constant 0.000000e+00 : f32
      %broadcast_in_dim3A_51 = vector.broadcast %broadcast_in_dim3A : f32 to vector<16xf32>
      %swap3A = arith.index_cast %scan3A_50 : i32 to index
      %swap3A_52 = arith.constant 0 : index
      %swap3A_53 = tpu.vector_load %arg9[%swap3A, %swap3A_52] {strides = array<i32>} : memref<8x128xf32, #tpu.memory_space<vmem>>, vector<1x16xf32>,
      %swap3A_54 = vector.shape_cast %swap3A_53 : vector<1x16xf32> to vector<16xf32>
      %swap3A_55 = vector.shape_cast %broadcast_in_dim3A_51 : vector<16xf32> to vector<1x16xf32>
      tpu.vector_store %arg9[%swap3A, %swap3A_52], %swap3A_55 {strides = array<i32>} : memref<8x128xf32, #tpu.memory_space<vmem>>, vector<1x16xf32>,
      %broadcast_in_dim3A_56 = arith.constant 0.000000e+00 : f32
      %broadcast_in_dim3A_57 = vector.broadcast %broadcast_in_dim3A_56 : f32 to vector<16xf32>
      %swap3A_58 = arith.index_cast %scan3A_50 : i32 to index
      %swap3A_59 = arith.constant 16 : index
      %swap3A_60 = tpu.vector_load %arg9[%swap3A_58, %swap3A_59] {strides = array<i32>} : memref<8x128xf32, #tpu.memory_space<vmem>>, vector<1x16xf32>,
      %swap3A_61 = vector.shape_cast %swap3A_60 : vector<1x16xf32> to vector<16xf32>
      %swap3A_62 = vector.shape_cast %broadcast_in_dim3A_57 : vector<16xf32> to vector<1x16xf32>
      tpu.vector_store %arg9[%swap3A_58, %swap3A_59], %swap3A_62 {strides = array<i32>} : memref<8x128xf32, #tpu.memory_space<vmem>>, vector<1x16xf32>,
      %broadcast_in_dim3A_63 = arith.constant 0.000000e+00 : f32
      %broadcast_in_dim3A_64 = vector.broadcast %broadcast_in_dim3A_63 : f32 to vector<16xf32>
      %swap3A_65 = arith.index_cast %scan3A_50 : i32 to index
      %swap3A_66 = arith.constant 32 : index
      %swap3A_67 = tpu.vector_load %arg9[%swap3A_65, %swap3A_66] {strides = array<i32>} : memref<8x128xf32, #tpu.memory_space<vmem>>, vector<1x16xf32>,
      %swap3A_68 = vector.shape_cast %swap3A_67 : vector<1x16xf32> to vector<16xf32>
      %swap3A_69 = vector.shape_cast %broadcast_in_dim3A_64 : vector<16xf32> to vector<1x16xf32>
      tpu.vector_store %arg9[%swap3A_65, %swap3A_66], %swap3A_69 {strides = array<i32>} : memref<8x128xf32, #tpu.memory_space<vmem>>, vector<1x16xf32>,
      %broadcast_in_dim3A_70 = arith.constant 0.000000e+00 : f32
      %broadcast_in_dim3A_71 = vector.broadcast %broadcast_in_dim3A_70 : f32 to vector<16xf32>
      %swap3A_72 = arith.index_cast %scan3A_50 : i32 to index
      %swap3A_73 = arith.constant 48 : index
      %swap3A_74 = tpu.vector_load %arg9[%swap3A_72, %swap3A_73] {strides = array<i32>} : memref<8x128xf32, #tpu.memory_space<vmem>>, vector<1x16xf32>,
      %swap3A_75 = vector.shape_cast %swap3A_74 : vector<1x16xf32> to vector<16xf32>
      %swap3A_76 = vector.shape_cast %broadcast_in_dim3A_71 : vector<16xf32> to vector<1x16xf32>
      tpu.vector_store %arg9[%swap3A_72, %swap3A_73], %swap3A_76 {strides = array<i32>} : memref<8x128xf32, #tpu.memory_space<vmem>>, vector<1x16xf32>,
      %broadcast_in_dim3A_77 = arith.constant 0.000000e+00 : f32
      %broadcast_in_dim3A_78 = vector.broadcast %broadcast_in_dim3A_77 : f32 to vector<16xf32>
      %swap3A_79 = arith.index_cast %scan3A_50 : i32 to index
      %swap3A_80 = arith.constant 64 : index
      %swap3A_81 = tpu.vector_load %arg9[%swap3A_79, %swap3A_80] {strides = array<i32>} : memref<8x128xf32, #tpu.memory_space<vmem>>, vector<1x16xf32>,
      %swap3A_82 = vector.shape_cast %swap3A_81 : vector<1x16xf32> to vector<16xf32>
      %swap3A_83 = vector.shape_cast %broadcast_in_dim3A_78 : vector<16xf32> to vector<1x16xf32>
      tpu.vector_store %arg9[%swap3A_79, %swap3A_80], %swap3A_83 {strides = array<i32>} : memref<8x128xf32, #tpu.memory_space<vmem>>, vector<1x16xf32>,
      %broadcast_in_dim3A_84 = arith.constant 0.000000e+00 : f32
      %broadcast_in_dim3A_85 = vector.broadcast %broadcast_in_dim3A_84 : f32 to vector<16xf32>
      %swap3A_86 = arith.index_cast %scan3A_50 : i32 to index
      %swap3A_87 = arith.constant 80 : index
      %swap3A_88 = tpu.vector_load %arg9[%swap3A_86, %swap3A_87] {strides = array<i32>} : memref<8x128xf32, #tpu.memory_space<vmem>>, vector<1x16xf32>,
      %swap3A_89 = vector.shape_cast %swap3A_88 : vector<1x16xf32> to vector<16xf32>
      %swap3A_90 = vector.shape_cast %broadcast_in_dim3A_85 : vector<16xf32> to vector<1x16xf32>
      tpu.vector_store %arg9[%swap3A_86, %swap3A_87], %swap3A_90 {strides = array<i32>} : memref<8x128xf32, #tpu.memory_space<vmem>>, vector<1x16xf32>,
      %broadcast_in_dim3A_91 = arith.constant 0.000000e+00 : f32
      %broadcast_in_dim3A_92 = vector.broadcast %broadcast_in_dim3A_91 : f32 to vector<16xf32>
      %swap3A_93 = arith.index_cast %scan3A_50 : i32 to index
      %swap3A_94 = arith.constant 96 : index
      %swap3A_95 = tpu.vector_load %arg9[%swap3A_93, %swap3A_94] {strides = array<i32>} : memref<8x128xf32, #tpu.memory_space<vmem>>, vector<1x16xf32>,
      %swap3A_96 = vector.shape_cast %swap3A_95 : vector<1x16xf32> to vector<16xf32>
      %swap3A_97 = vector.shape_cast %broadcast_in_dim3A_92 : vector<16xf32> to vector<1x16xf32>
      tpu.vector_store %arg9[%swap3A_93, %swap3A_94], %swap3A_97 {strides = array<i32>} : memref<8x128xf32, #tpu.memory_space<vmem>>, vector<1x16xf32>,
      %broadcast_in_dim3A_98 = arith.constant 0.000000e+00 : f32
      %broadcast_in_dim3A_99 = vector.broadcast %broadcast_in_dim3A_98 : f32 to vector<16xf32>
      %swap3A_100 = arith.index_cast %scan3A_50 : i32 to index
      %swap3A_101 = arith.constant 112 : index
      %swap3A_102 = tpu.vector_load %arg9[%swap3A_100, %swap3A_101] {strides = array<i32>} : memref<8x128xf32, #tpu.memory_space<vmem>>, vector<1x16xf32>,
      %swap3A_103 = vector.shape_cast %swap3A_102 : vector<1x16xf32> to vector<16xf32>
      %swap3A_104 = vector.shape_cast %broadcast_in_dim3A_99 : vector<16xf32> to vector<1x16xf32>
      tpu.vector_store %arg9[%swap3A_100, %swap3A_101], %swap3A_104 {strides = array<i32>} : memref<8x128xf32, #tpu.memory_space<vmem>>, vector<1x16xf32>,
    }
    %scan3A_5 = arith.constant 8 : i32
    %scan3A_6 = arith.constant 0 : i32
    %scan3A_7 = arith.constant 0 : i32
    %scan3A_8 = arith.constant 79 : i32
    %scan3A_9 = arith.addi %scan3A_7, %scan3A_8 : i32
    %scan3A_10 = arith.constant 1 : i32
    scf.for %scan3A_50 = %scan3A_7 to %scan3A_9 step %scan3A_10  : i32 {
      %mul3A_51 = arith.constant 632 : i32
      %mul3A_52 = arith.muli %arg1, %mul3A_51 : i32
      %mul3A_53 = arith.constant 8 : i32
      %mul3A_54 = arith.muli %scan3A_50, %mul3A_53 : i32
      %add3A_55 = arith.addi %mul3A_52, %mul3A_54 : i32
      "tpu.region"() ({
        %run_scoped3A_56 = tpu.sem_alloc : memref<!tpu.dma_semaphore, #tpu.memory_space<semaphore_mem>>
        %dma_start3A_57 = arith.constant 0 : i32
        %dma_start3A_58 = tpu.memref_slice %arg10[%add3A_55, %dma_start3A_57] : memref<10112x128xf32, #tpu.memory_space<vmem_shared>> -> memref<8x128xf32, #tpu.memory_space<vmem_shared>>
        %dma_start3A_59 = arith.constant 0 : i32
        %dma_start3A_60 = tpu.memref_slice %arg10[%add3A_55, %dma_start3A_59] : memref<10112x128xf32, #tpu.memory_space<vmem_shared>> -> memref<8x128xf32, #tpu.memory_space<vmem_shared>>
        tpu.enqueue_dma source(%arg9 : memref<8x128xf32, #tpu.memory_space<vmem>>) target(%dma_start3A_60 : memref<8x128xf32, #tpu.memory_space<vmem_shared>>) target_semaphore(%run_scoped3A_56 : memref<!tpu.dma_semaphore, #tpu.memory_space<semaphore_mem>>)
        %dma_wait3A_61 = arith.constant 0 : i32
        %dma_wait3A_62 = tpu.memref_slice %arg10[%add3A_55, %dma_wait3A_61] : memref<10112x128xf32, #tpu.memory_space<vmem_shared>> -> memref<8x128xf32, #tpu.memory_space<vmem_shared>>
        %dma_wait3A_63 = arith.constant 0 : i32
        %dma_wait3A_64 = tpu.memref_slice %arg10[%add3A_55, %dma_wait3A_63] : memref<10112x128xf32, #tpu.memory_space<vmem_shared>> -> memref<8x128xf32, #tpu.memory_space<vmem_shared>>
        tpu.wait_dma2 semaphore(%run_scoped3A_56 : memref<!tpu.dma_semaphore, #tpu.memory_space<semaphore_mem>>) src(%arg9 : memref<8x128xf32, #tpu.memory_space<vmem>>) dst(%dma_wait3A_64 : memref<8x128xf32, #tpu.memory_space<vmem_shared>>)
        tpu.yield
      }) : () -> ()
    }
    %scan3A_11 = arith.constant 79 : i32
    %run_scoped3A = arith.constant 0 : i32
    "tpu.region"() ({
      %run_scoped3A_50 = tpu.sem_alloc : memref<!tpu.dma_semaphore, #tpu.memory_space<semaphore_mem>>
      %dma_start3A_51 = arith.constant 0 : i32
      %dma_start3A_52 = arith.constant 0 : i32
      %dma_start3A_53 = tpu.memref_slice %arg3[%run_scoped3A, %add3A, %dma_start3A_51, %dma_start3A_52] : memref<2x32x100x100xi32, #tpu.memory_space<hbm>> -> memref<1x1x100x100xi32, #tpu.memory_space<hbm>>
      %dma_start3A_54 = tpu.memref_squeeze %dma_start3A_53 : memref<1x1x100x100xi32, #tpu.memory_space<hbm>> -> memref<100x100xi32, #tpu.memory_space<hbm>>
      %dma_start3A_55 = arith.constant 0 : i32
      %dma_start3A_56 = arith.constant 0 : i32
      %dma_start3A_57 = tpu.memref_slice %arg3[%run_scoped3A, %add3A, %dma_start3A_55, %dma_start3A_56] : memref<2x32x100x100xi32, #tpu.memory_space<hbm>> -> memref<1x1x100x100xi32, #tpu.memory_space<hbm>>
      %dma_start3A_58 = tpu.memref_squeeze %dma_start3A_57 : memref<1x1x100x100xi32, #tpu.memory_space<hbm>> -> memref<100x100xi32, #tpu.memory_space<hbm>>
      tpu.enqueue_dma source(%dma_start3A_58 : memref<100x100xi32, #tpu.memory_space<hbm>>) target(%arg5 : memref<100x100xi32, #tpu.memory_space<vmem>>) target_semaphore(%run_scoped3A_50 : memref<!tpu.dma_semaphore, #tpu.memory_space<semaphore_mem>>)
      %dma_wait3A_59 = arith.constant 0 : i32
      %dma_wait3A_60 = arith.constant 0 : i32
      %dma_wait3A_61 = tpu.memref_slice %arg3[%run_scoped3A, %add3A, %dma_wait3A_59, %dma_wait3A_60] : memref<2x32x100x100xi32, #tpu.memory_space<hbm>> -> memref<1x1x100x100xi32, #tpu.memory_space<hbm>>
      %dma_wait3A_62 = tpu.memref_squeeze %dma_wait3A_61 : memref<1x1x100x100xi32, #tpu.memory_space<hbm>> -> memref<100x100xi32, #tpu.memory_space<hbm>>
      %dma_wait3A_63 = arith.constant 0 : i32
      %dma_wait3A_64 = arith.constant 0 : i32
      %dma_wait3A_65 = tpu.memref_slice %arg3[%run_scoped3A, %add3A, %dma_wait3A_63, %dma_wait3A_64] : memref<2x32x100x100xi32, #tpu.memory_space<hbm>> -> memref<1x1x100x100xi32, #tpu.memory_space<hbm>>
      %dma_wait3A_66 = tpu.memref_squeeze %dma_wait3A_65 : memref<1x1x100x100xi32, #tpu.memory_space<hbm>> -> memref<100x100xi32, #tpu.memory_space<hbm>>
      tpu.wait_dma2 semaphore(%run_scoped3A_50 : memref<!tpu.dma_semaphore, #tpu.memory_space<semaphore_mem>>) src(%dma_wait3A_66 : memref<100x100xi32, #tpu.memory_space<hbm>>) dst(%arg5 : memref<100x100xi32, #tpu.memory_space<vmem>>)
      tpu.yield
    }) : () -> ()
    %run_scoped3A_12 = arith.constant 1 : i32
    "tpu.region"() ({
      %run_scoped3A_50 = tpu.sem_alloc : memref<!tpu.dma_semaphore, #tpu.memory_space<semaphore_mem>>
      %dma_start3A_51 = arith.constant 0 : i32
      %dma_start3A_52 = arith.constant 0 : i32
      %dma_start3A_53 = tpu.memref_slice %arg3[%run_scoped3A_12, %add3A, %dma_start3A_51, %dma_start3A_52] : memref<2x32x100x100xi32, #tpu.memory_space<hbm>> -> memref<1x1x100x100xi32, #tpu.memory_space<hbm>>
      %dma_start3A_54 = tpu.memref_squeeze %dma_start3A_53 : memref<1x1x100x100xi32, #tpu.memory_space<hbm>> -> memref<100x100xi32, #tpu.memory_space<hbm>>
      %dma_start3A_55 = arith.constant 0 : i32
      %dma_start3A_56 = arith.constant 0 : i32
      %dma_start3A_57 = tpu.memref_slice %arg3[%run_scoped3A_12, %add3A, %dma_start3A_55, %dma_start3A_56] : memref<2x32x100x100xi32, #tpu.memory_space<hbm>> -> memref<1x1x100x100xi32, #tpu.memory_space<hbm>>
      %dma_start3A_58 = tpu.memref_squeeze %dma_start3A_57 : memref<1x1x100x100xi32, #tpu.memory_space<hbm>> -> memref<100x100xi32, #tpu.memory_space<hbm>>
      tpu.enqueue_dma source(%dma_start3A_58 : memref<100x100xi32, #tpu.memory_space<hbm>>) target(%arg6 : memref<100x100xi32, #tpu.memory_space<vmem>>) target_semaphore(%run_scoped3A_50 : memref<!tpu.dma_semaphore, #tpu.memory_space<semaphore_mem>>)
      %dma_wait3A_59 = arith.constant 0 : i32
      %dma_wait3A_60 = arith.constant 0 : i32
      %dma_wait3A_61 = tpu.memref_slice %arg3[%run_scoped3A_12, %add3A, %dma_wait3A_59, %dma_wait3A_60] : memref<2x32x100x100xi32, #tpu.memory_space<hbm>> -> memref<1x1x100x100xi32, #tpu.memory_space<hbm>>
      %dma_wait3A_62 = tpu.memref_squeeze %dma_wait3A_61 : memref<1x1x100x100xi32, #tpu.memory_space<hbm>> -> memref<100x100xi32, #tpu.memory_space<hbm>>
      %dma_wait3A_63 = arith.constant 0 : i32
      %dma_wait3A_64 = arith.constant 0 : i32
      %dma_wait3A_65 = tpu.memref_slice %arg3[%run_scoped3A_12, %add3A, %dma_wait3A_63, %dma_wait3A_64] : memref<2x32x100x100xi32, #tpu.memory_space<hbm>> -> memref<1x1x100x100xi32, #tpu.memory_space<hbm>>
      %dma_wait3A_66 = tpu.memref_squeeze %dma_wait3A_65 : memref<1x1x100x100xi32, #tpu.memory_space<hbm>> -> memref<100x100xi32, #tpu.memory_space<hbm>>
      tpu.wait_dma2 semaphore(%run_scoped3A_50 : memref<!tpu.dma_semaphore, #tpu.memory_space<semaphore_mem>>) src(%dma_wait3A_66 : memref<100x100xi32, #tpu.memory_space<hbm>>) dst(%arg6 : memref<100x100xi32, #tpu.memory_space<vmem>>)
      tpu.yield
    }) : () -> ()
    %barrier3A = arith.constant 0 : index
    tpu.barrier barrier_id(%barrier3A)
    %dma_start3A = arith.constant 0 : i32
    %dma_start3A_13 = arith.constant 0 : i32
    %dma_start3A_14 = tpu.memref_slice %arg5[%dma_start3A, %dma_start3A_13] : memref<100x100xi32, #tpu.memory_space<vmem>> -> memref<1x100xi32, #tpu.memory_space<vmem>>
    %dma_start3A_15 = tpu.memref_squeeze %dma_start3A_14 : memref<1x100xi32, #tpu.memory_space<vmem>> -> memref<100xi32, #tpu.memory_space<vmem>>
    %dma_start3A_16 = arith.constant 0 : i32
    %dma_start3A_17 = arith.constant 0 : i32
    %dma_start3A_18 = tpu.memref_slice %arg2[%dma_start3A_16, %dma_start3A_17] : memref<10000x128xf32, #tpu.memory_space<hbm>> -> memref<10000x128xf32, #tpu.memory_space<hbm>>
    tpu.enqueue_indirect_dma source(%dma_start3A_18 : memref<10000x128xf32, #tpu.memory_space<hbm>>) target(%arg7 : memref<100x128xf32, #tpu.memory_space<vmem>>) offsets(%dma_start3A_15 : memref<100xi32, #tpu.memory_space<vmem>>) semaphore(%arg11 : memref<!tpu.dma_semaphore, #tpu.memory_space<semaphore_mem>>)
    %dma_start3A_19 = arith.constant 1 : i32
    %dma_start3A_20 = arith.constant 0 : i32
    %dma_start3A_21 = tpu.memref_slice %arg5[%dma_start3A_19, %dma_start3A_20] : memref<100x100xi32, #tpu.memory_space<vmem>> -> memref<1x100xi32, #tpu.memory_space<vmem>>
    %dma_start3A_22 = tpu.memref_squeeze %dma_start3A_21 : memref<1x100xi32, #tpu.memory_space<vmem>> -> memref<100xi32, #tpu.memory_space<vmem>>
    %dma_start3A_23 = arith.constant 0 : i32
    %dma_start3A_24 = arith.constant 0 : i32
    %dma_start3A_25 = tpu.memref_slice %arg2[%dma_start3A_23, %dma_start3A_24] : memref<10000x128xf32, #tpu.memory_space<hbm>> -> memref<10000x128xf32, #tpu.memory_space<hbm>>
    tpu.enqueue_indirect_dma source(%dma_start3A_25 : memref<10000x128xf32, #tpu.memory_space<hbm>>) target(%arg8 : memref<100x128xf32, #tpu.memory_space<vmem>>) offsets(%dma_start3A_22 : memref<100xi32, #tpu.memory_space<vmem>>) semaphore(%arg12 : memref<!tpu.dma_semaphore, #tpu.memory_space<semaphore_mem>>)
    %scan3A_26 = arith.constant 0 : i32
    %scan3A_27 = arith.constant 0 : i32
    %scan3A_28 = arith.constant 50 : i32
    %scan3A_29 = arith.addi %scan3A_27, %scan3A_28 : i32
    %scan3A_30 = arith.constant 1 : i32
    scf.for %scan3A_50 = %scan3A_27 to %scan3A_29 step %scan3A_30  : i32 {
      %mul3A_51 = arith.constant 2 : i32
      %mul3A_52 = arith.muli %scan3A_50, %mul3A_51 : i32
      %dma_wait3A_53 = arith.constant 0 : i32
      %dma_wait3A_54 = arith.constant 0 : i32
      %dma_wait3A_55 = tpu.memref_slice %arg5[%dma_wait3A_53, %dma_wait3A_54] : memref<100x100xi32, #tpu.memory_space<vmem>> -> memref<1x100xi32, #tpu.memory_space<vmem>>
      %dma_wait3A_56 = tpu.memref_squeeze %dma_wait3A_55 : memref<1x100xi32, #tpu.memory_space<vmem>> -> memref<100xi32, #tpu.memory_space<vmem>>
      %dma_wait3A_57 = arith.constant 0 : i32
      %dma_wait3A_58 = arith.constant 0 : i32
      %dma_wait3A_59 = tpu.memref_slice %arg2[%dma_wait3A_57, %dma_wait3A_58] : memref<10000x128xf32, #tpu.memory_space<hbm>> -> memref<10000x128xf32, #tpu.memory_space<hbm>>
      tpu.wait_indirect_dma semaphore(%arg11 : memref<!tpu.dma_semaphore, #tpu.memory_space<semaphore_mem>>) src(%dma_wait3A_59 : memref<10000x128xf32, #tpu.memory_space<hbm>>) dst(%arg7 : memref<100x128xf32, #tpu.memory_space<vmem>>)
      %add3A_60 = arith.constant 0 : i32
      %add3A_61 = arith.addi %mul3A_52, %add3A_60 : i32
      %dma_start3A_62 = arith.constant 0 : i32
      %dma_start3A_63 = tpu.memref_slice %arg6[%add3A_61, %dma_start3A_62] : memref<100x100xi32, #tpu.memory_space<vmem>> -> memref<1x100xi32, #tpu.memory_space<vmem>>
      %dma_start3A_64 = tpu.memref_squeeze %dma_start3A_63 : memref<1x100xi32, #tpu.memory_space<vmem>> -> memref<100xi32, #tpu.memory_space<vmem>>
      %dma_start3A_65 = arith.constant 0 : i32
      %dma_start3A_66 = arith.constant 0 : i32
      %dma_start3A_67 = tpu.memref_slice %arg10[%dma_start3A_65, %dma_start3A_66] : memref<10112x128xf32, #tpu.memory_space<vmem_shared>> -> memref<10112x128xf32, #tpu.memory_space<vmem_shared>>
      tpu.enqueue_indirect_dma source(%arg7 : memref<100x128xf32, #tpu.memory_space<vmem>>) target(%dma_start3A_67 : memref<10112x128xf32, #tpu.memory_space<vmem_shared>>) offsets(%dma_start3A_64 : memref<100xi32, #tpu.memory_space<vmem>>) semaphore(%arg13 : memref<!tpu.dma_semaphore, #tpu.memory_space<semaphore_mem>>) {add = true}
      %dma_wait3A_68 = arith.constant 0 : i32
      %dma_wait3A_69 = arith.constant 0 : i32
      %dma_wait3A_70 = tpu.memref_slice %arg5[%dma_wait3A_68, %dma_wait3A_69] : memref<100x100xi32, #tpu.memory_space<vmem>> -> memref<1x100xi32, #tpu.memory_space<vmem>>
      %dma_wait3A_71 = tpu.memref_squeeze %dma_wait3A_70 : memref<1x100xi32, #tpu.memory_space<vmem>> -> memref<100xi32, #tpu.memory_space<vmem>>
      %dma_wait3A_72 = arith.constant 0 : i32
      %dma_wait3A_73 = arith.constant 0 : i32
      %dma_wait3A_74 = tpu.memref_slice %arg2[%dma_wait3A_72, %dma_wait3A_73] : memref<10000x128xf32, #tpu.memory_space<hbm>> -> memref<10000x128xf32, #tpu.memory_space<hbm>>
      tpu.wait_indirect_dma semaphore(%arg12 : memref<!tpu.dma_semaphore, #tpu.memory_space<semaphore_mem>>) src(%dma_wait3A_74 : memref<10000x128xf32, #tpu.memory_space<hbm>>) dst(%arg8 : memref<100x128xf32, #tpu.memory_space<vmem>>)
      %add3A_75 = arith.constant 1 : i32
      %add3A_76 = arith.addi %mul3A_52, %add3A_75 : i32
      %dma_start3A_77 = arith.constant 0 : i32
      %dma_start3A_78 = tpu.memref_slice %arg6[%add3A_76, %dma_start3A_77] : memref<100x100xi32, #tpu.memory_space<vmem>> -> memref<1x100xi32, #tpu.memory_space<vmem>>
      %dma_start3A_79 = tpu.memref_squeeze %dma_start3A_78 : memref<1x100xi32, #tpu.memory_space<vmem>> -> memref<100xi32, #tpu.memory_space<vmem>>
      %dma_start3A_80 = arith.constant 0 : i32
      %dma_start3A_81 = arith.constant 0 : i32
      %dma_start3A_82 = tpu.memref_slice %arg10[%dma_start3A_80, %dma_start3A_81] : memref<10112x128xf32, #tpu.memory_space<vmem_shared>> -> memref<10112x128xf32, #tpu.memory_space<vmem_shared>>
      tpu.enqueue_indirect_dma source(%arg8 : memref<100x128xf32, #tpu.memory_space<vmem>>) target(%dma_start3A_82 : memref<10112x128xf32, #tpu.memory_space<vmem_shared>>) offsets(%dma_start3A_79 : memref<100xi32, #tpu.memory_space<vmem>>) semaphore(%arg14 : memref<!tpu.dma_semaphore, #tpu.memory_space<semaphore_mem>>) {add = true}
      %lt3A = arith.constant 49 : i32
      %lt3A_83 = arith.cmpi slt, %scan3A_50, %lt3A : i32
      %convert_element_type3A = arith.extui %lt3A_83 : i1 to i32
      %cond3A = arith.constant 0 : i32
      %cond3A_84 = arith.cmpi ne, %convert_element_type3A, %cond3A : i32
      scf.if %cond3A_84 {
        %dma_wait3A_85 = arith.constant 0 : i32
        %dma_wait3A_86 = arith.constant 0 : i32
        %dma_wait3A_87 = tpu.memref_slice %arg6[%dma_wait3A_85, %dma_wait3A_86] : memref<100x100xi32, #tpu.memory_space<vmem>> -> memref<1x100xi32, #tpu.memory_space<vmem>>
        %dma_wait3A_88 = tpu.memref_squeeze %dma_wait3A_87 : memref<1x100xi32, #tpu.memory_space<vmem>> -> memref<100xi32, #tpu.memory_space<vmem>>
        %dma_wait3A_89 = arith.constant 0 : i32
        %dma_wait3A_90 = arith.constant 0 : i32
        %dma_wait3A_91 = tpu.memref_slice %arg10[%dma_wait3A_89, %dma_wait3A_90] : memref<10112x128xf32, #tpu.memory_space<vmem_shared>> -> memref<10112x128xf32, #tpu.memory_space<vmem_shared>>
        tpu.wait_indirect_dma semaphore(%arg13 : memref<!tpu.dma_semaphore, #tpu.memory_space<semaphore_mem>>) src(%arg7 : memref<100x128xf32, #tpu.memory_space<vmem>>) dst(%dma_wait3A_91 : memref<10112x128xf32, #tpu.memory_space<vmem_shared>>)
        %add3A_92 = arith.constant 2 : i32
        %add3A_93 = arith.addi %mul3A_52, %add3A_92 : i32
        %add3A_94 = arith.constant 0 : i32
        %add3A_95 = arith.addi %add3A_93, %add3A_94 : i32
        %dma_start3A_96 = arith.constant 0 : i32
        %dma_start3A_97 = tpu.memref_slice %arg5[%add3A_95, %dma_start3A_96] : memref<100x100xi32, #tpu.memory_space<vmem>> -> memref<1x100xi32, #tpu.memory_space<vmem>>
        %dma_start3A_98 = tpu.memref_squeeze %dma_start3A_97 : memref<1x100xi32, #tpu.memory_space<vmem>> -> memref<100xi32, #tpu.memory_space<vmem>>
        %dma_start3A_99 = arith.constant 0 : i32
        %dma_start3A_100 = arith.constant 0 : i32
        %dma_start3A_101 = tpu.memref_slice %arg2[%dma_start3A_99, %dma_start3A_100] : memref<10000x128xf32, #tpu.memory_space<hbm>> -> memref<10000x128xf32, #tpu.memory_space<hbm>>
        tpu.enqueue_indirect_dma source(%dma_start3A_101 : memref<10000x128xf32, #tpu.memory_space<hbm>>) target(%arg7 : memref<100x128xf32, #tpu.memory_space<vmem>>) offsets(%dma_start3A_98 : memref<100xi32, #tpu.memory_space<vmem>>) semaphore(%arg11 : memref<!tpu.dma_semaphore, #tpu.memory_space<semaphore_mem>>)
        %dma_wait3A_102 = arith.constant 0 : i32
        %dma_wait3A_103 = arith.constant 0 : i32
        %dma_wait3A_104 = tpu.memref_slice %arg6[%dma_wait3A_102, %dma_wait3A_103] : memref<100x100xi32, #tpu.memory_space<vmem>> -> memref<1x100xi32, #tpu.memory_space<vmem>>
        %dma_wait3A_105 = tpu.memref_squeeze %dma_wait3A_104 : memref<1x100xi32, #tpu.memory_space<vmem>> -> memref<100xi32, #tpu.memory_space<vmem>>
        %dma_wait3A_106 = arith.constant 0 : i32
        %dma_wait3A_107 = arith.constant 0 : i32
        %dma_wait3A_108 = tpu.memref_slice %arg10[%dma_wait3A_106, %dma_wait3A_107] : memref<10112x128xf32, #tpu.memory_space<vmem_shared>> -> memref<10112x128xf32, #tpu.memory_space<vmem_shared>>
        tpu.wait_indirect_dma semaphore(%arg14 : memref<!tpu.dma_semaphore, #tpu.memory_space<semaphore_mem>>) src(%arg8 : memref<100x128xf32, #tpu.memory_space<vmem>>) dst(%dma_wait3A_108 : memref<10112x128xf32, #tpu.memory_space<vmem_shared>>)
        %add3A_109 = arith.constant 2 : i32
        %add3A_110 = arith.addi %mul3A_52, %add3A_109 : i32
        %add3A_111 = arith.constant 1 : i32
        %add3A_112 = arith.addi %add3A_110, %add3A_111 : i32
        %dma_start3A_113 = arith.constant 0 : i32
        %dma_start3A_114 = tpu.memref_slice %arg5[%add3A_112, %dma_start3A_113] : memref<100x100xi32, #tpu.memory_space<vmem>> -> memref<1x100xi32, #tpu.memory_space<vmem>>
        %dma_start3A_115 = tpu.memref_squeeze %dma_start3A_114 : memref<1x100xi32, #tpu.memory_space<vmem>> -> memref<100xi32, #tpu.memory_space<vmem>>
        %dma_start3A_116 = arith.constant 0 : i32
        %dma_start3A_117 = arith.constant 0 : i32
        %dma_start3A_118 = tpu.memref_slice %arg2[%dma_start3A_116, %dma_start3A_117] : memref<10000x128xf32, #tpu.memory_space<hbm>> -> memref<10000x128xf32, #tpu.memory_space<hbm>>
        tpu.enqueue_indirect_dma source(%dma_start3A_118 : memref<10000x128xf32, #tpu.memory_space<hbm>>) target(%arg8 : memref<100x128xf32, #tpu.memory_space<vmem>>) offsets(%dma_start3A_115 : memref<100xi32, #tpu.memory_space<vmem>>) semaphore(%arg12 : memref<!tpu.dma_semaphore, #tpu.memory_space<semaphore_mem>>)
      } else {
      }
    }
    %scan3A_31 = arith.constant 50 : i32
    %dma_wait3A = arith.constant 0 : i32
    %dma_wait3A_32 = arith.constant 0 : i32
    %dma_wait3A_33 = tpu.memref_slice %arg6[%dma_wait3A, %dma_wait3A_32] : memref<100x100xi32, #tpu.memory_space<vmem>> -> memref<1x100xi32, #tpu.memory_space<vmem>>
    %dma_wait3A_34 = tpu.memref_squeeze %dma_wait3A_33 : memref<1x100xi32, #tpu.memory_space<vmem>> -> memref<100xi32, #tpu.memory_space<vmem>>
    %dma_wait3A_35 = arith.constant 0 : i32
    %dma_wait3A_36 = arith.constant 0 : i32
    %dma_wait3A_37 = tpu.memref_slice %arg10[%dma_wait3A_35, %dma_wait3A_36] : memref<10112x128xf32, #tpu.memory_space<vmem_shared>> -> memref<10112x128xf32, #tpu.memory_space<vmem_shared>>
    tpu.wait_indirect_dma semaphore(%arg13 : memref<!tpu.dma_semaphore, #tpu.memory_space<semaphore_mem>>) src(%arg7 : memref<100x128xf32, #tpu.memory_space<vmem>>) dst(%dma_wait3A_37 : memref<10112x128xf32, #tpu.memory_space<vmem_shared>>)
    %dma_wait3A_38 = arith.constant 0 : i32
    %dma_wait3A_39 = arith.constant 0 : i32
    %dma_wait3A_40 = tpu.memref_slice %arg6[%dma_wait3A_38, %dma_wait3A_39] : memref<100x100xi32, #tpu.memory_space<vmem>> -> memref<1x100xi32, #tpu.memory_space<vmem>>
    %dma_wait3A_41 = tpu.memref_squeeze %dma_wait3A_40 : memref<1x100xi32, #tpu.memory_space<vmem>> -> memref<100xi32, #tpu.memory_space<vmem>>
    %dma_wait3A_42 = arith.constant 0 : i32
    %dma_wait3A_43 = arith.constant 0 : i32
    %dma_wait3A_44 = tpu.memref_slice %arg10[%dma_wait3A_42, %dma_wait3A_43] : memref<10112x128xf32, #tpu.memory_space<vmem_shared>> -> memref<10112x128xf32, #tpu.memory_space<vmem_shared>>
    tpu.wait_indirect_dma semaphore(%arg14 : memref<!tpu.dma_semaphore, #tpu.memory_space<semaphore_mem>>) src(%arg8 : memref<100x128xf32, #tpu.memory_space<vmem>>) dst(%dma_wait3A_44 : memref<10112x128xf32, #tpu.memory_space<vmem_shared>>)
    %barrier3A_45 = arith.constant 0 : index
    tpu.barrier barrier_id(%barrier3A_45)
    %mul3A_46 = arith.constant 632 : i32
    %mul3A_47 = arith.muli %arg1, %mul3A_46 : i32
    %mul3A_48 = arith.constant 632 : i32
    %mul3A_49 = arith.muli %arg1, %mul3A_48 : i32
    "tpu.region"() ({
      %run_scoped3A_50 = tpu.sem_alloc : memref<!tpu.dma_semaphore, #tpu.memory_space<semaphore_mem>>
      %dma_start3A_51 = arith.constant 0 : i32
      %dma_start3A_52 = arith.constant 0 : i32
      %dma_start3A_53 = tpu.memref_slice %arg4[%arg0, %dma_start3A_51, %dma_start3A_52] : memref<2x10112x128xf32, #tpu.memory_space<hbm>> -> memref<1x10112x128xf32, #tpu.memory_space<hbm>>
      %dma_start3A_54 = tpu.memref_squeeze %dma_start3A_53 : memref<1x10112x128xf32, #tpu.memory_space<hbm>> -> memref<10112x128xf32, #tpu.memory_space<hbm>>
      %dma_start3A_55 = arith.constant 0 : i32
      %dma_start3A_56 = tpu.memref_slice %dma_start3A_54[%mul3A_49, %dma_start3A_55] : memref<10112x128xf32, #tpu.memory_space<hbm>> -> memref<632x128xf32, #tpu.memory_space<hbm>>
      %dma_start3A_57 = arith.constant 0 : i32
      %dma_start3A_58 = tpu.memref_slice %arg10[%mul3A_47, %dma_start3A_57] : memref<10112x128xf32, #tpu.memory_space<vmem_shared>> -> memref<632x128xf32, #tpu.memory_space<vmem_shared>>
      tpu.enqueue_dma source(%dma_start3A_58 : memref<632x128xf32, #tpu.memory_space<vmem_shared>>) target(%dma_start3A_56 : memref<632x128xf32, #tpu.memory_space<hbm>>) target_semaphore(%run_scoped3A_50 : memref<!tpu.dma_semaphore, #tpu.memory_space<semaphore_mem>>)
      %dma_wait3A_59 = arith.constant 0 : i32
      %dma_wait3A_60 = arith.constant 0 : i32
      %dma_wait3A_61 = tpu.memref_slice %arg4[%arg0, %dma_wait3A_59, %dma_wait3A_60] : memref<2x10112x128xf32, #tpu.memory_space<hbm>> -> memref<1x10112x128xf32, #tpu.memory_space<hbm>>
      %dma_wait3A_62 = tpu.memref_squeeze %dma_wait3A_61 : memref<1x10112x128xf32, #tpu.memory_space<hbm>> -> memref<10112x128xf32, #tpu.memory_space<hbm>>
      %dma_wait3A_63 = arith.constant 0 : i32
      %dma_wait3A_64 = tpu.memref_slice %dma_wait3A_62[%mul3A_49, %dma_wait3A_63] : memref<10112x128xf32, #tpu.memory_space<hbm>> -> memref<632x128xf32, #tpu.memory_space<hbm>>
      %dma_wait3A_65 = arith.constant 0 : i32
      %dma_wait3A_66 = tpu.memref_slice %arg10[%mul3A_47, %dma_wait3A_65] : memref<10112x128xf32, #tpu.memory_space<vmem_shared>> -> memref<632x128xf32, #tpu.memory_space<vmem_shared>>
      tpu.wait_dma2 semaphore(%run_scoped3A_50 : memref<!tpu.dma_semaphore, #tpu.memory_space<semaphore_mem>>) src(%dma_wait3A_66 : memref<632x128xf32, #tpu.memory_space<vmem_shared>>) dst(%dma_wait3A_64 : memref<632x128xf32, #tpu.memory_space<hbm>>)
      tpu.yield
    }) : () -> ()
    return
  }
}

#map = affine_map<(d0, d1) -> (0, 0)>
#map1 = affine_map<(d0, d1) -> (0, 0, 0, 0)>
#map2 = affine_map<(d0, d1) -> (0, 0, 0)>
module attributes {stable_mosaic.version = 14 : i64} {
  func.func @k(%arg0: i32, %arg1: i32, %arg2: memref<10000x128xf32, #tpu.memory_space<hbm>>, %arg3: memref<2x32x100x100xi32, #tpu.memory_space<hbm>>, %arg4: memref<2x10112x128xf32, #tpu.memory_space<hbm>>, %arg5: memref<100x100xi32, #tpu.memory_space<vmem>>, %arg6: memref<100x100xi32, #tpu.memory_space<vmem>>, %arg7: memref<100x128xf32, #tpu.memory_space<vmem>>, %arg8: memref<100x128xf32, #tpu.memory_space<vmem>>, %arg9: memref<8x128xf32, #tpu.memory_space<vmem>>, %arg10: memref<10112x128xf32, #tpu.memory_space<vmem_shared>>, %arg11: memref<!tpu.dma_semaphore, #tpu.memory_space<semaphore_mem>>, %arg12: memref<!tpu.dma_semaphore, #tpu.memory_space<semaphore_mem>>, %arg13: memref<!tpu.dma_semaphore, #tpu.memory_space<semaphore_mem>>, %arg14: memref<!tpu.dma_semaphore, #tpu.memory_space<semaphore_mem>>) attributes {dimension_semantics = [#tpu.dimension_semantics<core_parallel>, #tpu.dimension_semantics<subcore_parallel>], iteration_bounds = array<i64: 2, 16>, scalar_prefetch = 0 : i64, scratch_operands = 10 : i64, tpu.core_type = #tpu.core_type<sc_vector_subcore>, window_params = [{transform_indices = #map}, {transform_indices = #map1}, {transform_indices = #map2}]} {
    %mul3A = arith.constant 2 : i32
    %mul3A_0 = arith.muli %arg1, %mul3A : i32
    %add3A = arith.addi %mul3A_0, %arg0 : i32
    %scan3A = arith.constant 0 : i32
    %scan3A_1 = arith.constant 0 : i32
    %scan3A_2 = arith.constant 8 : i32
    %scan3A_3 = arith.addi %scan3A_1, %scan3A_2 : i32
    %scan3A_4 = arith.constant 1 : i32
    scf.for %scan3A_50 = %scan3A_1 to %scan3A_3 step %scan3A_4  : i32 {
      %broadcast_in_dim3A = arith.constant 0.000000e+00 : f32
      %broadcast_in_dim3A_51 = vector.broadcast %broadcast_in_dim3A : f32 to vector<16xf32>
      %swap3A = arith.index_cast %scan3A_50 : i32 to index
      %swap3A_52 = arith.constant 0 : index
      %swap3A_53 = tpu.vector_load %arg9[%swap3A, %swap3A_52] {strides = array<i32>} : memref<8x128xf32, #tpu.memory_space<vmem>>, vector<1x16xf32>,
      %swap3A_54 = vector.shape_cast %swap3A_53 : vector<1x16xf32> to vector<16xf32>
      %swap3A_55 = vector.shape_cast %broadcast_in_dim3A_51 : vector<16xf32> to vector<1x16xf32>
      tpu.vector_store %arg9[%swap3A, %swap3A_52], %swap3A_55 {strides = array<i32>} : memref<8x128xf32, #tpu.memory_space<vmem>>, vector<1x16xf32>,
      %broadcast_in_dim3A_56 = arith.constant 0.000000e+00 : f32
      %broadcast_in_dim3A_57 = vector.broadcast %broadcast_in_dim3A_56 : f32 to vector<16xf32>
      %swap3A_58 = arith.index_cast %scan3A_50 : i32 to index
      %swap3A_59 = arith.constant 16 : index
      %swap3A_60 = tpu.vector_load %arg9[%swap3A_58, %swap3A_59] {strides = array<i32>} : memref<8x128xf32, #tpu.memory_space<vmem>>, vector<1x16xf32>,
      %swap3A_61 = vector.shape_cast %swap3A_60 : vector<1x16xf32> to vector<16xf32>
      %swap3A_62 = vector.shape_cast %broadcast_in_dim3A_57 : vector<16xf32> to vector<1x16xf32>
      tpu.vector_store %arg9[%swap3A_58, %swap3A_59], %swap3A_62 {strides = array<i32>} : memref<8x128xf32, #tpu.memory_space<vmem>>, vector<1x16xf32>,
      %broadcast_in_dim3A_63 = arith.constant 0.000000e+00 : f32
      %broadcast_in_dim3A_64 = vector.broadcast %broadcast_in_dim3A_63 : f32 to vector<16xf32>
      %swap3A_65 = arith.index_cast %scan3A_50 : i32 to index
      %swap3A_66 = arith.constant 32 : index
      %swap3A_67 = tpu.vector_load %arg9[%swap3A_65, %swap3A_66] {strides = array<i32>} : memref<8x128xf32, #tpu.memory_space<vmem>>, vector<1x16xf32>,
      %swap3A_68 = vector.shape_cast %swap3A_67 : vector<1x16xf32> to vector<16xf32>
      %swap3A_69 = vector.shape_cast %broadcast_in_dim3A_64 : vector<16xf32> to vector<1x16xf32>
      tpu.vector_store %arg9[%swap3A_65, %swap3A_66], %swap3A_69 {strides = array<i32>} : memref<8x128xf32, #tpu.memory_space<vmem>>, vector<1x16xf32>,
      %broadcast_in_dim3A_70 = arith.constant 0.000000e+00 : f32
      %broadcast_in_dim3A_71 = vector.broadcast %broadcast_in_dim3A_70 : f32 to vector<16xf32>
      %swap3A_72 = arith.index_cast %scan3A_50 : i32 to index
      %swap3A_73 = arith.constant 48 : index
      %swap3A_74 = tpu.vector_load %arg9[%swap3A_72, %swap3A_73] {strides = array<i32>} : memref<8x128xf32, #tpu.memory_space<vmem>>, vector<1x16xf32>,
      %swap3A_75 = vector.shape_cast %swap3A_74 : vector<1x16xf32> to vector<16xf32>
      %swap3A_76 = vector.shape_cast %broadcast_in_dim3A_71 : vector<16xf32> to vector<1x16xf32>
      tpu.vector_store %arg9[%swap3A_72, %swap3A_73], %swap3A_76 {strides = array<i32>} : memref<8x128xf32, #tpu.memory_space<vmem>>, vector<1x16xf32>,
      %broadcast_in_dim3A_77 = arith.constant 0.000000e+00 : f32
      %broadcast_in_dim3A_78 = vector.broadcast %broadcast_in_dim3A_77 : f32 to vector<16xf32>
      %swap3A_79 = arith.index_cast %scan3A_50 : i32 to index
      %swap3A_80 = arith.constant 64 : index
      %swap3A_81 = tpu.vector_load %arg9[%swap3A_79, %swap3A_80] {strides = array<i32>} : memref<8x128xf32, #tpu.memory_space<vmem>>, vector<1x16xf32>,
      %swap3A_82 = vector.shape_cast %swap3A_81 : vector<1x16xf32> to vector<16xf32>
      %swap3A_83 = vector.shape_cast %broadcast_in_dim3A_78 : vector<16xf32> to vector<1x16xf32>
      tpu.vector_store %arg9[%swap3A_79, %swap3A_80], %swap3A_83 {strides = array<i32>} : memref<8x128xf32, #tpu.memory_space<vmem>>, vector<1x16xf32>,
      %broadcast_in_dim3A_84 = arith.constant 0.000000e+00 : f32
      %broadcast_in_dim3A_85 = vector.broadcast %broadcast_in_dim3A_84 : f32 to vector<16xf32>
      %swap3A_86 = arith.index_cast %scan3A_50 : i32 to index
      %swap3A_87 = arith.constant 80 : index
      %swap3A_88 = tpu.vector_load %arg9[%swap3A_86, %swap3A_87] {strides = array<i32>} : memref<8x128xf32, #tpu.memory_space<vmem>>, vector<1x16xf32>,
      %swap3A_89 = vector.shape_cast %swap3A_88 : vector<1x16xf32> to vector<16xf32>
      %swap3A_90 = vector.shape_cast %broadcast_in_dim3A_85 : vector<16xf32> to vector<1x16xf32>
      tpu.vector_store %arg9[%swap3A_86, %swap3A_87], %swap3A_90 {strides = array<i32>} : memref<8x128xf32, #tpu.memory_space<vmem>>, vector<1x16xf32>,
      %broadcast_in_dim3A_91 = arith.constant 0.000000e+00 : f32
      %broadcast_in_dim3A_92 = vector.broadcast %broadcast_in_dim3A_91 : f32 to vector<16xf32>
      %swap3A_93 = arith.index_cast %scan3A_50 : i32 to index
      %swap3A_94 = arith.constant 96 : index
      %swap3A_95 = tpu.vector_load %arg9[%swap3A_93, %swap3A_94] {strides = array<i32>} : memref<8x128xf32, #tpu.memory_space<vmem>>, vector<1x16xf32>,
      %swap3A_96 = vector.shape_cast %swap3A_95 : vector<1x16xf32> to vector<16xf32>
      %swap3A_97 = vector.shape_cast %broadcast_in_dim3A_92 : vector<16xf32> to vector<1x16xf32>
      tpu.vector_store %arg9[%swap3A_93, %swap3A_94], %swap3A_97 {strides = array<i32>} : memref<8x128xf32, #tpu.memory_space<vmem>>, vector<1x16xf32>,
      %broadcast_in_dim3A_98 = arith.constant 0.000000e+00 : f32
      %broadcast_in_dim3A_99 = vector.broadcast %broadcast_in_dim3A_98 : f32 to vector<16xf32>
      %swap3A_100 = arith.index_cast %scan3A_50 : i32 to index
      %swap3A_101 = arith.constant 112 : index
      %swap3A_102 = tpu.vector_load %arg9[%swap3A_100, %swap3A_101] {strides = array<i32>} : memref<8x128xf32, #tpu.memory_space<vmem>>, vector<1x16xf32>,
      %swap3A_103 = vector.shape_cast %swap3A_102 : vector<1x16xf32> to vector<16xf32>
      %swap3A_104 = vector.shape_cast %broadcast_in_dim3A_99 : vector<16xf32> to vector<1x16xf32>
      tpu.vector_store %arg9[%swap3A_100, %swap3A_101], %swap3A_104 {strides = array<i32>} : memref<8x128xf32, #tpu.memory_space<vmem>>, vector<1x16xf32>,
    }
    %scan3A_5 = arith.constant 8 : i32
    %scan3A_6 = arith.constant 0 : i32
    %scan3A_7 = arith.constant 0 : i32
    %scan3A_8 = arith.constant 79 : i32
    %scan3A_9 = arith.addi %scan3A_7, %scan3A_8 : i32
    %scan3A_10 = arith.constant 1 : i32
    scf.for %scan3A_50 = %scan3A_7 to %scan3A_9 step %scan3A_10  : i32 {
      %mul3A_51 = arith.constant 632 : i32
      %mul3A_52 = arith.muli %arg1, %mul3A_51 : i32
      %mul3A_53 = arith.constant 8 : i32
      %mul3A_54 = arith.muli %scan3A_50, %mul3A_53 : i32
      %add3A_55 = arith.addi %mul3A_52, %mul3A_54 : i32
      "tpu.region"() ({
        %run_scoped3A_56 = tpu.sem_alloc : memref<!tpu.dma_semaphore, #tpu.memory_space<semaphore_mem>>
        %dma_start3A_57 = arith.constant 0 : i32
        %dma_start3A_58 = tpu.memref_slice %arg10[%add3A_55, %dma_start3A_57] : memref<10112x128xf32, #tpu.memory_space<vmem_shared>> -> memref<8x128xf32, #tpu.memory_space<vmem_shared>>
        %dma_start3A_59 = arith.constant 0 : i32
        %dma_start3A_60 = tpu.memref_slice %arg10[%add3A_55, %dma_start3A_59] : memref<10112x128xf32, #tpu.memory_space<vmem_shared>> -> memref<8x128xf32, #tpu.memory_space<vmem_shared>>
        tpu.enqueue_dma source(%arg9 : memref<8x128xf32, #tpu.memory_space<vmem>>) target(%dma_start3A_60 : memref<8x128xf32, #tpu.memory_space<vmem_shared>>) target_semaphore(%run_scoped3A_56 : memref<!tpu.dma_semaphore, #tpu.memory_space<semaphore_mem>>)
        %dma_wait3A_61 = arith.constant 0 : i32
        %dma_wait3A_62 = tpu.memref_slice %arg10[%add3A_55, %dma_wait3A_61] : memref<10112x128xf32, #tpu.memory_space<vmem_shared>> -> memref<8x128xf32, #tpu.memory_space<vmem_shared>>
        %dma_wait3A_63 = arith.constant 0 : i32
        %dma_wait3A_64 = tpu.memref_slice %arg10[%add3A_55, %dma_wait3A_63] : memref<10112x128xf32, #tpu.memory_space<vmem_shared>> -> memref<8x128xf32, #tpu.memory_space<vmem_shared>>
        tpu.wait_dma2 semaphore(%run_scoped3A_56 : memref<!tpu.dma_semaphore, #tpu.memory_space<semaphore_mem>>) src(%arg9 : memref<8x128xf32, #tpu.memory_space<vmem>>) dst(%dma_wait3A_64 : memref<8x128xf32, #tpu.memory_space<vmem_shared>>)
        tpu.yield
      }) : () -> ()
    }
    %scan3A_11 = arith.constant 79 : i32
    %run_scoped3A = arith.constant 0 : i32
    "tpu.region"() ({
      %run_scoped3A_50 = tpu.sem_alloc : memref<!tpu.dma_semaphore, #tpu.memory_space<semaphore_mem>>
      %dma_start3A_51 = arith.constant 0 : i32
      %dma_start3A_52 = arith.constant 0 : i32
      %dma_start3A_53 = tpu.memref_slice %arg3[%run_scoped3A, %add3A, %dma_start3A_51, %dma_start3A_52] : memref<2x32x100x100xi32, #tpu.memory_space<hbm>> -> memref<1x1x100x100xi32, #tpu.memory_space<hbm>>
      %dma_start3A_54 = tpu.memref_squeeze %dma_start3A_53 : memref<1x1x100x100xi32, #tpu.memory_space<hbm>> -> memref<100x100xi32, #tpu.memory_space<hbm>>
      %dma_start3A_55 = arith.constant 0 : i32
      %dma_start3A_56 = arith.constant 0 : i32
      %dma_start3A_57 = tpu.memref_slice %arg3[%run_scoped3A, %add3A, %dma_start3A_55, %dma_start3A_56] : memref<2x32x100x100xi32, #tpu.memory_space<hbm>> -> memref<1x1x100x100xi32, #tpu.memory_space<hbm>>
      %dma_start3A_58 = tpu.memref_squeeze %dma_start3A_57 : memref<1x1x100x100xi32, #tpu.memory_space<hbm>> -> memref<100x100xi32, #tpu.memory_space<hbm>>
      tpu.enqueue_dma source(%dma_start3A_58 : memref<100x100xi32, #tpu.memory_space<hbm>>) target(%arg5 : memref<100x100xi32, #tpu.memory_space<vmem>>) target_semaphore(%run_scoped3A_50 : memref<!tpu.dma_semaphore, #tpu.memory_space<semaphore_mem>>)
      %dma_wait3A_59 = arith.constant 0 : i32
      %dma_wait3A_60 = arith.constant 0 : i32
      %dma_wait3A_61 = tpu.memref_slice %arg3[%run_scoped3A, %add3A, %dma_wait3A_59, %dma_wait3A_60] : memref<2x32x100x100xi32, #tpu.memory_space<hbm>> -> memref<1x1x100x100xi32, #tpu.memory_space<hbm>>
      %dma_wait3A_62 = tpu.memref_squeeze %dma_wait3A_61 : memref<1x1x100x100xi32, #tpu.memory_space<hbm>> -> memref<100x100xi32, #tpu.memory_space<hbm>>
      %dma_wait3A_63 = arith.constant 0 : i32
      %dma_wait3A_64 = arith.constant 0 : i32
      %dma_wait3A_65 = tpu.memref_slice %arg3[%run_scoped3A, %add3A, %dma_wait3A_63, %dma_wait3A_64] : memref<2x32x100x100xi32, #tpu.memory_space<hbm>> -> memref<1x1x100x100xi32, #tpu.memory_space<hbm>>
      %dma_wait3A_66 = tpu.memref_squeeze %dma_wait3A_65 : memref<1x1x100x100xi32, #tpu.memory_space<hbm>> -> memref<100x100xi32, #tpu.memory_space<hbm>>
      tpu.wait_dma2 semaphore(%run_scoped3A_50 : memref<!tpu.dma_semaphore, #tpu.memory_space<semaphore_mem>>) src(%dma_wait3A_66 : memref<100x100xi32, #tpu.memory_space<hbm>>) dst(%arg5 : memref<100x100xi32, #tpu.memory_space<vmem>>)
      tpu.yield
    }) : () -> ()
    %run_scoped3A_12 = arith.constant 1 : i32
    "tpu.region"() ({
      %run_scoped3A_50 = tpu.sem_alloc : memref<!tpu.dma_semaphore, #tpu.memory_space<semaphore_mem>>
      %dma_start3A_51 = arith.constant 0 : i32
      %dma_start3A_52 = arith.constant 0 : i32
      %dma_start3A_53 = tpu.memref_slice %arg3[%run_scoped3A_12, %add3A, %dma_start3A_51, %dma_start3A_52] : memref<2x32x100x100xi32, #tpu.memory_space<hbm>> -> memref<1x1x100x100xi32, #tpu.memory_space<hbm>>
      %dma_start3A_54 = tpu.memref_squeeze %dma_start3A_53 : memref<1x1x100x100xi32, #tpu.memory_space<hbm>> -> memref<100x100xi32, #tpu.memory_space<hbm>>
      %dma_start3A_55 = arith.constant 0 : i32
      %dma_start3A_56 = arith.constant 0 : i32
      %dma_start3A_57 = tpu.memref_slice %arg3[%run_scoped3A_12, %add3A, %dma_start3A_55, %dma_start3A_56] : memref<2x32x100x100xi32, #tpu.memory_space<hbm>> -> memref<1x1x100x100xi32, #tpu.memory_space<hbm>>
      %dma_start3A_58 = tpu.memref_squeeze %dma_start3A_57 : memref<1x1x100x100xi32, #tpu.memory_space<hbm>> -> memref<100x100xi32, #tpu.memory_space<hbm>>
      tpu.enqueue_dma source(%dma_start3A_58 : memref<100x100xi32, #tpu.memory_space<hbm>>) target(%arg6 : memref<100x100xi32, #tpu.memory_space<vmem>>) target_semaphore(%run_scoped3A_50 : memref<!tpu.dma_semaphore, #tpu.memory_space<semaphore_mem>>)
      %dma_wait3A_59 = arith.constant 0 : i32
      %dma_wait3A_60 = arith.constant 0 : i32
      %dma_wait3A_61 = tpu.memref_slice %arg3[%run_scoped3A_12, %add3A, %dma_wait3A_59, %dma_wait3A_60] : memref<2x32x100x100xi32, #tpu.memory_space<hbm>> -> memref<1x1x100x100xi32, #tpu.memory_space<hbm>>
      %dma_wait3A_62 = tpu.memref_squeeze %dma_wait3A_61 : memref<1x1x100x100xi32, #tpu.memory_space<hbm>> -> memref<100x100xi32, #tpu.memory_space<hbm>>
      %dma_wait3A_63 = arith.constant 0 : i32
      %dma_wait3A_64 = arith.constant 0 : i32
      %dma_wait3A_65 = tpu.memref_slice %arg3[%run_scoped3A_12, %add3A, %dma_wait3A_63, %dma_wait3A_64] : memref<2x32x100x100xi32, #tpu.memory_space<hbm>> -> memref<1x1x100x100xi32, #tpu.memory_space<hbm>>
      %dma_wait3A_66 = tpu.memref_squeeze %dma_wait3A_65 : memref<1x1x100x100xi32, #tpu.memory_space<hbm>> -> memref<100x100xi32, #tpu.memory_space<hbm>>
      tpu.wait_dma2 semaphore(%run_scoped3A_50 : memref<!tpu.dma_semaphore, #tpu.memory_space<semaphore_mem>>) src(%dma_wait3A_66 : memref<100x100xi32, #tpu.memory_space<hbm>>) dst(%arg6 : memref<100x100xi32, #tpu.memory_space<vmem>>)
      tpu.yield
    }) : () -> ()
    %barrier3A = arith.constant 0 : index
    tpu.barrier barrier_id(%barrier3A)
    %dma_start3A = arith.constant 0 : i32
    %dma_start3A_13 = arith.constant 0 : i32
    %dma_start3A_14 = tpu.memref_slice %arg5[%dma_start3A, %dma_start3A_13] : memref<100x100xi32, #tpu.memory_space<vmem>> -> memref<1x100xi32, #tpu.memory_space<vmem>>
    %dma_start3A_15 = tpu.memref_squeeze %dma_start3A_14 : memref<1x100xi32, #tpu.memory_space<vmem>> -> memref<100xi32, #tpu.memory_space<vmem>>
    %dma_start3A_16 = arith.constant 0 : i32
    %dma_start3A_17 = arith.constant 0 : i32
    %dma_start3A_18 = tpu.memref_slice %arg2[%dma_start3A_16, %dma_start3A_17] : memref<10000x128xf32, #tpu.memory_space<hbm>> -> memref<10000x128xf32, #tpu.memory_space<hbm>>
    tpu.enqueue_indirect_dma source(%dma_start3A_18 : memref<10000x128xf32, #tpu.memory_space<hbm>>) target(%arg7 : memref<100x128xf32, #tpu.memory_space<vmem>>) offsets(%dma_start3A_15 : memref<100xi32, #tpu.memory_space<vmem>>) semaphore(%arg11 : memref<!tpu.dma_semaphore, #tpu.memory_space<semaphore_mem>>)
    %dma_start3A_19 = arith.constant 1 : i32
    %dma_start3A_20 = arith.constant 0 : i32
    %dma_start3A_21 = tpu.memref_slice %arg5[%dma_start3A_19, %dma_start3A_20] : memref<100x100xi32, #tpu.memory_space<vmem>> -> memref<1x100xi32, #tpu.memory_space<vmem>>
    %dma_start3A_22 = tpu.memref_squeeze %dma_start3A_21 : memref<1x100xi32, #tpu.memory_space<vmem>> -> memref<100xi32, #tpu.memory_space<vmem>>
    %dma_start3A_23 = arith.constant 0 : i32
    %dma_start3A_24 = arith.constant 0 : i32
    %dma_start3A_25 = tpu.memref_slice %arg2[%dma_start3A_23, %dma_start3A_24] : memref<10000x128xf32, #tpu.memory_space<hbm>> -> memref<10000x128xf32, #tpu.memory_space<hbm>>
    tpu.enqueue_indirect_dma source(%dma_start3A_25 : memref<10000x128xf32, #tpu.memory_space<hbm>>) target(%arg8 : memref<100x128xf32, #tpu.memory_space<vmem>>) offsets(%dma_start3A_22 : memref<100xi32, #tpu.memory_space<vmem>>) semaphore(%arg12 : memref<!tpu.dma_semaphore, #tpu.memory_space<semaphore_mem>>)
    %scan3A_26 = arith.constant 0 : i32
    %scan3A_27 = arith.constant 0 : i32
    %scan3A_28 = arith.constant 50 : i32
    %scan3A_29 = arith.addi %scan3A_27, %scan3A_28 : i32
    %scan3A_30 = arith.constant 1 : i32
    scf.for %scan3A_50 = %scan3A_27 to %scan3A_29 step %scan3A_30  : i32 {
      %mul3A_51 = arith.constant 2 : i32
      %mul3A_52 = arith.muli %scan3A_50, %mul3A_51 : i32
      %dma_wait3A_53 = arith.constant 0 : i32
      %dma_wait3A_54 = arith.constant 0 : i32
      %dma_wait3A_55 = tpu.memref_slice %arg5[%dma_wait3A_53, %dma_wait3A_54] : memref<100x100xi32, #tpu.memory_space<vmem>> -> memref<1x100xi32, #tpu.memory_space<vmem>>
      %dma_wait3A_56 = tpu.memref_squeeze %dma_wait3A_55 : memref<1x100xi32, #tpu.memory_space<vmem>> -> memref<100xi32, #tpu.memory_space<vmem>>
      %dma_wait3A_57 = arith.constant 0 : i32
      %dma_wait3A_58 = arith.constant 0 : i32
      %dma_wait3A_59 = tpu.memref_slice %arg2[%dma_wait3A_57, %dma_wait3A_58] : memref<10000x128xf32, #tpu.memory_space<hbm>> -> memref<10000x128xf32, #tpu.memory_space<hbm>>
      tpu.wait_indirect_dma semaphore(%arg11 : memref<!tpu.dma_semaphore, #tpu.memory_space<semaphore_mem>>) src(%dma_wait3A_59 : memref<10000x128xf32, #tpu.memory_space<hbm>>) dst(%arg7 : memref<100x128xf32, #tpu.memory_space<vmem>>)
      %add3A_60 = arith.constant 0 : i32
      %add3A_61 = arith.addi %mul3A_52, %add3A_60 : i32
      %dma_start3A_62 = arith.constant 0 : i32
      %dma_start3A_63 = tpu.memref_slice %arg6[%add3A_61, %dma_start3A_62] : memref<100x100xi32, #tpu.memory_space<vmem>> -> memref<1x100xi32, #tpu.memory_space<vmem>>
      %dma_start3A_64 = tpu.memref_squeeze %dma_start3A_63 : memref<1x100xi32, #tpu.memory_space<vmem>> -> memref<100xi32, #tpu.memory_space<vmem>>
      %dma_start3A_65 = arith.constant 0 : i32
      %dma_start3A_66 = arith.constant 0 : i32
      %dma_start3A_67 = tpu.memref_slice %arg10[%dma_start3A_65, %dma_start3A_66] : memref<10112x128xf32, #tpu.memory_space<vmem_shared>> -> memref<10112x128xf32, #tpu.memory_space<vmem_shared>>
      tpu.enqueue_indirect_dma source(%arg7 : memref<100x128xf32, #tpu.memory_space<vmem>>) target(%dma_start3A_67 : memref<10112x128xf32, #tpu.memory_space<vmem_shared>>) offsets(%dma_start3A_64 : memref<100xi32, #tpu.memory_space<vmem>>) semaphore(%arg13 : memref<!tpu.dma_semaphore, #tpu.memory_space<semaphore_mem>>) {add = true}
      %dma_wait3A_68 = arith.constant 0 : i32
      %dma_wait3A_69 = arith.constant 0 : i32
      %dma_wait3A_70 = tpu.memref_slice %arg5[%dma_wait3A_68, %dma_wait3A_69] : memref<100x100xi32, #tpu.memory_space<vmem>> -> memref<1x100xi32, #tpu.memory_space<vmem>>
      %dma_wait3A_71 = tpu.memref_squeeze %dma_wait3A_70 : memref<1x100xi32, #tpu.memory_space<vmem>> -> memref<100xi32, #tpu.memory_space<vmem>>
      %dma_wait3A_72 = arith.constant 0 : i32
      %dma_wait3A_73 = arith.constant 0 : i32
      %dma_wait3A_74 = tpu.memref_slice %arg2[%dma_wait3A_72, %dma_wait3A_73] : memref<10000x128xf32, #tpu.memory_space<hbm>> -> memref<10000x128xf32, #tpu.memory_space<hbm>>
      tpu.wait_indirect_dma semaphore(%arg12 : memref<!tpu.dma_semaphore, #tpu.memory_space<semaphore_mem>>) src(%dma_wait3A_74 : memref<10000x128xf32, #tpu.memory_space<hbm>>) dst(%arg8 : memref<100x128xf32, #tpu.memory_space<vmem>>)
      %add3A_75 = arith.constant 1 : i32
      %add3A_76 = arith.addi %mul3A_52, %add3A_75 : i32
      %dma_start3A_77 = arith.constant 0 : i32
      %dma_start3A_78 = tpu.memref_slice %arg6[%add3A_76, %dma_start3A_77] : memref<100x100xi32, #tpu.memory_space<vmem>> -> memref<1x100xi32, #tpu.memory_space<vmem>>
      %dma_start3A_79 = tpu.memref_squeeze %dma_start3A_78 : memref<1x100xi32, #tpu.memory_space<vmem>> -> memref<100xi32, #tpu.memory_space<vmem>>
      %dma_start3A_80 = arith.constant 0 : i32
      %dma_start3A_81 = arith.constant 0 : i32
      %dma_start3A_82 = tpu.memref_slice %arg10[%dma_start3A_80, %dma_start3A_81] : memref<10112x128xf32, #tpu.memory_space<vmem_shared>> -> memref<10112x128xf32, #tpu.memory_space<vmem_shared>>
      tpu.enqueue_indirect_dma source(%arg8 : memref<100x128xf32, #tpu.memory_space<vmem>>) target(%dma_start3A_82 : memref<10112x128xf32, #tpu.memory_space<vmem_shared>>) offsets(%dma_start3A_79 : memref<100xi32, #tpu.memory_space<vmem>>) semaphore(%arg14 : memref<!tpu.dma_semaphore, #tpu.memory_space<semaphore_mem>>) {add = true}
      %lt3A = arith.constant 49 : i32
      %lt3A_83 = arith.cmpi slt, %scan3A_50, %lt3A : i32
      %convert_element_type3A = arith.extui %lt3A_83 : i1 to i32
      %cond3A = arith.constant 0 : i32
      %cond3A_84 = arith.cmpi ne, %convert_element_type3A, %cond3A : i32
      scf.if %cond3A_84 {
        %dma_wait3A_85 = arith.constant 0 : i32
        %dma_wait3A_86 = arith.constant 0 : i32
        %dma_wait3A_87 = tpu.memref_slice %arg6[%dma_wait3A_85, %dma_wait3A_86] : memref<100x100xi32, #tpu.memory_space<vmem>> -> memref<1x100xi32, #tpu.memory_space<vmem>>
        %dma_wait3A_88 = tpu.memref_squeeze %dma_wait3A_87 : memref<1x100xi32, #tpu.memory_space<vmem>> -> memref<100xi32, #tpu.memory_space<vmem>>
        %dma_wait3A_89 = arith.constant 0 : i32
        %dma_wait3A_90 = arith.constant 0 : i32
        %dma_wait3A_91 = tpu.memref_slice %arg10[%dma_wait3A_89, %dma_wait3A_90] : memref<10112x128xf32, #tpu.memory_space<vmem_shared>> -> memref<10112x128xf32, #tpu.memory_space<vmem_shared>>
        tpu.wait_indirect_dma semaphore(%arg13 : memref<!tpu.dma_semaphore, #tpu.memory_space<semaphore_mem>>) src(%arg7 : memref<100x128xf32, #tpu.memory_space<vmem>>) dst(%dma_wait3A_91 : memref<10112x128xf32, #tpu.memory_space<vmem_shared>>)
        %add3A_92 = arith.constant 2 : i32
        %add3A_93 = arith.addi %mul3A_52, %add3A_92 : i32
        %add3A_94 = arith.constant 0 : i32
        %add3A_95 = arith.addi %add3A_93, %add3A_94 : i32
        %dma_start3A_96 = arith.constant 0 : i32
        %dma_start3A_97 = tpu.memref_slice %arg5[%add3A_95, %dma_start3A_96] : memref<100x100xi32, #tpu.memory_space<vmem>> -> memref<1x100xi32, #tpu.memory_space<vmem>>
        %dma_start3A_98 = tpu.memref_squeeze %dma_start3A_97 : memref<1x100xi32, #tpu.memory_space<vmem>> -> memref<100xi32, #tpu.memory_space<vmem>>
        %dma_start3A_99 = arith.constant 0 : i32
        %dma_start3A_100 = arith.constant 0 : i32
        %dma_start3A_101 = tpu.memref_slice %arg2[%dma_start3A_99, %dma_start3A_100] : memref<10000x128xf32, #tpu.memory_space<hbm>> -> memref<10000x128xf32, #tpu.memory_space<hbm>>
        tpu.enqueue_indirect_dma source(%dma_start3A_101 : memref<10000x128xf32, #tpu.memory_space<hbm>>) target(%arg7 : memref<100x128xf32, #tpu.memory_space<vmem>>) offsets(%dma_start3A_98 : memref<100xi32, #tpu.memory_space<vmem>>) semaphore(%arg11 : memref<!tpu.dma_semaphore, #tpu.memory_space<semaphore_mem>>)
        %dma_wait3A_102 = arith.constant 0 : i32
        %dma_wait3A_103 = arith.constant 0 : i32
        %dma_wait3A_104 = tpu.memref_slice %arg6[%dma_wait3A_102, %dma_wait3A_103] : memref<100x100xi32, #tpu.memory_space<vmem>> -> memref<1x100xi32, #tpu.memory_space<vmem>>
        %dma_wait3A_105 = tpu.memref_squeeze %dma_wait3A_104 : memref<1x100xi32, #tpu.memory_space<vmem>> -> memref<100xi32, #tpu.memory_space<vmem>>
        %dma_wait3A_106 = arith.constant 0 : i32
        %dma_wait3A_107 = arith.constant 0 : i32
        %dma_wait3A_108 = tpu.memref_slice %arg10[%dma_wait3A_106, %dma_wait3A_107] : memref<10112x128xf32, #tpu.memory_space<vmem_shared>> -> memref<10112x128xf32, #tpu.memory_space<vmem_shared>>
        tpu.wait_indirect_dma semaphore(%arg14 : memref<!tpu.dma_semaphore, #tpu.memory_space<semaphore_mem>>) src(%arg8 : memref<100x128xf32, #tpu.memory_space<vmem>>) dst(%dma_wait3A_108 : memref<10112x128xf32, #tpu.memory_space<vmem_shared>>)
        %add3A_109 = arith.constant 2 : i32
        %add3A_110 = arith.addi %mul3A_52, %add3A_109 : i32
        %add3A_111 = arith.constant 1 : i32
        %add3A_112 = arith.addi %add3A_110, %add3A_111 : i32
        %dma_start3A_113 = arith.constant 0 : i32
        %dma_start3A_114 = tpu.memref_slice %arg5[%add3A_112, %dma_start3A_113] : memref<100x100xi32, #tpu.memory_space<vmem>> -> memref<1x100xi32, #tpu.memory_space<vmem>>
        %dma_start3A_115 = tpu.memref_squeeze %dma_start3A_114 : memref<1x100xi32, #tpu.memory_space<vmem>> -> memref<100xi32, #tpu.memory_space<vmem>>
        %dma_start3A_116 = arith.constant 0 : i32
        %dma_start3A_117 = arith.constant 0 : i32
        %dma_start3A_118 = tpu.memref_slice %arg2[%dma_start3A_116, %dma_start3A_117] : memref<10000x128xf32, #tpu.memory_space<hbm>> -> memref<10000x128xf32, #tpu.memory_space<hbm>>
        tpu.enqueue_indirect_dma source(%dma_start3A_118 : memref<10000x128xf32, #tpu.memory_space<hbm>>) target(%arg8 : memref<100x128xf32, #tpu.memory_space<vmem>>) offsets(%dma_start3A_115 : memref<100xi32, #tpu.memory_space<vmem>>) semaphore(%arg12 : memref<!tpu.dma_semaphore, #tpu.memory_space<semaphore_mem>>)
      } else {
      }
    }
    %scan3A_31 = arith.constant 50 : i32
    %dma_wait3A = arith.constant 0 : i32
    %dma_wait3A_32 = arith.constant 0 : i32
    %dma_wait3A_33 = tpu.memref_slice %arg6[%dma_wait3A, %dma_wait3A_32] : memref<100x100xi32, #tpu.memory_space<vmem>> -> memref<1x100xi32, #tpu.memory_space<vmem>>
    %dma_wait3A_34 = tpu.memref_squeeze %dma_wait3A_33 : memref<1x100xi32, #tpu.memory_space<vmem>> -> memref<100xi32, #tpu.memory_space<vmem>>
    %dma_wait3A_35 = arith.constant 0 : i32
    %dma_wait3A_36 = arith.constant 0 : i32
    %dma_wait3A_37 = tpu.memref_slice %arg10[%dma_wait3A_35, %dma_wait3A_36] : memref<10112x128xf32, #tpu.memory_space<vmem_shared>> -> memref<10112x128xf32, #tpu.memory_space<vmem_shared>>
    tpu.wait_indirect_dma semaphore(%arg13 : memref<!tpu.dma_semaphore, #tpu.memory_space<semaphore_mem>>) src(%arg7 : memref<100x128xf32, #tpu.memory_space<vmem>>) dst(%dma_wait3A_37 : memref<10112x128xf32, #tpu.memory_space<vmem_shared>>)
    %dma_wait3A_38 = arith.constant 0 : i32
    %dma_wait3A_39 = arith.constant 0 : i32
    %dma_wait3A_40 = tpu.memref_slice %arg6[%dma_wait3A_38, %dma_wait3A_39] : memref<100x100xi32, #tpu.memory_space<vmem>> -> memref<1x100xi32, #tpu.memory_space<vmem>>
    %dma_wait3A_41 = tpu.memref_squeeze %dma_wait3A_40 : memref<1x100xi32, #tpu.memory_space<vmem>> -> memref<100xi32, #tpu.memory_space<vmem>>
    %dma_wait3A_42 = arith.constant 0 : i32
    %dma_wait3A_43 = arith.constant 0 : i32
    %dma_wait3A_44 = tpu.memref_slice %arg10[%dma_wait3A_42, %dma_wait3A_43] : memref<10112x128xf32, #tpu.memory_space<vmem_shared>> -> memref<10112x128xf32, #tpu.memory_space<vmem_shared>>
    tpu.wait_indirect_dma semaphore(%arg14 : memref<!tpu.dma_semaphore, #tpu.memory_space<semaphore_mem>>) src(%arg8 : memref<100x128xf32, #tpu.memory_space<vmem>>) dst(%dma_wait3A_44 : memref<10112x128xf32, #tpu.memory_space<vmem_shared>>)
    %barrier3A_45 = arith.constant 0 : index
    tpu.barrier barrier_id(%barrier3A_45)
    %mul3A_46 = arith.constant 632 : i32
    %mul3A_47 = arith.muli %arg1, %mul3A_46 : i32
    %mul3A_48 = arith.constant 632 : i32
    %mul3A_49 = arith.muli %arg1, %mul3A_48 : i32
    "tpu.region"() ({
      %run_scoped3A_50 = tpu.sem_alloc : memref<!tpu.dma_semaphore, #tpu.memory_space<semaphore_mem>>
      %dma_start3A_51 = arith.constant 0 : i32
      %dma_start3A_52 = arith.constant 0 : i32
      %dma_start3A_53 = tpu.memref_slice %arg4[%arg0, %dma_start3A_51, %dma_start3A_52] : memref<2x10112x128xf32, #tpu.memory_space<hbm>> -> memref<1x10112x128xf32, #tpu.memory_space<hbm>>
      %dma_start3A_54 = tpu.memref_squeeze %dma_start3A_53 : memref<1x10112x128xf32, #tpu.memory_space<hbm>> -> memref<10112x128xf32, #tpu.memory_space<hbm>>
      %dma_start3A_55 = arith.constant 0 : i32
      %dma_start3A_56 = tpu.memref_slice %dma_start3A_54[%mul3A_49, %dma_start3A_55] : memref<10112x128xf32, #tpu.memory_space<hbm>> -> memref<632x128xf32, #tpu.memory_space<hbm>>
      %dma_start3A_57 = arith.constant 0 : i32
      %dma_start3A_58 = tpu.memref_slice %arg10[%mul3A_47, %dma_start3A_57] : memref<10112x128xf32, #tpu.memory_space<vmem_shared>> -> memref<632x128xf32, #tpu.memory_space<vmem_shared>>
      tpu.enqueue_dma source(%dma_start3A_58 : memref<632x128xf32, #tpu.memory_space<vmem_shared>>) target(%dma_start3A_56 : memref<632x128xf32, #tpu.memory_space<hbm>>) target_semaphore(%run_scoped3A_50 : memref<!tpu.dma_semaphore, #tpu.memory_space<semaphore_mem>>)
      %dma_wait3A_59 = arith.constant 0 : i32
      %dma_wait3A_60 = arith.constant 0 : i32
      %dma_wait3A_61 = tpu.memref_slice %arg4[%arg0, %dma_wait3A_59, %dma_wait3A_60] : memref<2x10112x128xf32, #tpu.memory_space<hbm>> -> memref<1x10112x128xf32, #tpu.memory_space<hbm>>
      %dma_wait3A_62 = tpu.memref_squeeze %dma_wait3A_61 : memref<1x10112x128xf32, #tpu.memory_space<hbm>> -> memref<10112x128xf32, #tpu.memory_space<hbm>>
      %dma_wait3A_63 = arith.constant 0 : i32
      %dma_wait3A_64 = tpu.memref_slice %dma_wait3A_62[%mul3A_49, %dma_wait3A_63] : memref<10112x128xf32, #tpu.memory_space<hbm>> -> memref<632x128xf32, #tpu.memory_space<hbm>>
      %dma_wait3A_65 = arith.constant 0 : i32
      %dma_wait3A_66 = tpu.memref_slice %arg10[%mul3A_47, %dma_wait3A_65] : memref<10112x128xf32, #tpu.memory_space<vmem_shared>> -> memref<632x128xf32, #tpu.memory_space<vmem_shared>>
      tpu.wait_dma2 semaphore(%run_scoped3A_50 : memref<!tpu.dma_semaphore, #tpu.memory_space<semaphore_mem>>) src(%dma_wait3A_66 : memref<632x128xf32, #tpu.memory_space<vmem_shared>>) dst(%dma_wait3A_64 : memref<632x128xf32, #tpu.memory_space<hbm>>)
      tpu.yield
    }) : () -> ()
    return
  }
}

#map = affine_map<(d0, d1) -> (0, 0)>
#map1 = affine_map<(d0, d1) -> (0, 0, 0, 0)>
#map2 = affine_map<(d0, d1) -> (0, 0, 0)>
module attributes {stable_mosaic.version = 14 : i64} {
  func.func @k(%arg0: i32, %arg1: i32, %arg2: memref<10000x128xf32, #tpu.memory_space<hbm>>, %arg3: memref<2x32x100x100xi32, #tpu.memory_space<hbm>>, %arg4: memref<2x10112x128xf32, #tpu.memory_space<hbm>>, %arg5: memref<100x100xi32, #tpu.memory_space<vmem>>, %arg6: memref<100x100xi32, #tpu.memory_space<vmem>>, %arg7: memref<100x128xf32, #tpu.memory_space<vmem>>, %arg8: memref<100x128xf32, #tpu.memory_space<vmem>>, %arg9: memref<8x128xf32, #tpu.memory_space<vmem>>, %arg10: memref<10112x128xf32, #tpu.memory_space<vmem_shared>>, %arg11: memref<!tpu.dma_semaphore, #tpu.memory_space<semaphore_mem>>, %arg12: memref<!tpu.dma_semaphore, #tpu.memory_space<semaphore_mem>>, %arg13: memref<!tpu.dma_semaphore, #tpu.memory_space<semaphore_mem>>, %arg14: memref<!tpu.dma_semaphore, #tpu.memory_space<semaphore_mem>>) attributes {dimension_semantics = [#tpu.dimension_semantics<core_parallel>, #tpu.dimension_semantics<subcore_parallel>], iteration_bounds = array<i64: 2, 16>, scalar_prefetch = 0 : i64, scratch_operands = 10 : i64, tpu.core_type = #tpu.core_type<sc_vector_subcore>, window_params = [{transform_indices = #map}, {transform_indices = #map1}, {transform_indices = #map2}]} {
    %mul3A = arith.constant 2 : i32
    %mul3A_0 = arith.muli %arg1, %mul3A : i32
    %add3A = arith.addi %mul3A_0, %arg0 : i32
    %scan3A = arith.constant 0 : i32
    %scan3A_1 = arith.constant 0 : i32
    %scan3A_2 = arith.constant 8 : i32
    %scan3A_3 = arith.addi %scan3A_1, %scan3A_2 : i32
    %scan3A_4 = arith.constant 1 : i32
    scf.for %scan3A_50 = %scan3A_1 to %scan3A_3 step %scan3A_4  : i32 {
      %broadcast_in_dim3A = arith.constant 0.000000e+00 : f32
      %broadcast_in_dim3A_51 = vector.broadcast %broadcast_in_dim3A : f32 to vector<16xf32>
      %swap3A = arith.index_cast %scan3A_50 : i32 to index
      %swap3A_52 = arith.constant 0 : index
      %swap3A_53 = tpu.vector_load %arg9[%swap3A, %swap3A_52] {strides = array<i32>} : memref<8x128xf32, #tpu.memory_space<vmem>>, vector<1x16xf32>,
      %swap3A_54 = vector.shape_cast %swap3A_53 : vector<1x16xf32> to vector<16xf32>
      %swap3A_55 = vector.shape_cast %broadcast_in_dim3A_51 : vector<16xf32> to vector<1x16xf32>
      tpu.vector_store %arg9[%swap3A, %swap3A_52], %swap3A_55 {strides = array<i32>} : memref<8x128xf32, #tpu.memory_space<vmem>>, vector<1x16xf32>,
      %broadcast_in_dim3A_56 = arith.constant 0.000000e+00 : f32
      %broadcast_in_dim3A_57 = vector.broadcast %broadcast_in_dim3A_56 : f32 to vector<16xf32>
      %swap3A_58 = arith.index_cast %scan3A_50 : i32 to index
      %swap3A_59 = arith.constant 16 : index
      %swap3A_60 = tpu.vector_load %arg9[%swap3A_58, %swap3A_59] {strides = array<i32>} : memref<8x128xf32, #tpu.memory_space<vmem>>, vector<1x16xf32>,
      %swap3A_61 = vector.shape_cast %swap3A_60 : vector<1x16xf32> to vector<16xf32>
      %swap3A_62 = vector.shape_cast %broadcast_in_dim3A_57 : vector<16xf32> to vector<1x16xf32>
      tpu.vector_store %arg9[%swap3A_58, %swap3A_59], %swap3A_62 {strides = array<i32>} : memref<8x128xf32, #tpu.memory_space<vmem>>, vector<1x16xf32>,
      %broadcast_in_dim3A_63 = arith.constant 0.000000e+00 : f32
      %broadcast_in_dim3A_64 = vector.broadcast %broadcast_in_dim3A_63 : f32 to vector<16xf32>
      %swap3A_65 = arith.index_cast %scan3A_50 : i32 to index
      %swap3A_66 = arith.constant 32 : index
      %swap3A_67 = tpu.vector_load %arg9[%swap3A_65, %swap3A_66] {strides = array<i32>} : memref<8x128xf32, #tpu.memory_space<vmem>>, vector<1x16xf32>,
      %swap3A_68 = vector.shape_cast %swap3A_67 : vector<1x16xf32> to vector<16xf32>
      %swap3A_69 = vector.shape_cast %broadcast_in_dim3A_64 : vector<16xf32> to vector<1x16xf32>
      tpu.vector_store %arg9[%swap3A_65, %swap3A_66], %swap3A_69 {strides = array<i32>} : memref<8x128xf32, #tpu.memory_space<vmem>>, vector<1x16xf32>,
      %broadcast_in_dim3A_70 = arith.constant 0.000000e+00 : f32
      %broadcast_in_dim3A_71 = vector.broadcast %broadcast_in_dim3A_70 : f32 to vector<16xf32>
      %swap3A_72 = arith.index_cast %scan3A_50 : i32 to index
      %swap3A_73 = arith.constant 48 : index
      %swap3A_74 = tpu.vector_load %arg9[%swap3A_72, %swap3A_73] {strides = array<i32>} : memref<8x128xf32, #tpu.memory_space<vmem>>, vector<1x16xf32>,
      %swap3A_75 = vector.shape_cast %swap3A_74 : vector<1x16xf32> to vector<16xf32>
      %swap3A_76 = vector.shape_cast %broadcast_in_dim3A_71 : vector<16xf32> to vector<1x16xf32>
      tpu.vector_store %arg9[%swap3A_72, %swap3A_73], %swap3A_76 {strides = array<i32>} : memref<8x128xf32, #tpu.memory_space<vmem>>, vector<1x16xf32>,
      %broadcast_in_dim3A_77 = arith.constant 0.000000e+00 : f32
      %broadcast_in_dim3A_78 = vector.broadcast %broadcast_in_dim3A_77 : f32 to vector<16xf32>
      %swap3A_79 = arith.index_cast %scan3A_50 : i32 to index
      %swap3A_80 = arith.constant 64 : index
      %swap3A_81 = tpu.vector_load %arg9[%swap3A_79, %swap3A_80] {strides = array<i32>} : memref<8x128xf32, #tpu.memory_space<vmem>>, vector<1x16xf32>,
      %swap3A_82 = vector.shape_cast %swap3A_81 : vector<1x16xf32> to vector<16xf32>
      %swap3A_83 = vector.shape_cast %broadcast_in_dim3A_78 : vector<16xf32> to vector<1x16xf32>
      tpu.vector_store %arg9[%swap3A_79, %swap3A_80], %swap3A_83 {strides = array<i32>} : memref<8x128xf32, #tpu.memory_space<vmem>>, vector<1x16xf32>,
      %broadcast_in_dim3A_84 = arith.constant 0.000000e+00 : f32
      %broadcast_in_dim3A_85 = vector.broadcast %broadcast_in_dim3A_84 : f32 to vector<16xf32>
      %swap3A_86 = arith.index_cast %scan3A_50 : i32 to index
      %swap3A_87 = arith.constant 80 : index
      %swap3A_88 = tpu.vector_load %arg9[%swap3A_86, %swap3A_87] {strides = array<i32>} : memref<8x128xf32, #tpu.memory_space<vmem>>, vector<1x16xf32>,
      %swap3A_89 = vector.shape_cast %swap3A_88 : vector<1x16xf32> to vector<16xf32>
      %swap3A_90 = vector.shape_cast %broadcast_in_dim3A_85 : vector<16xf32> to vector<1x16xf32>
      tpu.vector_store %arg9[%swap3A_86, %swap3A_87], %swap3A_90 {strides = array<i32>} : memref<8x128xf32, #tpu.memory_space<vmem>>, vector<1x16xf32>,
      %broadcast_in_dim3A_91 = arith.constant 0.000000e+00 : f32
      %broadcast_in_dim3A_92 = vector.broadcast %broadcast_in_dim3A_91 : f32 to vector<16xf32>
      %swap3A_93 = arith.index_cast %scan3A_50 : i32 to index
      %swap3A_94 = arith.constant 96 : index
      %swap3A_95 = tpu.vector_load %arg9[%swap3A_93, %swap3A_94] {strides = array<i32>} : memref<8x128xf32, #tpu.memory_space<vmem>>, vector<1x16xf32>,
      %swap3A_96 = vector.shape_cast %swap3A_95 : vector<1x16xf32> to vector<16xf32>
      %swap3A_97 = vector.shape_cast %broadcast_in_dim3A_92 : vector<16xf32> to vector<1x16xf32>
      tpu.vector_store %arg9[%swap3A_93, %swap3A_94], %swap3A_97 {strides = array<i32>} : memref<8x128xf32, #tpu.memory_space<vmem>>, vector<1x16xf32>,
      %broadcast_in_dim3A_98 = arith.constant 0.000000e+00 : f32
      %broadcast_in_dim3A_99 = vector.broadcast %broadcast_in_dim3A_98 : f32 to vector<16xf32>
      %swap3A_100 = arith.index_cast %scan3A_50 : i32 to index
      %swap3A_101 = arith.constant 112 : index
      %swap3A_102 = tpu.vector_load %arg9[%swap3A_100, %swap3A_101] {strides = array<i32>} : memref<8x128xf32, #tpu.memory_space<vmem>>, vector<1x16xf32>,
      %swap3A_103 = vector.shape_cast %swap3A_102 : vector<1x16xf32> to vector<16xf32>
      %swap3A_104 = vector.shape_cast %broadcast_in_dim3A_99 : vector<16xf32> to vector<1x16xf32>
      tpu.vector_store %arg9[%swap3A_100, %swap3A_101], %swap3A_104 {strides = array<i32>} : memref<8x128xf32, #tpu.memory_space<vmem>>, vector<1x16xf32>,
    }
    %scan3A_5 = arith.constant 8 : i32
    %scan3A_6 = arith.constant 0 : i32
    %scan3A_7 = arith.constant 0 : i32
    %scan3A_8 = arith.constant 79 : i32
    %scan3A_9 = arith.addi %scan3A_7, %scan3A_8 : i32
    %scan3A_10 = arith.constant 1 : i32
    scf.for %scan3A_50 = %scan3A_7 to %scan3A_9 step %scan3A_10  : i32 {
      %mul3A_51 = arith.constant 632 : i32
      %mul3A_52 = arith.muli %arg1, %mul3A_51 : i32
      %mul3A_53 = arith.constant 8 : i32
      %mul3A_54 = arith.muli %scan3A_50, %mul3A_53 : i32
      %add3A_55 = arith.addi %mul3A_52, %mul3A_54 : i32
      "tpu.region"() ({
        %run_scoped3A_56 = tpu.sem_alloc : memref<!tpu.dma_semaphore, #tpu.memory_space<semaphore_mem>>
        %dma_start3A_57 = arith.constant 0 : i32
        %dma_start3A_58 = tpu.memref_slice %arg10[%add3A_55, %dma_start3A_57] : memref<10112x128xf32, #tpu.memory_space<vmem_shared>> -> memref<8x128xf32, #tpu.memory_space<vmem_shared>>
        %dma_start3A_59 = arith.constant 0 : i32
        %dma_start3A_60 = tpu.memref_slice %arg10[%add3A_55, %dma_start3A_59] : memref<10112x128xf32, #tpu.memory_space<vmem_shared>> -> memref<8x128xf32, #tpu.memory_space<vmem_shared>>
        tpu.enqueue_dma source(%arg9 : memref<8x128xf32, #tpu.memory_space<vmem>>) target(%dma_start3A_60 : memref<8x128xf32, #tpu.memory_space<vmem_shared>>) target_semaphore(%run_scoped3A_56 : memref<!tpu.dma_semaphore, #tpu.memory_space<semaphore_mem>>)
        %dma_wait3A_61 = arith.constant 0 : i32
        %dma_wait3A_62 = tpu.memref_slice %arg10[%add3A_55, %dma_wait3A_61] : memref<10112x128xf32, #tpu.memory_space<vmem_shared>> -> memref<8x128xf32, #tpu.memory_space<vmem_shared>>
        %dma_wait3A_63 = arith.constant 0 : i32
        %dma_wait3A_64 = tpu.memref_slice %arg10[%add3A_55, %dma_wait3A_63] : memref<10112x128xf32, #tpu.memory_space<vmem_shared>> -> memref<8x128xf32, #tpu.memory_space<vmem_shared>>
        tpu.wait_dma2 semaphore(%run_scoped3A_56 : memref<!tpu.dma_semaphore, #tpu.memory_space<semaphore_mem>>) src(%arg9 : memref<8x128xf32, #tpu.memory_space<vmem>>) dst(%dma_wait3A_64 : memref<8x128xf32, #tpu.memory_space<vmem_shared>>)
        tpu.yield
      }) : () -> ()
    }
    %scan3A_11 = arith.constant 79 : i32
    %run_scoped3A = arith.constant 0 : i32
    "tpu.region"() ({
      %run_scoped3A_50 = tpu.sem_alloc : memref<!tpu.dma_semaphore, #tpu.memory_space<semaphore_mem>>
      %dma_start3A_51 = arith.constant 0 : i32
      %dma_start3A_52 = arith.constant 0 : i32
      %dma_start3A_53 = tpu.memref_slice %arg3[%run_scoped3A, %add3A, %dma_start3A_51, %dma_start3A_52] : memref<2x32x100x100xi32, #tpu.memory_space<hbm>> -> memref<1x1x100x100xi32, #tpu.memory_space<hbm>>
      %dma_start3A_54 = tpu.memref_squeeze %dma_start3A_53 : memref<1x1x100x100xi32, #tpu.memory_space<hbm>> -> memref<100x100xi32, #tpu.memory_space<hbm>>
      %dma_start3A_55 = arith.constant 0 : i32
      %dma_start3A_56 = arith.constant 0 : i32
      %dma_start3A_57 = tpu.memref_slice %arg3[%run_scoped3A, %add3A, %dma_start3A_55, %dma_start3A_56] : memref<2x32x100x100xi32, #tpu.memory_space<hbm>> -> memref<1x1x100x100xi32, #tpu.memory_space<hbm>>
      %dma_start3A_58 = tpu.memref_squeeze %dma_start3A_57 : memref<1x1x100x100xi32, #tpu.memory_space<hbm>> -> memref<100x100xi32, #tpu.memory_space<hbm>>
      tpu.enqueue_dma source(%dma_start3A_58 : memref<100x100xi32, #tpu.memory_space<hbm>>) target(%arg5 : memref<100x100xi32, #tpu.memory_space<vmem>>) target_semaphore(%run_scoped3A_50 : memref<!tpu.dma_semaphore, #tpu.memory_space<semaphore_mem>>)
      %dma_wait3A_59 = arith.constant 0 : i32
      %dma_wait3A_60 = arith.constant 0 : i32
      %dma_wait3A_61 = tpu.memref_slice %arg3[%run_scoped3A, %add3A, %dma_wait3A_59, %dma_wait3A_60] : memref<2x32x100x100xi32, #tpu.memory_space<hbm>> -> memref<1x1x100x100xi32, #tpu.memory_space<hbm>>
      %dma_wait3A_62 = tpu.memref_squeeze %dma_wait3A_61 : memref<1x1x100x100xi32, #tpu.memory_space<hbm>> -> memref<100x100xi32, #tpu.memory_space<hbm>>
      %dma_wait3A_63 = arith.constant 0 : i32
      %dma_wait3A_64 = arith.constant 0 : i32
      %dma_wait3A_65 = tpu.memref_slice %arg3[%run_scoped3A, %add3A, %dma_wait3A_63, %dma_wait3A_64] : memref<2x32x100x100xi32, #tpu.memory_space<hbm>> -> memref<1x1x100x100xi32, #tpu.memory_space<hbm>>
      %dma_wait3A_66 = tpu.memref_squeeze %dma_wait3A_65 : memref<1x1x100x100xi32, #tpu.memory_space<hbm>> -> memref<100x100xi32, #tpu.memory_space<hbm>>
      tpu.wait_dma2 semaphore(%run_scoped3A_50 : memref<!tpu.dma_semaphore, #tpu.memory_space<semaphore_mem>>) src(%dma_wait3A_66 : memref<100x100xi32, #tpu.memory_space<hbm>>) dst(%arg5 : memref<100x100xi32, #tpu.memory_space<vmem>>)
      tpu.yield
    }) : () -> ()
    %run_scoped3A_12 = arith.constant 1 : i32
    "tpu.region"() ({
      %run_scoped3A_50 = tpu.sem_alloc : memref<!tpu.dma_semaphore, #tpu.memory_space<semaphore_mem>>
      %dma_start3A_51 = arith.constant 0 : i32
      %dma_start3A_52 = arith.constant 0 : i32
      %dma_start3A_53 = tpu.memref_slice %arg3[%run_scoped3A_12, %add3A, %dma_start3A_51, %dma_start3A_52] : memref<2x32x100x100xi32, #tpu.memory_space<hbm>> -> memref<1x1x100x100xi32, #tpu.memory_space<hbm>>
      %dma_start3A_54 = tpu.memref_squeeze %dma_start3A_53 : memref<1x1x100x100xi32, #tpu.memory_space<hbm>> -> memref<100x100xi32, #tpu.memory_space<hbm>>
      %dma_start3A_55 = arith.constant 0 : i32
      %dma_start3A_56 = arith.constant 0 : i32
      %dma_start3A_57 = tpu.memref_slice %arg3[%run_scoped3A_12, %add3A, %dma_start3A_55, %dma_start3A_56] : memref<2x32x100x100xi32, #tpu.memory_space<hbm>> -> memref<1x1x100x100xi32, #tpu.memory_space<hbm>>
      %dma_start3A_58 = tpu.memref_squeeze %dma_start3A_57 : memref<1x1x100x100xi32, #tpu.memory_space<hbm>> -> memref<100x100xi32, #tpu.memory_space<hbm>>
      tpu.enqueue_dma source(%dma_start3A_58 : memref<100x100xi32, #tpu.memory_space<hbm>>) target(%arg6 : memref<100x100xi32, #tpu.memory_space<vmem>>) target_semaphore(%run_scoped3A_50 : memref<!tpu.dma_semaphore, #tpu.memory_space<semaphore_mem>>)
      %dma_wait3A_59 = arith.constant 0 : i32
      %dma_wait3A_60 = arith.constant 0 : i32
      %dma_wait3A_61 = tpu.memref_slice %arg3[%run_scoped3A_12, %add3A, %dma_wait3A_59, %dma_wait3A_60] : memref<2x32x100x100xi32, #tpu.memory_space<hbm>> -> memref<1x1x100x100xi32, #tpu.memory_space<hbm>>
      %dma_wait3A_62 = tpu.memref_squeeze %dma_wait3A_61 : memref<1x1x100x100xi32, #tpu.memory_space<hbm>> -> memref<100x100xi32, #tpu.memory_space<hbm>>
      %dma_wait3A_63 = arith.constant 0 : i32
      %dma_wait3A_64 = arith.constant 0 : i32
      %dma_wait3A_65 = tpu.memref_slice %arg3[%run_scoped3A_12, %add3A, %dma_wait3A_63, %dma_wait3A_64] : memref<2x32x100x100xi32, #tpu.memory_space<hbm>> -> memref<1x1x100x100xi32, #tpu.memory_space<hbm>>
      %dma_wait3A_66 = tpu.memref_squeeze %dma_wait3A_65 : memref<1x1x100x100xi32, #tpu.memory_space<hbm>> -> memref<100x100xi32, #tpu.memory_space<hbm>>
      tpu.wait_dma2 semaphore(%run_scoped3A_50 : memref<!tpu.dma_semaphore, #tpu.memory_space<semaphore_mem>>) src(%dma_wait3A_66 : memref<100x100xi32, #tpu.memory_space<hbm>>) dst(%arg6 : memref<100x100xi32, #tpu.memory_space<vmem>>)
      tpu.yield
    }) : () -> ()
    %barrier3A = arith.constant 0 : index
    tpu.barrier barrier_id(%barrier3A)
    %dma_start3A = arith.constant 0 : i32
    %dma_start3A_13 = arith.constant 0 : i32
    %dma_start3A_14 = tpu.memref_slice %arg5[%dma_start3A, %dma_start3A_13] : memref<100x100xi32, #tpu.memory_space<vmem>> -> memref<1x100xi32, #tpu.memory_space<vmem>>
    %dma_start3A_15 = tpu.memref_squeeze %dma_start3A_14 : memref<1x100xi32, #tpu.memory_space<vmem>> -> memref<100xi32, #tpu.memory_space<vmem>>
    %dma_start3A_16 = arith.constant 0 : i32
    %dma_start3A_17 = arith.constant 0 : i32
    %dma_start3A_18 = tpu.memref_slice %arg2[%dma_start3A_16, %dma_start3A_17] : memref<10000x128xf32, #tpu.memory_space<hbm>> -> memref<10000x128xf32, #tpu.memory_space<hbm>>
    tpu.enqueue_indirect_dma source(%dma_start3A_18 : memref<10000x128xf32, #tpu.memory_space<hbm>>) target(%arg7 : memref<100x128xf32, #tpu.memory_space<vmem>>) offsets(%dma_start3A_15 : memref<100xi32, #tpu.memory_space<vmem>>) semaphore(%arg11 : memref<!tpu.dma_semaphore, #tpu.memory_space<semaphore_mem>>)
    %dma_start3A_19 = arith.constant 1 : i32
    %dma_start3A_20 = arith.constant 0 : i32
    %dma_start3A_21 = tpu.memref_slice %arg5[%dma_start3A_19, %dma_start3A_20] : memref<100x100xi32, #tpu.memory_space<vmem>> -> memref<1x100xi32, #tpu.memory_space<vmem>>
    %dma_start3A_22 = tpu.memref_squeeze %dma_start3A_21 : memref<1x100xi32, #tpu.memory_space<vmem>> -> memref<100xi32, #tpu.memory_space<vmem>>
    %dma_start3A_23 = arith.constant 0 : i32
    %dma_start3A_24 = arith.constant 0 : i32
    %dma_start3A_25 = tpu.memref_slice %arg2[%dma_start3A_23, %dma_start3A_24] : memref<10000x128xf32, #tpu.memory_space<hbm>> -> memref<10000x128xf32, #tpu.memory_space<hbm>>
    tpu.enqueue_indirect_dma source(%dma_start3A_25 : memref<10000x128xf32, #tpu.memory_space<hbm>>) target(%arg8 : memref<100x128xf32, #tpu.memory_space<vmem>>) offsets(%dma_start3A_22 : memref<100xi32, #tpu.memory_space<vmem>>) semaphore(%arg12 : memref<!tpu.dma_semaphore, #tpu.memory_space<semaphore_mem>>)
    %scan3A_26 = arith.constant 0 : i32
    %scan3A_27 = arith.constant 0 : i32
    %scan3A_28 = arith.constant 50 : i32
    %scan3A_29 = arith.addi %scan3A_27, %scan3A_28 : i32
    %scan3A_30 = arith.constant 1 : i32
    scf.for %scan3A_50 = %scan3A_27 to %scan3A_29 step %scan3A_30  : i32 {
      %mul3A_51 = arith.constant 2 : i32
      %mul3A_52 = arith.muli %scan3A_50, %mul3A_51 : i32
      %dma_wait3A_53 = arith.constant 0 : i32
      %dma_wait3A_54 = arith.constant 0 : i32
      %dma_wait3A_55 = tpu.memref_slice %arg5[%dma_wait3A_53, %dma_wait3A_54] : memref<100x100xi32, #tpu.memory_space<vmem>> -> memref<1x100xi32, #tpu.memory_space<vmem>>
      %dma_wait3A_56 = tpu.memref_squeeze %dma_wait3A_55 : memref<1x100xi32, #tpu.memory_space<vmem>> -> memref<100xi32, #tpu.memory_space<vmem>>
      %dma_wait3A_57 = arith.constant 0 : i32
      %dma_wait3A_58 = arith.constant 0 : i32
      %dma_wait3A_59 = tpu.memref_slice %arg2[%dma_wait3A_57, %dma_wait3A_58] : memref<10000x128xf32, #tpu.memory_space<hbm>> -> memref<10000x128xf32, #tpu.memory_space<hbm>>
      tpu.wait_indirect_dma semaphore(%arg11 : memref<!tpu.dma_semaphore, #tpu.memory_space<semaphore_mem>>) src(%dma_wait3A_59 : memref<10000x128xf32, #tpu.memory_space<hbm>>) dst(%arg7 : memref<100x128xf32, #tpu.memory_space<vmem>>)
      %add3A_60 = arith.constant 0 : i32
      %add3A_61 = arith.addi %mul3A_52, %add3A_60 : i32
      %dma_start3A_62 = arith.constant 0 : i32
      %dma_start3A_63 = tpu.memref_slice %arg6[%add3A_61, %dma_start3A_62] : memref<100x100xi32, #tpu.memory_space<vmem>> -> memref<1x100xi32, #tpu.memory_space<vmem>>
      %dma_start3A_64 = tpu.memref_squeeze %dma_start3A_63 : memref<1x100xi32, #tpu.memory_space<vmem>> -> memref<100xi32, #tpu.memory_space<vmem>>
      %dma_start3A_65 = arith.constant 0 : i32
      %dma_start3A_66 = arith.constant 0 : i32
      %dma_start3A_67 = tpu.memref_slice %arg10[%dma_start3A_65, %dma_start3A_66] : memref<10112x128xf32, #tpu.memory_space<vmem_shared>> -> memref<10112x128xf32, #tpu.memory_space<vmem_shared>>
      tpu.enqueue_indirect_dma source(%arg7 : memref<100x128xf32, #tpu.memory_space<vmem>>) target(%dma_start3A_67 : memref<10112x128xf32, #tpu.memory_space<vmem_shared>>) offsets(%dma_start3A_64 : memref<100xi32, #tpu.memory_space<vmem>>) semaphore(%arg13 : memref<!tpu.dma_semaphore, #tpu.memory_space<semaphore_mem>>) {add = true}
      %dma_wait3A_68 = arith.constant 0 : i32
      %dma_wait3A_69 = arith.constant 0 : i32
      %dma_wait3A_70 = tpu.memref_slice %arg5[%dma_wait3A_68, %dma_wait3A_69] : memref<100x100xi32, #tpu.memory_space<vmem>> -> memref<1x100xi32, #tpu.memory_space<vmem>>
      %dma_wait3A_71 = tpu.memref_squeeze %dma_wait3A_70 : memref<1x100xi32, #tpu.memory_space<vmem>> -> memref<100xi32, #tpu.memory_space<vmem>>
      %dma_wait3A_72 = arith.constant 0 : i32
      %dma_wait3A_73 = arith.constant 0 : i32
      %dma_wait3A_74 = tpu.memref_slice %arg2[%dma_wait3A_72, %dma_wait3A_73] : memref<10000x128xf32, #tpu.memory_space<hbm>> -> memref<10000x128xf32, #tpu.memory_space<hbm>>
      tpu.wait_indirect_dma semaphore(%arg12 : memref<!tpu.dma_semaphore, #tpu.memory_space<semaphore_mem>>) src(%dma_wait3A_74 : memref<10000x128xf32, #tpu.memory_space<hbm>>) dst(%arg8 : memref<100x128xf32, #tpu.memory_space<vmem>>)
      %add3A_75 = arith.constant 1 : i32
      %add3A_76 = arith.addi %mul3A_52, %add3A_75 : i32
      %dma_start3A_77 = arith.constant 0 : i32
      %dma_start3A_78 = tpu.memref_slice %arg6[%add3A_76, %dma_start3A_77] : memref<100x100xi32, #tpu.memory_space<vmem>> -> memref<1x100xi32, #tpu.memory_space<vmem>>
      %dma_start3A_79 = tpu.memref_squeeze %dma_start3A_78 : memref<1x100xi32, #tpu.memory_space<vmem>> -> memref<100xi32, #tpu.memory_space<vmem>>
      %dma_start3A_80 = arith.constant 0 : i32
      %dma_start3A_81 = arith.constant 0 : i32
      %dma_start3A_82 = tpu.memref_slice %arg10[%dma_start3A_80, %dma_start3A_81] : memref<10112x128xf32, #tpu.memory_space<vmem_shared>> -> memref<10112x128xf32, #tpu.memory_space<vmem_shared>>
      tpu.enqueue_indirect_dma source(%arg8 : memref<100x128xf32, #tpu.memory_space<vmem>>) target(%dma_start3A_82 : memref<10112x128xf32, #tpu.memory_space<vmem_shared>>) offsets(%dma_start3A_79 : memref<100xi32, #tpu.memory_space<vmem>>) semaphore(%arg14 : memref<!tpu.dma_semaphore, #tpu.memory_space<semaphore_mem>>) {add = true}
      %lt3A = arith.constant 49 : i32
      %lt3A_83 = arith.cmpi slt, %scan3A_50, %lt3A : i32
      %convert_element_type3A = arith.extui %lt3A_83 : i1 to i32
      %cond3A = arith.constant 0 : i32
      %cond3A_84 = arith.cmpi ne, %convert_element_type3A, %cond3A : i32
      scf.if %cond3A_84 {
        %dma_wait3A_85 = arith.constant 0 : i32
        %dma_wait3A_86 = arith.constant 0 : i32
        %dma_wait3A_87 = tpu.memref_slice %arg6[%dma_wait3A_85, %dma_wait3A_86] : memref<100x100xi32, #tpu.memory_space<vmem>> -> memref<1x100xi32, #tpu.memory_space<vmem>>
        %dma_wait3A_88 = tpu.memref_squeeze %dma_wait3A_87 : memref<1x100xi32, #tpu.memory_space<vmem>> -> memref<100xi32, #tpu.memory_space<vmem>>
        %dma_wait3A_89 = arith.constant 0 : i32
        %dma_wait3A_90 = arith.constant 0 : i32
        %dma_wait3A_91 = tpu.memref_slice %arg10[%dma_wait3A_89, %dma_wait3A_90] : memref<10112x128xf32, #tpu.memory_space<vmem_shared>> -> memref<10112x128xf32, #tpu.memory_space<vmem_shared>>
        tpu.wait_indirect_dma semaphore(%arg13 : memref<!tpu.dma_semaphore, #tpu.memory_space<semaphore_mem>>) src(%arg7 : memref<100x128xf32, #tpu.memory_space<vmem>>) dst(%dma_wait3A_91 : memref<10112x128xf32, #tpu.memory_space<vmem_shared>>)
        %add3A_92 = arith.constant 2 : i32
        %add3A_93 = arith.addi %mul3A_52, %add3A_92 : i32
        %add3A_94 = arith.constant 0 : i32
        %add3A_95 = arith.addi %add3A_93, %add3A_94 : i32
        %dma_start3A_96 = arith.constant 0 : i32
        %dma_start3A_97 = tpu.memref_slice %arg5[%add3A_95, %dma_start3A_96] : memref<100x100xi32, #tpu.memory_space<vmem>> -> memref<1x100xi32, #tpu.memory_space<vmem>>
        %dma_start3A_98 = tpu.memref_squeeze %dma_start3A_97 : memref<1x100xi32, #tpu.memory_space<vmem>> -> memref<100xi32, #tpu.memory_space<vmem>>
        %dma_start3A_99 = arith.constant 0 : i32
        %dma_start3A_100 = arith.constant 0 : i32
        %dma_start3A_101 = tpu.memref_slice %arg2[%dma_start3A_99, %dma_start3A_100] : memref<10000x128xf32, #tpu.memory_space<hbm>> -> memref<10000x128xf32, #tpu.memory_space<hbm>>
        tpu.enqueue_indirect_dma source(%dma_start3A_101 : memref<10000x128xf32, #tpu.memory_space<hbm>>) target(%arg7 : memref<100x128xf32, #tpu.memory_space<vmem>>) offsets(%dma_start3A_98 : memref<100xi32, #tpu.memory_space<vmem>>) semaphore(%arg11 : memref<!tpu.dma_semaphore, #tpu.memory_space<semaphore_mem>>)
        %dma_wait3A_102 = arith.constant 0 : i32
        %dma_wait3A_103 = arith.constant 0 : i32
        %dma_wait3A_104 = tpu.memref_slice %arg6[%dma_wait3A_102, %dma_wait3A_103] : memref<100x100xi32, #tpu.memory_space<vmem>> -> memref<1x100xi32, #tpu.memory_space<vmem>>
        %dma_wait3A_105 = tpu.memref_squeeze %dma_wait3A_104 : memref<1x100xi32, #tpu.memory_space<vmem>> -> memref<100xi32, #tpu.memory_space<vmem>>
        %dma_wait3A_106 = arith.constant 0 : i32
        %dma_wait3A_107 = arith.constant 0 : i32
        %dma_wait3A_108 = tpu.memref_slice %arg10[%dma_wait3A_106, %dma_wait3A_107] : memref<10112x128xf32, #tpu.memory_space<vmem_shared>> -> memref<10112x128xf32, #tpu.memory_space<vmem_shared>>
        tpu.wait_indirect_dma semaphore(%arg14 : memref<!tpu.dma_semaphore, #tpu.memory_space<semaphore_mem>>) src(%arg8 : memref<100x128xf32, #tpu.memory_space<vmem>>) dst(%dma_wait3A_108 : memref<10112x128xf32, #tpu.memory_space<vmem_shared>>)
        %add3A_109 = arith.constant 2 : i32
        %add3A_110 = arith.addi %mul3A_52, %add3A_109 : i32
        %add3A_111 = arith.constant 1 : i32
        %add3A_112 = arith.addi %add3A_110, %add3A_111 : i32
        %dma_start3A_113 = arith.constant 0 : i32
        %dma_start3A_114 = tpu.memref_slice %arg5[%add3A_112, %dma_start3A_113] : memref<100x100xi32, #tpu.memory_space<vmem>> -> memref<1x100xi32, #tpu.memory_space<vmem>>
        %dma_start3A_115 = tpu.memref_squeeze %dma_start3A_114 : memref<1x100xi32, #tpu.memory_space<vmem>> -> memref<100xi32, #tpu.memory_space<vmem>>
        %dma_start3A_116 = arith.constant 0 : i32
        %dma_start3A_117 = arith.constant 0 : i32
        %dma_start3A_118 = tpu.memref_slice %arg2[%dma_start3A_116, %dma_start3A_117] : memref<10000x128xf32, #tpu.memory_space<hbm>> -> memref<10000x128xf32, #tpu.memory_space<hbm>>
        tpu.enqueue_indirect_dma source(%dma_start3A_118 : memref<10000x128xf32, #tpu.memory_space<hbm>>) target(%arg8 : memref<100x128xf32, #tpu.memory_space<vmem>>) offsets(%dma_start3A_115 : memref<100xi32, #tpu.memory_space<vmem>>) semaphore(%arg12 : memref<!tpu.dma_semaphore, #tpu.memory_space<semaphore_mem>>)
      } else {
      }
    }
    %scan3A_31 = arith.constant 50 : i32
    %dma_wait3A = arith.constant 0 : i32
    %dma_wait3A_32 = arith.constant 0 : i32
    %dma_wait3A_33 = tpu.memref_slice %arg6[%dma_wait3A, %dma_wait3A_32] : memref<100x100xi32, #tpu.memory_space<vmem>> -> memref<1x100xi32, #tpu.memory_space<vmem>>
    %dma_wait3A_34 = tpu.memref_squeeze %dma_wait3A_33 : memref<1x100xi32, #tpu.memory_space<vmem>> -> memref<100xi32, #tpu.memory_space<vmem>>
    %dma_wait3A_35 = arith.constant 0 : i32
    %dma_wait3A_36 = arith.constant 0 : i32
    %dma_wait3A_37 = tpu.memref_slice %arg10[%dma_wait3A_35, %dma_wait3A_36] : memref<10112x128xf32, #tpu.memory_space<vmem_shared>> -> memref<10112x128xf32, #tpu.memory_space<vmem_shared>>
    tpu.wait_indirect_dma semaphore(%arg13 : memref<!tpu.dma_semaphore, #tpu.memory_space<semaphore_mem>>) src(%arg7 : memref<100x128xf32, #tpu.memory_space<vmem>>) dst(%dma_wait3A_37 : memref<10112x128xf32, #tpu.memory_space<vmem_shared>>)
    %dma_wait3A_38 = arith.constant 0 : i32
    %dma_wait3A_39 = arith.constant 0 : i32
    %dma_wait3A_40 = tpu.memref_slice %arg6[%dma_wait3A_38, %dma_wait3A_39] : memref<100x100xi32, #tpu.memory_space<vmem>> -> memref<1x100xi32, #tpu.memory_space<vmem>>
    %dma_wait3A_41 = tpu.memref_squeeze %dma_wait3A_40 : memref<1x100xi32, #tpu.memory_space<vmem>> -> memref<100xi32, #tpu.memory_space<vmem>>
    %dma_wait3A_42 = arith.constant 0 : i32
    %dma_wait3A_43 = arith.constant 0 : i32
    %dma_wait3A_44 = tpu.memref_slice %arg10[%dma_wait3A_42, %dma_wait3A_43] : memref<10112x128xf32, #tpu.memory_space<vmem_shared>> -> memref<10112x128xf32, #tpu.memory_space<vmem_shared>>
    tpu.wait_indirect_dma semaphore(%arg14 : memref<!tpu.dma_semaphore, #tpu.memory_space<semaphore_mem>>) src(%arg8 : memref<100x128xf32, #tpu.memory_space<vmem>>) dst(%dma_wait3A_44 : memref<10112x128xf32, #tpu.memory_space<vmem_shared>>)
    %barrier3A_45 = arith.constant 0 : index
    tpu.barrier barrier_id(%barrier3A_45)
    %mul3A_46 = arith.constant 632 : i32
    %mul3A_47 = arith.muli %arg1, %mul3A_46 : i32
    %mul3A_48 = arith.constant 632 : i32
    %mul3A_49 = arith.muli %arg1, %mul3A_48 : i32
    "tpu.region"() ({
      %run_scoped3A_50 = tpu.sem_alloc : memref<!tpu.dma_semaphore, #tpu.memory_space<semaphore_mem>>
      %dma_start3A_51 = arith.constant 0 : i32
      %dma_start3A_52 = arith.constant 0 : i32
      %dma_start3A_53 = tpu.memref_slice %arg4[%arg0, %dma_start3A_51, %dma_start3A_52] : memref<2x10112x128xf32, #tpu.memory_space<hbm>> -> memref<1x10112x128xf32, #tpu.memory_space<hbm>>
      %dma_start3A_54 = tpu.memref_squeeze %dma_start3A_53 : memref<1x10112x128xf32, #tpu.memory_space<hbm>> -> memref<10112x128xf32, #tpu.memory_space<hbm>>
      %dma_start3A_55 = arith.constant 0 : i32
      %dma_start3A_56 = tpu.memref_slice %dma_start3A_54[%mul3A_49, %dma_start3A_55] : memref<10112x128xf32, #tpu.memory_space<hbm>> -> memref<632x128xf32, #tpu.memory_space<hbm>>
      %dma_start3A_57 = arith.constant 0 : i32
      %dma_start3A_58 = tpu.memref_slice %arg10[%mul3A_47, %dma_start3A_57] : memref<10112x128xf32, #tpu.memory_space<vmem_shared>> -> memref<632x128xf32, #tpu.memory_space<vmem_shared>>
      tpu.enqueue_dma source(%dma_start3A_58 : memref<632x128xf32, #tpu.memory_space<vmem_shared>>) target(%dma_start3A_56 : memref<632x128xf32, #tpu.memory_space<hbm>>) target_semaphore(%run_scoped3A_50 : memref<!tpu.dma_semaphore, #tpu.memory_space<semaphore_mem>>)
      %dma_wait3A_59 = arith.constant 0 : i32
      %dma_wait3A_60 = arith.constant 0 : i32
      %dma_wait3A_61 = tpu.memref_slice %arg4[%arg0, %dma_wait3A_59, %dma_wait3A_60] : memref<2x10112x128xf32, #tpu.memory_space<hbm>> -> memref<1x10112x128xf32, #tpu.memory_space<hbm>>
      %dma_wait3A_62 = tpu.memref_squeeze %dma_wait3A_61 : memref<1x10112x128xf32, #tpu.memory_space<hbm>> -> memref<10112x128xf32, #tpu.memory_space<hbm>>
      %dma_wait3A_63 = arith.constant 0 : i32
      %dma_wait3A_64 = tpu.memref_slice %dma_wait3A_62[%mul3A_49, %dma_wait3A_63] : memref<10112x128xf32, #tpu.memory_space<hbm>> -> memref<632x128xf32, #tpu.memory_space<hbm>>
      %dma_wait3A_65 = arith.constant 0 : i32
      %dma_wait3A_66 = tpu.memref_slice %arg10[%mul3A_47, %dma_wait3A_65] : memref<10112x128xf32, #tpu.memory_space<vmem_shared>> -> memref<632x128xf32, #tpu.memory_space<vmem_shared>>
      tpu.wait_dma2 semaphore(%run_scoped3A_50 : memref<!tpu.dma_semaphore, #tpu.memory_space<semaphore_mem>>) src(%dma_wait3A_66 : memref<632x128xf32, #tpu.memory_space<vmem_shared>>) dst(%dma_wait3A_64 : memref<632x128xf32, #tpu.memory_space<hbm>>)
      tpu.yield
    }) : () -> ()
    return
  }
}

#map = affine_map<(d0, d1) -> (0, 0)>
#map1 = affine_map<(d0, d1) -> (0, 0, 0, 0)>
#map2 = affine_map<(d0, d1) -> (0, 0, 0)>
module attributes {stable_mosaic.version = 14 : i64} {
  func.func @k(%arg0: i32, %arg1: i32, %arg2: memref<10000x48xf32, #tpu.memory_space<hbm>>, %arg3: memref<2x32x100x100xi32, #tpu.memory_space<hbm>>, %arg4: memref<2x10112x48xf32, #tpu.memory_space<hbm>>, %arg5: memref<100x100xi32, #tpu.memory_space<vmem>>, %arg6: memref<100x100xi32, #tpu.memory_space<vmem>>, %arg7: memref<100x48xf32, #tpu.memory_space<vmem>>, %arg8: memref<100x48xf32, #tpu.memory_space<vmem>>, %arg9: memref<8x48xf32, #tpu.memory_space<vmem>>, %arg10: memref<10112x48xf32, #tpu.memory_space<vmem_shared>>, %arg11: memref<!tpu.dma_semaphore, #tpu.memory_space<semaphore_mem>>, %arg12: memref<!tpu.dma_semaphore, #tpu.memory_space<semaphore_mem>>, %arg13: memref<!tpu.dma_semaphore, #tpu.memory_space<semaphore_mem>>, %arg14: memref<!tpu.dma_semaphore, #tpu.memory_space<semaphore_mem>>) attributes {dimension_semantics = [#tpu.dimension_semantics<core_parallel>, #tpu.dimension_semantics<subcore_parallel>], iteration_bounds = array<i64: 2, 16>, scalar_prefetch = 0 : i64, scratch_operands = 10 : i64, tpu.core_type = #tpu.core_type<sc_vector_subcore>, window_params = [{transform_indices = #map}, {transform_indices = #map1}, {transform_indices = #map2}]} {
    %mul3A = arith.constant 2 : i32
    %mul3A_0 = arith.muli %arg1, %mul3A : i32
    %add3A = arith.addi %mul3A_0, %arg0 : i32
    %scan3A = arith.constant 0 : i32
    %scan3A_1 = arith.constant 0 : i32
    %scan3A_2 = arith.constant 8 : i32
    %scan3A_3 = arith.addi %scan3A_1, %scan3A_2 : i32
    %scan3A_4 = arith.constant 1 : i32
    scf.for %scan3A_50 = %scan3A_1 to %scan3A_3 step %scan3A_4  : i32 {
      %broadcast_in_dim3A = arith.constant 0.000000e+00 : f32
      %broadcast_in_dim3A_51 = vector.broadcast %broadcast_in_dim3A : f32 to vector<16xf32>
      %swap3A = arith.index_cast %scan3A_50 : i32 to index
      %swap3A_52 = arith.constant 0 : index
      %swap3A_53 = tpu.vector_load %arg9[%swap3A, %swap3A_52] {strides = array<i32>} : memref<8x48xf32, #tpu.memory_space<vmem>>, vector<1x16xf32>,
      %swap3A_54 = vector.shape_cast %swap3A_53 : vector<1x16xf32> to vector<16xf32>
      %swap3A_55 = vector.shape_cast %broadcast_in_dim3A_51 : vector<16xf32> to vector<1x16xf32>
      tpu.vector_store %arg9[%swap3A, %swap3A_52], %swap3A_55 {strides = array<i32>} : memref<8x48xf32, #tpu.memory_space<vmem>>, vector<1x16xf32>,
      %broadcast_in_dim3A_56 = arith.constant 0.000000e+00 : f32
      %broadcast_in_dim3A_57 = vector.broadcast %broadcast_in_dim3A_56 : f32 to vector<16xf32>
      %swap3A_58 = arith.index_cast %scan3A_50 : i32 to index
      %swap3A_59 = arith.constant 16 : index
      %swap3A_60 = tpu.vector_load %arg9[%swap3A_58, %swap3A_59] {strides = array<i32>} : memref<8x48xf32, #tpu.memory_space<vmem>>, vector<1x16xf32>,
      %swap3A_61 = vector.shape_cast %swap3A_60 : vector<1x16xf32> to vector<16xf32>
      %swap3A_62 = vector.shape_cast %broadcast_in_dim3A_57 : vector<16xf32> to vector<1x16xf32>
      tpu.vector_store %arg9[%swap3A_58, %swap3A_59], %swap3A_62 {strides = array<i32>} : memref<8x48xf32, #tpu.memory_space<vmem>>, vector<1x16xf32>,
      %broadcast_in_dim3A_63 = arith.constant 0.000000e+00 : f32
      %broadcast_in_dim3A_64 = vector.broadcast %broadcast_in_dim3A_63 : f32 to vector<16xf32>
      %swap3A_65 = arith.index_cast %scan3A_50 : i32 to index
      %swap3A_66 = arith.constant 32 : index
      %swap3A_67 = tpu.vector_load %arg9[%swap3A_65, %swap3A_66] {strides = array<i32>} : memref<8x48xf32, #tpu.memory_space<vmem>>, vector<1x16xf32>,
      %swap3A_68 = vector.shape_cast %swap3A_67 : vector<1x16xf32> to vector<16xf32>
      %swap3A_69 = vector.shape_cast %broadcast_in_dim3A_64 : vector<16xf32> to vector<1x16xf32>
      tpu.vector_store %arg9[%swap3A_65, %swap3A_66], %swap3A_69 {strides = array<i32>} : memref<8x48xf32, #tpu.memory_space<vmem>>, vector<1x16xf32>,
    }
    %scan3A_5 = arith.constant 8 : i32
    %scan3A_6 = arith.constant 0 : i32
    %scan3A_7 = arith.constant 0 : i32
    %scan3A_8 = arith.constant 79 : i32
    %scan3A_9 = arith.addi %scan3A_7, %scan3A_8 : i32
    %scan3A_10 = arith.constant 1 : i32
    scf.for %scan3A_50 = %scan3A_7 to %scan3A_9 step %scan3A_10  : i32 {
      %mul3A_51 = arith.constant 632 : i32
      %mul3A_52 = arith.muli %arg1, %mul3A_51 : i32
      %mul3A_53 = arith.constant 8 : i32
      %mul3A_54 = arith.muli %scan3A_50, %mul3A_53 : i32
      %add3A_55 = arith.addi %mul3A_52, %mul3A_54 : i32
      "tpu.region"() ({
        %run_scoped3A_56 = tpu.sem_alloc : memref<!tpu.dma_semaphore, #tpu.memory_space<semaphore_mem>>
        %dma_start3A_57 = arith.constant 0 : i32
        %dma_start3A_58 = tpu.memref_slice %arg10[%add3A_55, %dma_start3A_57] : memref<10112x48xf32, #tpu.memory_space<vmem_shared>> -> memref<8x48xf32, #tpu.memory_space<vmem_shared>>
        %dma_start3A_59 = arith.constant 0 : i32
        %dma_start3A_60 = tpu.memref_slice %arg10[%add3A_55, %dma_start3A_59] : memref<10112x48xf32, #tpu.memory_space<vmem_shared>> -> memref<8x48xf32, #tpu.memory_space<vmem_shared>>
        tpu.enqueue_dma source(%arg9 : memref<8x48xf32, #tpu.memory_space<vmem>>) target(%dma_start3A_60 : memref<8x48xf32, #tpu.memory_space<vmem_shared>>) target_semaphore(%run_scoped3A_56 : memref<!tpu.dma_semaphore, #tpu.memory_space<semaphore_mem>>)
        %dma_wait3A_61 = arith.constant 0 : i32
        %dma_wait3A_62 = tpu.memref_slice %arg10[%add3A_55, %dma_wait3A_61] : memref<10112x48xf32, #tpu.memory_space<vmem_shared>> -> memref<8x48xf32, #tpu.memory_space<vmem_shared>>
        %dma_wait3A_63 = arith.constant 0 : i32
        %dma_wait3A_64 = tpu.memref_slice %arg10[%add3A_55, %dma_wait3A_63] : memref<10112x48xf32, #tpu.memory_space<vmem_shared>> -> memref<8x48xf32, #tpu.memory_space<vmem_shared>>
        tpu.wait_dma2 semaphore(%run_scoped3A_56 : memref<!tpu.dma_semaphore, #tpu.memory_space<semaphore_mem>>) src(%arg9 : memref<8x48xf32, #tpu.memory_space<vmem>>) dst(%dma_wait3A_64 : memref<8x48xf32, #tpu.memory_space<vmem_shared>>)
        tpu.yield
      }) : () -> ()
    }
    %scan3A_11 = arith.constant 79 : i32
    %run_scoped3A = arith.constant 0 : i32
    "tpu.region"() ({
      %run_scoped3A_50 = tpu.sem_alloc : memref<!tpu.dma_semaphore, #tpu.memory_space<semaphore_mem>>
      %dma_start3A_51 = arith.constant 0 : i32
      %dma_start3A_52 = arith.constant 0 : i32
      %dma_start3A_53 = tpu.memref_slice %arg3[%run_scoped3A, %add3A, %dma_start3A_51, %dma_start3A_52] : memref<2x32x100x100xi32, #tpu.memory_space<hbm>> -> memref<1x1x100x100xi32, #tpu.memory_space<hbm>>
      %dma_start3A_54 = tpu.memref_squeeze %dma_start3A_53 : memref<1x1x100x100xi32, #tpu.memory_space<hbm>> -> memref<100x100xi32, #tpu.memory_space<hbm>>
      %dma_start3A_55 = arith.constant 0 : i32
      %dma_start3A_56 = arith.constant 0 : i32
      %dma_start3A_57 = tpu.memref_slice %arg3[%run_scoped3A, %add3A, %dma_start3A_55, %dma_start3A_56] : memref<2x32x100x100xi32, #tpu.memory_space<hbm>> -> memref<1x1x100x100xi32, #tpu.memory_space<hbm>>
      %dma_start3A_58 = tpu.memref_squeeze %dma_start3A_57 : memref<1x1x100x100xi32, #tpu.memory_space<hbm>> -> memref<100x100xi32, #tpu.memory_space<hbm>>
      tpu.enqueue_dma source(%dma_start3A_58 : memref<100x100xi32, #tpu.memory_space<hbm>>) target(%arg5 : memref<100x100xi32, #tpu.memory_space<vmem>>) target_semaphore(%run_scoped3A_50 : memref<!tpu.dma_semaphore, #tpu.memory_space<semaphore_mem>>)
      %dma_wait3A_59 = arith.constant 0 : i32
      %dma_wait3A_60 = arith.constant 0 : i32
      %dma_wait3A_61 = tpu.memref_slice %arg3[%run_scoped3A, %add3A, %dma_wait3A_59, %dma_wait3A_60] : memref<2x32x100x100xi32, #tpu.memory_space<hbm>> -> memref<1x1x100x100xi32, #tpu.memory_space<hbm>>
      %dma_wait3A_62 = tpu.memref_squeeze %dma_wait3A_61 : memref<1x1x100x100xi32, #tpu.memory_space<hbm>> -> memref<100x100xi32, #tpu.memory_space<hbm>>
      %dma_wait3A_63 = arith.constant 0 : i32
      %dma_wait3A_64 = arith.constant 0 : i32
      %dma_wait3A_65 = tpu.memref_slice %arg3[%run_scoped3A, %add3A, %dma_wait3A_63, %dma_wait3A_64] : memref<2x32x100x100xi32, #tpu.memory_space<hbm>> -> memref<1x1x100x100xi32, #tpu.memory_space<hbm>>
      %dma_wait3A_66 = tpu.memref_squeeze %dma_wait3A_65 : memref<1x1x100x100xi32, #tpu.memory_space<hbm>> -> memref<100x100xi32, #tpu.memory_space<hbm>>
      tpu.wait_dma2 semaphore(%run_scoped3A_50 : memref<!tpu.dma_semaphore, #tpu.memory_space<semaphore_mem>>) src(%dma_wait3A_66 : memref<100x100xi32, #tpu.memory_space<hbm>>) dst(%arg5 : memref<100x100xi32, #tpu.memory_space<vmem>>)
      tpu.yield
    }) : () -> ()
    %run_scoped3A_12 = arith.constant 1 : i32
    "tpu.region"() ({
      %run_scoped3A_50 = tpu.sem_alloc : memref<!tpu.dma_semaphore, #tpu.memory_space<semaphore_mem>>
      %dma_start3A_51 = arith.constant 0 : i32
      %dma_start3A_52 = arith.constant 0 : i32
      %dma_start3A_53 = tpu.memref_slice %arg3[%run_scoped3A_12, %add3A, %dma_start3A_51, %dma_start3A_52] : memref<2x32x100x100xi32, #tpu.memory_space<hbm>> -> memref<1x1x100x100xi32, #tpu.memory_space<hbm>>
      %dma_start3A_54 = tpu.memref_squeeze %dma_start3A_53 : memref<1x1x100x100xi32, #tpu.memory_space<hbm>> -> memref<100x100xi32, #tpu.memory_space<hbm>>
      %dma_start3A_55 = arith.constant 0 : i32
      %dma_start3A_56 = arith.constant 0 : i32
      %dma_start3A_57 = tpu.memref_slice %arg3[%run_scoped3A_12, %add3A, %dma_start3A_55, %dma_start3A_56] : memref<2x32x100x100xi32, #tpu.memory_space<hbm>> -> memref<1x1x100x100xi32, #tpu.memory_space<hbm>>
      %dma_start3A_58 = tpu.memref_squeeze %dma_start3A_57 : memref<1x1x100x100xi32, #tpu.memory_space<hbm>> -> memref<100x100xi32, #tpu.memory_space<hbm>>
      tpu.enqueue_dma source(%dma_start3A_58 : memref<100x100xi32, #tpu.memory_space<hbm>>) target(%arg6 : memref<100x100xi32, #tpu.memory_space<vmem>>) target_semaphore(%run_scoped3A_50 : memref<!tpu.dma_semaphore, #tpu.memory_space<semaphore_mem>>)
      %dma_wait3A_59 = arith.constant 0 : i32
      %dma_wait3A_60 = arith.constant 0 : i32
      %dma_wait3A_61 = tpu.memref_slice %arg3[%run_scoped3A_12, %add3A, %dma_wait3A_59, %dma_wait3A_60] : memref<2x32x100x100xi32, #tpu.memory_space<hbm>> -> memref<1x1x100x100xi32, #tpu.memory_space<hbm>>
      %dma_wait3A_62 = tpu.memref_squeeze %dma_wait3A_61 : memref<1x1x100x100xi32, #tpu.memory_space<hbm>> -> memref<100x100xi32, #tpu.memory_space<hbm>>
      %dma_wait3A_63 = arith.constant 0 : i32
      %dma_wait3A_64 = arith.constant 0 : i32
      %dma_wait3A_65 = tpu.memref_slice %arg3[%run_scoped3A_12, %add3A, %dma_wait3A_63, %dma_wait3A_64] : memref<2x32x100x100xi32, #tpu.memory_space<hbm>> -> memref<1x1x100x100xi32, #tpu.memory_space<hbm>>
      %dma_wait3A_66 = tpu.memref_squeeze %dma_wait3A_65 : memref<1x1x100x100xi32, #tpu.memory_space<hbm>> -> memref<100x100xi32, #tpu.memory_space<hbm>>
      tpu.wait_dma2 semaphore(%run_scoped3A_50 : memref<!tpu.dma_semaphore, #tpu.memory_space<semaphore_mem>>) src(%dma_wait3A_66 : memref<100x100xi32, #tpu.memory_space<hbm>>) dst(%arg6 : memref<100x100xi32, #tpu.memory_space<vmem>>)
      tpu.yield
    }) : () -> ()
    %barrier3A = arith.constant 0 : index
    tpu.barrier barrier_id(%barrier3A)
    %dma_start3A = arith.constant 0 : i32
    %dma_start3A_13 = arith.constant 0 : i32
    %dma_start3A_14 = tpu.memref_slice %arg5[%dma_start3A, %dma_start3A_13] : memref<100x100xi32, #tpu.memory_space<vmem>> -> memref<1x100xi32, #tpu.memory_space<vmem>>
    %dma_start3A_15 = tpu.memref_squeeze %dma_start3A_14 : memref<1x100xi32, #tpu.memory_space<vmem>> -> memref<100xi32, #tpu.memory_space<vmem>>
    %dma_start3A_16 = arith.constant 0 : i32
    %dma_start3A_17 = arith.constant 0 : i32
    %dma_start3A_18 = tpu.memref_slice %arg2[%dma_start3A_16, %dma_start3A_17] : memref<10000x48xf32, #tpu.memory_space<hbm>> -> memref<10000x48xf32, #tpu.memory_space<hbm>>
    tpu.enqueue_indirect_dma source(%dma_start3A_18 : memref<10000x48xf32, #tpu.memory_space<hbm>>) target(%arg7 : memref<100x48xf32, #tpu.memory_space<vmem>>) offsets(%dma_start3A_15 : memref<100xi32, #tpu.memory_space<vmem>>) semaphore(%arg11 : memref<!tpu.dma_semaphore, #tpu.memory_space<semaphore_mem>>)
    %dma_start3A_19 = arith.constant 1 : i32
    %dma_start3A_20 = arith.constant 0 : i32
    %dma_start3A_21 = tpu.memref_slice %arg5[%dma_start3A_19, %dma_start3A_20] : memref<100x100xi32, #tpu.memory_space<vmem>> -> memref<1x100xi32, #tpu.memory_space<vmem>>
    %dma_start3A_22 = tpu.memref_squeeze %dma_start3A_21 : memref<1x100xi32, #tpu.memory_space<vmem>> -> memref<100xi32, #tpu.memory_space<vmem>>
    %dma_start3A_23 = arith.constant 0 : i32
    %dma_start3A_24 = arith.constant 0 : i32
    %dma_start3A_25 = tpu.memref_slice %arg2[%dma_start3A_23, %dma_start3A_24] : memref<10000x48xf32, #tpu.memory_space<hbm>> -> memref<10000x48xf32, #tpu.memory_space<hbm>>
    tpu.enqueue_indirect_dma source(%dma_start3A_25 : memref<10000x48xf32, #tpu.memory_space<hbm>>) target(%arg8 : memref<100x48xf32, #tpu.memory_space<vmem>>) offsets(%dma_start3A_22 : memref<100xi32, #tpu.memory_space<vmem>>) semaphore(%arg12 : memref<!tpu.dma_semaphore, #tpu.memory_space<semaphore_mem>>)
    %scan3A_26 = arith.constant 0 : i32
    %scan3A_27 = arith.constant 0 : i32
    %scan3A_28 = arith.constant 50 : i32
    %scan3A_29 = arith.addi %scan3A_27, %scan3A_28 : i32
    %scan3A_30 = arith.constant 1 : i32
    scf.for %scan3A_50 = %scan3A_27 to %scan3A_29 step %scan3A_30  : i32 {
      %mul3A_51 = arith.constant 2 : i32
      %mul3A_52 = arith.muli %scan3A_50, %mul3A_51 : i32
      %dma_wait3A_53 = arith.constant 0 : i32
      %dma_wait3A_54 = arith.constant 0 : i32
      %dma_wait3A_55 = tpu.memref_slice %arg5[%dma_wait3A_53, %dma_wait3A_54] : memref<100x100xi32, #tpu.memory_space<vmem>> -> memref<1x100xi32, #tpu.memory_space<vmem>>
      %dma_wait3A_56 = tpu.memref_squeeze %dma_wait3A_55 : memref<1x100xi32, #tpu.memory_space<vmem>> -> memref<100xi32, #tpu.memory_space<vmem>>
      %dma_wait3A_57 = arith.constant 0 : i32
      %dma_wait3A_58 = arith.constant 0 : i32
      %dma_wait3A_59 = tpu.memref_slice %arg2[%dma_wait3A_57, %dma_wait3A_58] : memref<10000x48xf32, #tpu.memory_space<hbm>> -> memref<10000x48xf32, #tpu.memory_space<hbm>>
      tpu.wait_indirect_dma semaphore(%arg11 : memref<!tpu.dma_semaphore, #tpu.memory_space<semaphore_mem>>) src(%dma_wait3A_59 : memref<10000x48xf32, #tpu.memory_space<hbm>>) dst(%arg7 : memref<100x48xf32, #tpu.memory_space<vmem>>)
      %add3A_60 = arith.constant 0 : i32
      %add3A_61 = arith.addi %mul3A_52, %add3A_60 : i32
      %dma_start3A_62 = arith.constant 0 : i32
      %dma_start3A_63 = tpu.memref_slice %arg6[%add3A_61, %dma_start3A_62] : memref<100x100xi32, #tpu.memory_space<vmem>> -> memref<1x100xi32, #tpu.memory_space<vmem>>
      %dma_start3A_64 = tpu.memref_squeeze %dma_start3A_63 : memref<1x100xi32, #tpu.memory_space<vmem>> -> memref<100xi32, #tpu.memory_space<vmem>>
      %dma_start3A_65 = arith.constant 0 : i32
      %dma_start3A_66 = arith.constant 0 : i32
      %dma_start3A_67 = tpu.memref_slice %arg10[%dma_start3A_65, %dma_start3A_66] : memref<10112x48xf32, #tpu.memory_space<vmem_shared>> -> memref<10112x48xf32, #tpu.memory_space<vmem_shared>>
      tpu.enqueue_indirect_dma source(%arg7 : memref<100x48xf32, #tpu.memory_space<vmem>>) target(%dma_start3A_67 : memref<10112x48xf32, #tpu.memory_space<vmem_shared>>) offsets(%dma_start3A_64 : memref<100xi32, #tpu.memory_space<vmem>>) semaphore(%arg13 : memref<!tpu.dma_semaphore, #tpu.memory_space<semaphore_mem>>) {add = true}
      %dma_wait3A_68 = arith.constant 0 : i32
      %dma_wait3A_69 = arith.constant 0 : i32
      %dma_wait3A_70 = tpu.memref_slice %arg5[%dma_wait3A_68, %dma_wait3A_69] : memref<100x100xi32, #tpu.memory_space<vmem>> -> memref<1x100xi32, #tpu.memory_space<vmem>>
      %dma_wait3A_71 = tpu.memref_squeeze %dma_wait3A_70 : memref<1x100xi32, #tpu.memory_space<vmem>> -> memref<100xi32, #tpu.memory_space<vmem>>
      %dma_wait3A_72 = arith.constant 0 : i32
      %dma_wait3A_73 = arith.constant 0 : i32
      %dma_wait3A_74 = tpu.memref_slice %arg2[%dma_wait3A_72, %dma_wait3A_73] : memref<10000x48xf32, #tpu.memory_space<hbm>> -> memref<10000x48xf32, #tpu.memory_space<hbm>>
      tpu.wait_indirect_dma semaphore(%arg12 : memref<!tpu.dma_semaphore, #tpu.memory_space<semaphore_mem>>) src(%dma_wait3A_74 : memref<10000x48xf32, #tpu.memory_space<hbm>>) dst(%arg8 : memref<100x48xf32, #tpu.memory_space<vmem>>)
      %add3A_75 = arith.constant 1 : i32
      %add3A_76 = arith.addi %mul3A_52, %add3A_75 : i32
      %dma_start3A_77 = arith.constant 0 : i32
      %dma_start3A_78 = tpu.memref_slice %arg6[%add3A_76, %dma_start3A_77] : memref<100x100xi32, #tpu.memory_space<vmem>> -> memref<1x100xi32, #tpu.memory_space<vmem>>
      %dma_start3A_79 = tpu.memref_squeeze %dma_start3A_78 : memref<1x100xi32, #tpu.memory_space<vmem>> -> memref<100xi32, #tpu.memory_space<vmem>>
      %dma_start3A_80 = arith.constant 0 : i32
      %dma_start3A_81 = arith.constant 0 : i32
      %dma_start3A_82 = tpu.memref_slice %arg10[%dma_start3A_80, %dma_start3A_81] : memref<10112x48xf32, #tpu.memory_space<vmem_shared>> -> memref<10112x48xf32, #tpu.memory_space<vmem_shared>>
      tpu.enqueue_indirect_dma source(%arg8 : memref<100x48xf32, #tpu.memory_space<vmem>>) target(%dma_start3A_82 : memref<10112x48xf32, #tpu.memory_space<vmem_shared>>) offsets(%dma_start3A_79 : memref<100xi32, #tpu.memory_space<vmem>>) semaphore(%arg14 : memref<!tpu.dma_semaphore, #tpu.memory_space<semaphore_mem>>) {add = true}
      %lt3A = arith.constant 49 : i32
      %lt3A_83 = arith.cmpi slt, %scan3A_50, %lt3A : i32
      %convert_element_type3A = arith.extui %lt3A_83 : i1 to i32
      %cond3A = arith.constant 0 : i32
      %cond3A_84 = arith.cmpi ne, %convert_element_type3A, %cond3A : i32
      scf.if %cond3A_84 {
        %dma_wait3A_85 = arith.constant 0 : i32
        %dma_wait3A_86 = arith.constant 0 : i32
        %dma_wait3A_87 = tpu.memref_slice %arg6[%dma_wait3A_85, %dma_wait3A_86] : memref<100x100xi32, #tpu.memory_space<vmem>> -> memref<1x100xi32, #tpu.memory_space<vmem>>
        %dma_wait3A_88 = tpu.memref_squeeze %dma_wait3A_87 : memref<1x100xi32, #tpu.memory_space<vmem>> -> memref<100xi32, #tpu.memory_space<vmem>>
        %dma_wait3A_89 = arith.constant 0 : i32
        %dma_wait3A_90 = arith.constant 0 : i32
        %dma_wait3A_91 = tpu.memref_slice %arg10[%dma_wait3A_89, %dma_wait3A_90] : memref<10112x48xf32, #tpu.memory_space<vmem_shared>> -> memref<10112x48xf32, #tpu.memory_space<vmem_shared>>
        tpu.wait_indirect_dma semaphore(%arg13 : memref<!tpu.dma_semaphore, #tpu.memory_space<semaphore_mem>>) src(%arg7 : memref<100x48xf32, #tpu.memory_space<vmem>>) dst(%dma_wait3A_91 : memref<10112x48xf32, #tpu.memory_space<vmem_shared>>)
        %add3A_92 = arith.constant 2 : i32
        %add3A_93 = arith.addi %mul3A_52, %add3A_92 : i32
        %add3A_94 = arith.constant 0 : i32
        %add3A_95 = arith.addi %add3A_93, %add3A_94 : i32
        %dma_start3A_96 = arith.constant 0 : i32
        %dma_start3A_97 = tpu.memref_slice %arg5[%add3A_95, %dma_start3A_96] : memref<100x100xi32, #tpu.memory_space<vmem>> -> memref<1x100xi32, #tpu.memory_space<vmem>>
        %dma_start3A_98 = tpu.memref_squeeze %dma_start3A_97 : memref<1x100xi32, #tpu.memory_space<vmem>> -> memref<100xi32, #tpu.memory_space<vmem>>
        %dma_start3A_99 = arith.constant 0 : i32
        %dma_start3A_100 = arith.constant 0 : i32
        %dma_start3A_101 = tpu.memref_slice %arg2[%dma_start3A_99, %dma_start3A_100] : memref<10000x48xf32, #tpu.memory_space<hbm>> -> memref<10000x48xf32, #tpu.memory_space<hbm>>
        tpu.enqueue_indirect_dma source(%dma_start3A_101 : memref<10000x48xf32, #tpu.memory_space<hbm>>) target(%arg7 : memref<100x48xf32, #tpu.memory_space<vmem>>) offsets(%dma_start3A_98 : memref<100xi32, #tpu.memory_space<vmem>>) semaphore(%arg11 : memref<!tpu.dma_semaphore, #tpu.memory_space<semaphore_mem>>)
        %dma_wait3A_102 = arith.constant 0 : i32
        %dma_wait3A_103 = arith.constant 0 : i32
        %dma_wait3A_104 = tpu.memref_slice %arg6[%dma_wait3A_102, %dma_wait3A_103] : memref<100x100xi32, #tpu.memory_space<vmem>> -> memref<1x100xi32, #tpu.memory_space<vmem>>
        %dma_wait3A_105 = tpu.memref_squeeze %dma_wait3A_104 : memref<1x100xi32, #tpu.memory_space<vmem>> -> memref<100xi32, #tpu.memory_space<vmem>>
        %dma_wait3A_106 = arith.constant 0 : i32
        %dma_wait3A_107 = arith.constant 0 : i32
        %dma_wait3A_108 = tpu.memref_slice %arg10[%dma_wait3A_106, %dma_wait3A_107] : memref<10112x48xf32, #tpu.memory_space<vmem_shared>> -> memref<10112x48xf32, #tpu.memory_space<vmem_shared>>
        tpu.wait_indirect_dma semaphore(%arg14 : memref<!tpu.dma_semaphore, #tpu.memory_space<semaphore_mem>>) src(%arg8 : memref<100x48xf32, #tpu.memory_space<vmem>>) dst(%dma_wait3A_108 : memref<10112x48xf32, #tpu.memory_space<vmem_shared>>)
        %add3A_109 = arith.constant 2 : i32
        %add3A_110 = arith.addi %mul3A_52, %add3A_109 : i32
        %add3A_111 = arith.constant 1 : i32
        %add3A_112 = arith.addi %add3A_110, %add3A_111 : i32
        %dma_start3A_113 = arith.constant 0 : i32
        %dma_start3A_114 = tpu.memref_slice %arg5[%add3A_112, %dma_start3A_113] : memref<100x100xi32, #tpu.memory_space<vmem>> -> memref<1x100xi32, #tpu.memory_space<vmem>>
        %dma_start3A_115 = tpu.memref_squeeze %dma_start3A_114 : memref<1x100xi32, #tpu.memory_space<vmem>> -> memref<100xi32, #tpu.memory_space<vmem>>
        %dma_start3A_116 = arith.constant 0 : i32
        %dma_start3A_117 = arith.constant 0 : i32
        %dma_start3A_118 = tpu.memref_slice %arg2[%dma_start3A_116, %dma_start3A_117] : memref<10000x48xf32, #tpu.memory_space<hbm>> -> memref<10000x48xf32, #tpu.memory_space<hbm>>
        tpu.enqueue_indirect_dma source(%dma_start3A_118 : memref<10000x48xf32, #tpu.memory_space<hbm>>) target(%arg8 : memref<100x48xf32, #tpu.memory_space<vmem>>) offsets(%dma_start3A_115 : memref<100xi32, #tpu.memory_space<vmem>>) semaphore(%arg12 : memref<!tpu.dma_semaphore, #tpu.memory_space<semaphore_mem>>)
      } else {
      }
    }
    %scan3A_31 = arith.constant 50 : i32
    %dma_wait3A = arith.constant 0 : i32
    %dma_wait3A_32 = arith.constant 0 : i32
    %dma_wait3A_33 = tpu.memref_slice %arg6[%dma_wait3A, %dma_wait3A_32] : memref<100x100xi32, #tpu.memory_space<vmem>> -> memref<1x100xi32, #tpu.memory_space<vmem>>
    %dma_wait3A_34 = tpu.memref_squeeze %dma_wait3A_33 : memref<1x100xi32, #tpu.memory_space<vmem>> -> memref<100xi32, #tpu.memory_space<vmem>>
    %dma_wait3A_35 = arith.constant 0 : i32
    %dma_wait3A_36 = arith.constant 0 : i32
    %dma_wait3A_37 = tpu.memref_slice %arg10[%dma_wait3A_35, %dma_wait3A_36] : memref<10112x48xf32, #tpu.memory_space<vmem_shared>> -> memref<10112x48xf32, #tpu.memory_space<vmem_shared>>
    tpu.wait_indirect_dma semaphore(%arg13 : memref<!tpu.dma_semaphore, #tpu.memory_space<semaphore_mem>>) src(%arg7 : memref<100x48xf32, #tpu.memory_space<vmem>>) dst(%dma_wait3A_37 : memref<10112x48xf32, #tpu.memory_space<vmem_shared>>)
    %dma_wait3A_38 = arith.constant 0 : i32
    %dma_wait3A_39 = arith.constant 0 : i32
    %dma_wait3A_40 = tpu.memref_slice %arg6[%dma_wait3A_38, %dma_wait3A_39] : memref<100x100xi32, #tpu.memory_space<vmem>> -> memref<1x100xi32, #tpu.memory_space<vmem>>
    %dma_wait3A_41 = tpu.memref_squeeze %dma_wait3A_40 : memref<1x100xi32, #tpu.memory_space<vmem>> -> memref<100xi32, #tpu.memory_space<vmem>>
    %dma_wait3A_42 = arith.constant 0 : i32
    %dma_wait3A_43 = arith.constant 0 : i32
    %dma_wait3A_44 = tpu.memref_slice %arg10[%dma_wait3A_42, %dma_wait3A_43] : memref<10112x48xf32, #tpu.memory_space<vmem_shared>> -> memref<10112x48xf32, #tpu.memory_space<vmem_shared>>
    tpu.wait_indirect_dma semaphore(%arg14 : memref<!tpu.dma_semaphore, #tpu.memory_space<semaphore_mem>>) src(%arg8 : memref<100x48xf32, #tpu.memory_space<vmem>>) dst(%dma_wait3A_44 : memref<10112x48xf32, #tpu.memory_space<vmem_shared>>)
    %barrier3A_45 = arith.constant 0 : index
    tpu.barrier barrier_id(%barrier3A_45)
    %mul3A_46 = arith.constant 632 : i32
    %mul3A_47 = arith.muli %arg1, %mul3A_46 : i32
    %mul3A_48 = arith.constant 632 : i32
    %mul3A_49 = arith.muli %arg1, %mul3A_48 : i32
    "tpu.region"() ({
      %run_scoped3A_50 = tpu.sem_alloc : memref<!tpu.dma_semaphore, #tpu.memory_space<semaphore_mem>>
      %dma_start3A_51 = arith.constant 0 : i32
      %dma_start3A_52 = arith.constant 0 : i32
      %dma_start3A_53 = tpu.memref_slice %arg4[%arg0, %dma_start3A_51, %dma_start3A_52] : memref<2x10112x48xf32, #tpu.memory_space<hbm>> -> memref<1x10112x48xf32, #tpu.memory_space<hbm>>
      %dma_start3A_54 = tpu.memref_squeeze %dma_start3A_53 : memref<1x10112x48xf32, #tpu.memory_space<hbm>> -> memref<10112x48xf32, #tpu.memory_space<hbm>>
      %dma_start3A_55 = arith.constant 0 : i32
      %dma_start3A_56 = tpu.memref_slice %dma_start3A_54[%mul3A_49, %dma_start3A_55] : memref<10112x48xf32, #tpu.memory_space<hbm>> -> memref<632x48xf32, #tpu.memory_space<hbm>>
      %dma_start3A_57 = arith.constant 0 : i32
      %dma_start3A_58 = tpu.memref_slice %arg10[%mul3A_47, %dma_start3A_57] : memref<10112x48xf32, #tpu.memory_space<vmem_shared>> -> memref<632x48xf32, #tpu.memory_space<vmem_shared>>
      tpu.enqueue_dma source(%dma_start3A_58 : memref<632x48xf32, #tpu.memory_space<vmem_shared>>) target(%dma_start3A_56 : memref<632x48xf32, #tpu.memory_space<hbm>>) target_semaphore(%run_scoped3A_50 : memref<!tpu.dma_semaphore, #tpu.memory_space<semaphore_mem>>)
      %dma_wait3A_59 = arith.constant 0 : i32
      %dma_wait3A_60 = arith.constant 0 : i32
      %dma_wait3A_61 = tpu.memref_slice %arg4[%arg0, %dma_wait3A_59, %dma_wait3A_60] : memref<2x10112x48xf32, #tpu.memory_space<hbm>> -> memref<1x10112x48xf32, #tpu.memory_space<hbm>>
      %dma_wait3A_62 = tpu.memref_squeeze %dma_wait3A_61 : memref<1x10112x48xf32, #tpu.memory_space<hbm>> -> memref<10112x48xf32, #tpu.memory_space<hbm>>
      %dma_wait3A_63 = arith.constant 0 : i32
      %dma_wait3A_64 = tpu.memref_slice %dma_wait3A_62[%mul3A_49, %dma_wait3A_63] : memref<10112x48xf32, #tpu.memory_space<hbm>> -> memref<632x48xf32, #tpu.memory_space<hbm>>
      %dma_wait3A_65 = arith.constant 0 : i32
      %dma_wait3A_66 = tpu.memref_slice %arg10[%mul3A_47, %dma_wait3A_65] : memref<10112x48xf32, #tpu.memory_space<vmem_shared>> -> memref<632x48xf32, #tpu.memory_space<vmem_shared>>
      tpu.wait_dma2 semaphore(%run_scoped3A_50 : memref<!tpu.dma_semaphore, #tpu.memory_space<semaphore_mem>>) src(%dma_wait3A_66 : memref<632x48xf32, #tpu.memory_space<vmem_shared>>) dst(%dma_wait3A_64 : memref<632x48xf32, #tpu.memory_space<hbm>>)
      tpu.yield
    }) : () -> ()
    return
  }
}

module attributes {stable_mosaic.version = 14 : i64} {
  func.func @_tck0_body(%arg0: i32, %arg1: memref<2000x128xf32, #tpu.memory_space<vmem>>, %arg2: memref<2000x1xf32, #tpu.memory_space<vmem>>, %arg3: memref<2000x128xf32, #tpu.memory_space<vmem>>) attributes {dimension_semantics = [#tpu.dimension_semantics<arbitrary>], iteration_bounds = array<i64: 5>, scalar_prefetch = 0 : i64, scratch_operands = 0 : i64, tpu.core_type = #tpu.core_type<tc>, window_params = [{transform_indices = @transform_0, window_bounds = array<i64: 2000, 128>}, {transform_indices = @transform_1, window_bounds = array<i64: 2000, 1>}, {transform_indices = @transform_2, window_bounds = array<i64: 2000, 128>}]} {
    %get3A = arith.constant 0 : index
    %get3A_0 = arith.constant 0 : index
    %get3A_1 = vector.load %arg2[%get3A, %get3A_0] : memref<2000x1xf32, #tpu.memory_space<vmem>>, vector<2000x1xf32>
    %get3A_2 = arith.constant 0 : index
    %get3A_3 = arith.constant 0 : index
    %get3A_4 = vector.load %arg1[%get3A_2, %get3A_3] : memref<2000x128xf32, #tpu.memory_space<vmem>>, vector<2000x128xf32>
    %mul3A = vector.broadcast %get3A_1 : vector<2000x1xf32> to vector<2000x128xf32>
    %mul3A_5 = arith.mulf %mul3A, %get3A_4 : vector<2000x128xf32>
    %swap3A = arith.constant 0 : index
    %swap3A_6 = arith.constant 0 : index
    %swap3A_7 = vector.load %arg3[%swap3A, %swap3A_6] : memref<2000x128xf32, #tpu.memory_space<vmem>>, vector<2000x128xf32>
    tpu.vector_store %arg3[%swap3A, %swap3A_6], %mul3A_5 {strides = array<i32>} : memref<2000x128xf32, #tpu.memory_space<vmem>>, vector<2000x128xf32>,
    return
  }
  func.func @transform_0(%arg0: i32) -> (i32, i32) {
    %c0_i32 = arith.constant 0 : i32
    %c0_i32_0 = arith.constant 0 : i32
    return %arg0, %c0_i32 : i32, i32
  }
  func.func @transform_1(%arg0: i32) -> (i32, i32) {
    %c0_i32 = arith.constant 0 : i32
    %c0_i32_0 = arith.constant 0 : i32
    return %arg0, %c0_i32 : i32, i32
  }
  func.func @transform_2(%arg0: i32) -> (i32, i32) {
    %c0_i32 = arith.constant 0 : i32
    %c0_i32_0 = arith.constant 0 : i32
    return %arg0, %c0_i32 : i32, i32
  }
}

module attributes {stable_mosaic.version = 14 : i64} {
  func.func @_tck1_body(%arg0: i32, %arg1: memref<2x2000x128xf32, #tpu.memory_space<vmem>>, %arg2: memref<2000x128xf32, #tpu.memory_space<vmem>>, %arg3: memref<2000x1xf32, #tpu.memory_space<vmem>>, %arg4: memref<128x256xf32, #tpu.memory_space<vmem>>, %arg5: memref<1x256xf32, #tpu.memory_space<vmem>>, %arg6: memref<2000x128xf32, #tpu.memory_space<vmem>>, %arg7: memref<2000x128xf32, #tpu.memory_space<vmem>>) attributes {dimension_semantics = [#tpu.dimension_semantics<arbitrary>], iteration_bounds = array<i64: 5>, scalar_prefetch = 0 : i64, scratch_operands = 0 : i64, tpu.core_type = #tpu.core_type<tc>, window_params = [{transform_indices = @transform_0, window_bounds = array<i64: 2, 2000, 128>}, {transform_indices = @transform_1, window_bounds = array<i64: 2000, 128>}, {transform_indices = @transform_2, window_bounds = array<i64: 2000, 1>}, {pipeline_mode = #tpu.pipeline_mode<synchronous>, transform_indices = @transform_3, window_bounds = array<i64: 128, 256>}, {pipeline_mode = #tpu.pipeline_mode<synchronous>, transform_indices = @transform_4, window_bounds = array<i64: 1, 256>}, {transform_indices = @transform_5, window_bounds = array<i64: 2000, 128>}, {transform_indices = @transform_6, window_bounds = array<i64: 2000, 128>}]} {
    %get3A = arith.constant 0 : index
    %get3A_0 = arith.constant 0 : index
    %get3A_1 = vector.load %arg3[%get3A, %get3A_0] : memref<2000x1xf32, #tpu.memory_space<vmem>>, vector<2000x1xf32>
    %get3A_2 = arith.constant 0 : index
    %get3A_3 = arith.constant 0 : index
    %get3A_4 = arith.constant 0 : index
    %get3A_5 = vector.load %arg1[%get3A_2, %get3A_3, %get3A_4] : memref<2x2000x128xf32, #tpu.memory_space<vmem>>, vector<1x2000x128xf32>
    %get3A_6 = vector.shape_cast %get3A_5 : vector<1x2000x128xf32> to vector<2000x128xf32>
    %get3A_7 = arith.constant 1 : index
    %get3A_8 = arith.constant 0 : index
    %get3A_9 = arith.constant 0 : index
    %get3A_10 = vector.load %arg1[%get3A_7, %get3A_8, %get3A_9] : memref<2x2000x128xf32, #tpu.memory_space<vmem>>, vector<1x2000x128xf32>
    %get3A_11 = vector.shape_cast %get3A_10 : vector<1x2000x128xf32> to vector<2000x128xf32>
    %add3A = arith.addf %get3A_6, %get3A_11 : vector<2000x128xf32>
    %get3A_12 = arith.constant 0 : index
    %get3A_13 = arith.constant 0 : index
    %get3A_14 = vector.load %arg2[%get3A_12, %get3A_13] : memref<2000x128xf32, #tpu.memory_space<vmem>>, vector<2000x128xf32>
    %add3A_15 = arith.addf %add3A, %get3A_14 : vector<2000x128xf32>
    %mul3A = vector.broadcast %get3A_1 : vector<2000x1xf32> to vector<2000x128xf32>
    %mul3A_16 = arith.mulf %mul3A, %add3A_15 : vector<2000x128xf32>
    %get3A_17 = arith.constant 0 : index
    %get3A_18 = arith.constant 0 : index
    %get3A_19 = vector.load %arg4[%get3A_17, %get3A_18] : memref<128x256xf32, #tpu.memory_space<vmem>>, vector<128x256xf32>
    %dot_general3A = arith.constant dense<0.000000e+00> : vector<2000x256xf32>
    %dot_general3A_20 = tpu.matmul %mul3A_16, %get3A_19, %dot_general3A {dimension_numbers = #tpu.dot_dimension_numbers<[1], [0], [0], [1], [0, 0, 1, 1], [], []>, transpose_lhs_hint = false} : vector<2000x128xf32>, vector<128x256xf32>, vector<2000x256xf32> -> vector<2000x256xf32>
    %get3A_21 = arith.constant 0 : index
    %get3A_22 = arith.constant 0 : index
    %get3A_23 = vector.load %arg5[%get3A_21, %get3A_22] : memref<1x256xf32, #tpu.memory_space<vmem>>, vector<1x256xf32>
    %add3A_24 = vector.broadcast %get3A_23 : vector<1x256xf32> to vector<2000x256xf32>
    %add3A_25 = arith.addf %dot_general3A_20, %add3A_24 : vector<2000x256xf32>
    %get3A_26 = arith.constant 0 : index
    %get3A_27 = arith.constant 0 : index
    %get3A_28 = vector.load %arg3[%get3A_26, %get3A_27] : memref<2000x1xf32, #tpu.memory_space<vmem>>, vector<2000x1xf32>
    %max3A = arith.constant 0.000000e+00 : f32
    %max3A_29 = vector.broadcast %max3A : f32 to vector<2000x256xf32>
    %max3A_30 = arith.maximumf %add3A_25, %max3A_29 : vector<2000x256xf32>
    %mul3A_31 = vector.broadcast %get3A_28 : vector<2000x1xf32> to vector<2000x256xf32>
    %mul3A_32 = arith.mulf %mul3A_31, %max3A_30 : vector<2000x256xf32>
    %slice3A = vector.extract_strided_slice %mul3A_32 {offsets = [0, 0], sizes = [2000, 128], strides = [1, 1]} : vector<2000x256xf32> to vector<2000x128xf32>
    %swap3A = arith.constant 0 : index
    %swap3A_33 = arith.constant 0 : index
    %swap3A_34 = vector.load %arg6[%swap3A, %swap3A_33] : memref<2000x128xf32, #tpu.memory_space<vmem>>, vector<2000x128xf32>
    tpu.vector_store %arg6[%swap3A, %swap3A_33], %slice3A {strides = array<i32>} : memref<2000x128xf32, #tpu.memory_space<vmem>>, vector<2000x128xf32>,
    %slice3A_35 = vector.extract_strided_slice %mul3A_32 {offsets = [0, 128], sizes = [2000, 128], strides = [1, 1]} : vector<2000x256xf32> to vector<2000x128xf32>
    %swap3A_36 = arith.constant 0 : index
    %swap3A_37 = arith.constant 0 : index
    %swap3A_38 = vector.load %arg7[%swap3A_36, %swap3A_37] : memref<2000x128xf32, #tpu.memory_space<vmem>>, vector<2000x128xf32>
    tpu.vector_store %arg7[%swap3A_36, %swap3A_37], %slice3A_35 {strides = array<i32>} : memref<2000x128xf32, #tpu.memory_space<vmem>>, vector<2000x128xf32>,
    return
  }
  func.func @transform_0(%arg0: i32) -> (i32, i32, i32) {
    %c0_i32 = arith.constant 0 : i32
    %c0_i32_0 = arith.constant 0 : i32
    %c0_i32_1 = arith.constant 0 : i32
    return %c0_i32, %arg0, %c0_i32_0 : i32, i32, i32
  }
  func.func @transform_1(%arg0: i32) -> (i32, i32) {
    %c0_i32 = arith.constant 0 : i32
    %c0_i32_0 = arith.constant 0 : i32
    return %arg0, %c0_i32 : i32, i32
  }
  func.func @transform_2(%arg0: i32) -> (i32, i32) {
    %c0_i32 = arith.constant 0 : i32
    %c0_i32_0 = arith.constant 0 : i32
    return %arg0, %c0_i32 : i32, i32
  }
  func.func @transform_3(%arg0: i32) -> (i32, i32) {
    %c0_i32 = arith.constant 0 : i32
    %c0_i32_0 = arith.constant 0 : i32
    %c0_i32_1 = arith.constant 0 : i32
    return %c0_i32, %c0_i32_0 : i32, i32
  }
  func.func @transform_4(%arg0: i32) -> (i32, i32) {
    %c0_i32 = arith.constant 0 : i32
    %c0_i32_0 = arith.constant 0 : i32
    %c0_i32_1 = arith.constant 0 : i32
    return %c0_i32, %c0_i32_0 : i32, i32
  }
  func.func @transform_5(%arg0: i32) -> (i32, i32) {
    %c0_i32 = arith.constant 0 : i32
    %c0_i32_0 = arith.constant 0 : i32
    return %arg0, %c0_i32 : i32, i32
  }
  func.func @transform_6(%arg0: i32) -> (i32, i32) {
    %c0_i32 = arith.constant 0 : i32
    %c0_i32_0 = arith.constant 0 : i32
    return %arg0, %c0_i32 : i32, i32
  }
}

module attributes {stable_mosaic.version = 14 : i64} {
  func.func @_tck2_body(%arg0: i32, %arg1: memref<2x2000x128xf32, #tpu.memory_space<vmem>>, %arg2: memref<2x2000x128xf32, #tpu.memory_space<vmem>>, %arg3: memref<2000x128xf32, #tpu.memory_space<vmem>>, %arg4: memref<2000x128xf32, #tpu.memory_space<vmem>>, %arg5: memref<2000x1xf32, #tpu.memory_space<vmem>>, %arg6: memref<256x256xf32, #tpu.memory_space<vmem>>, %arg7: memref<1x256xf32, #tpu.memory_space<vmem>>, %arg8: memref<256x40xf32, #tpu.memory_space<vmem>>, %arg9: memref<2000x48xf32, #tpu.memory_space<vmem>>) attributes {dimension_semantics = [#tpu.dimension_semantics<arbitrary>], iteration_bounds = array<i64: 5>, scalar_prefetch = 0 : i64, scratch_operands = 0 : i64, tpu.core_type = #tpu.core_type<tc>, window_params = [{transform_indices = @transform_0, window_bounds = array<i64: 2, 2000, 128>}, {transform_indices = @transform_1, window_bounds = array<i64: 2, 2000, 128>}, {transform_indices = @transform_2, window_bounds = array<i64: 2000, 128>}, {transform_indices = @transform_3, window_bounds = array<i64: 2000, 128>}, {transform_indices = @transform_4, window_bounds = array<i64: 2000, 1>}, {pipeline_mode = #tpu.pipeline_mode<synchronous>, transform_indices = @transform_5, window_bounds = array<i64: 256, 256>}, {pipeline_mode = #tpu.pipeline_mode<synchronous>, transform_indices = @transform_6, window_bounds = array<i64: 1, 256>}, {pipeline_mode = #tpu.pipeline_mode<synchronous>, transform_indices = @transform_7, window_bounds = array<i64: 256, 40>}, {transform_indices = @transform_8, window_bounds = array<i64: 2000, 48>}]} {
    %get3A = arith.constant 0 : index
    %get3A_0 = arith.constant 0 : index
    %get3A_1 = arith.constant 0 : index
    %get3A_2 = vector.load %arg1[%get3A, %get3A_0, %get3A_1] : memref<2x2000x128xf32, #tpu.memory_space<vmem>>, vector<1x2000x128xf32>
    %get3A_3 = vector.shape_cast %get3A_2 : vector<1x2000x128xf32> to vector<2000x128xf32>
    %get3A_4 = arith.constant 1 : index
    %get3A_5 = arith.constant 0 : index
    %get3A_6 = arith.constant 0 : index
    %get3A_7 = vector.load %arg1[%get3A_4, %get3A_5, %get3A_6] : memref<2x2000x128xf32, #tpu.memory_space<vmem>>, vector<1x2000x128xf32>
    %get3A_8 = vector.shape_cast %get3A_7 : vector<1x2000x128xf32> to vector<2000x128xf32>
    %add3A = arith.addf %get3A_3, %get3A_8 : vector<2000x128xf32>
    %get3A_9 = arith.constant 0 : index
    %get3A_10 = arith.constant 0 : index
    %get3A_11 = vector.load %arg3[%get3A_9, %get3A_10] : memref<2000x128xf32, #tpu.memory_space<vmem>>, vector<2000x128xf32>
    %add3A_12 = arith.addf %add3A, %get3A_11 : vector<2000x128xf32>
    %get3A_13 = arith.constant 0 : index
    %get3A_14 = arith.constant 0 : index
    %get3A_15 = arith.constant 0 : index
    %get3A_16 = vector.load %arg2[%get3A_13, %get3A_14, %get3A_15] : memref<2x2000x128xf32, #tpu.memory_space<vmem>>, vector<1x2000x128xf32>
    %get3A_17 = vector.shape_cast %get3A_16 : vector<1x2000x128xf32> to vector<2000x128xf32>
    %get3A_18 = arith.constant 1 : index
    %get3A_19 = arith.constant 0 : index
    %get3A_20 = arith.constant 0 : index
    %get3A_21 = vector.load %arg2[%get3A_18, %get3A_19, %get3A_20] : memref<2x2000x128xf32, #tpu.memory_space<vmem>>, vector<1x2000x128xf32>
    %get3A_22 = vector.shape_cast %get3A_21 : vector<1x2000x128xf32> to vector<2000x128xf32>
    %add3A_23 = arith.addf %get3A_17, %get3A_22 : vector<2000x128xf32>
    %get3A_24 = arith.constant 0 : index
    %get3A_25 = arith.constant 0 : index
    %get3A_26 = vector.load %arg4[%get3A_24, %get3A_25] : memref<2000x128xf32, #tpu.memory_space<vmem>>, vector<2000x128xf32>
    %add3A_27 = arith.addf %add3A_23, %get3A_26 : vector<2000x128xf32>
    %get3A_28 = arith.constant 0 : index
    %get3A_29 = arith.constant 0 : index
    %get3A_30 = vector.load %arg5[%get3A_28, %get3A_29] : memref<2000x1xf32, #tpu.memory_space<vmem>>, vector<2000x1xf32>
    %concatenate3A = tpu.concatenate %add3A_12, %add3A_27 in 1 : vector<2000x128xf32>, vector<2000x128xf32> -> vector<2000x256xf32>
    %mul3A = vector.broadcast %get3A_30 : vector<2000x1xf32> to vector<2000x256xf32>
    %mul3A_31 = arith.mulf %mul3A, %concatenate3A : vector<2000x256xf32>
    %get3A_32 = arith.constant 0 : index
    %get3A_33 = arith.constant 0 : index
    %get3A_34 = vector.load %arg6[%get3A_32, %get3A_33] : memref<256x256xf32, #tpu.memory_space<vmem>>, vector<256x256xf32>
    %dot_general3A = arith.constant dense<0.000000e+00> : vector<2000x256xf32>
    %dot_general3A_35 = tpu.matmul %mul3A_31, %get3A_34, %dot_general3A {dimension_numbers = #tpu.dot_dimension_numbers<[1], [0], [0], [1], [0, 0, 1, 1], [], []>, transpose_lhs_hint = false} : vector<2000x256xf32>, vector<256x256xf32>, vector<2000x256xf32> -> vector<2000x256xf32>
    %get3A_36 = arith.constant 0 : index
    %get3A_37 = arith.constant 0 : index
    %get3A_38 = vector.load %arg7[%get3A_36, %get3A_37] : memref<1x256xf32, #tpu.memory_space<vmem>>, vector<1x256xf32>
    %add3A_39 = vector.broadcast %get3A_38 : vector<1x256xf32> to vector<2000x256xf32>
    %add3A_40 = arith.addf %dot_general3A_35, %add3A_39 : vector<2000x256xf32>
    %max3A = arith.constant 0.000000e+00 : f32
    %max3A_41 = vector.broadcast %max3A : f32 to vector<2000x256xf32>
    %max3A_42 = arith.maximumf %add3A_40, %max3A_41 : vector<2000x256xf32>
    %get3A_43 = arith.constant 0 : index
    %get3A_44 = arith.constant 0 : index
    %get3A_45 = vector.load %arg8[%get3A_43, %get3A_44] : memref<256x40xf32, #tpu.memory_space<vmem>>, vector<256x40xf32>
    %dot_general3A_46 = arith.constant dense<0.000000e+00> : vector<2000x40xf32>
    %dot_general3A_47 = tpu.matmul %max3A_42, %get3A_45, %dot_general3A_46 {dimension_numbers = #tpu.dot_dimension_numbers<[1], [0], [0], [1], [0, 0, 1, 1], [], []>, transpose_lhs_hint = false} : vector<2000x256xf32>, vector<256x40xf32>, vector<2000x40xf32> -> vector<2000x40xf32>
    %get3A_48 = arith.constant 0 : index
    %get3A_49 = arith.constant 0 : index
    %get3A_50 = vector.load %arg5[%get3A_48, %get3A_49] : memref<2000x1xf32, #tpu.memory_space<vmem>>, vector<2000x1xf32>
    %mul3A_51 = vector.broadcast %get3A_50 : vector<2000x1xf32> to vector<2000x40xf32>
    %mul3A_52 = arith.mulf %mul3A_51, %dot_general3A_47 : vector<2000x40xf32>
    %broadcast_in_dim3A = arith.constant 0.000000e+00 : f32
    %broadcast_in_dim3A_53 = vector.broadcast %broadcast_in_dim3A : f32 to vector<2000x8xf32>
    %concatenate3A_54 = tpu.concatenate %mul3A_52, %broadcast_in_dim3A_53 in 1 : vector<2000x40xf32>, vector<2000x8xf32> -> vector<2000x48xf32>
    %swap3A = arith.constant 0 : index
    %swap3A_55 = arith.constant 0 : index
    %swap3A_56 = vector.load %arg9[%swap3A, %swap3A_55] : memref<2000x48xf32, #tpu.memory_space<vmem>>, vector<2000x48xf32>
    tpu.vector_store %arg9[%swap3A, %swap3A_55], %concatenate3A_54 {strides = array<i32>} : memref<2000x48xf32, #tpu.memory_space<vmem>>, vector<2000x48xf32>,
    return
  }
  func.func @transform_0(%arg0: i32) -> (i32, i32, i32) {
    %c0_i32 = arith.constant 0 : i32
    %c0_i32_0 = arith.constant 0 : i32
    %c0_i32_1 = arith.constant 0 : i32
    return %c0_i32, %arg0, %c0_i32_0 : i32, i32, i32
  }
  func.func @transform_1(%arg0: i32) -> (i32, i32, i32) {
    %c0_i32 = arith.constant 0 : i32
    %c0_i32_0 = arith.constant 0 : i32
    %c0_i32_1 = arith.constant 0 : i32
    return %c0_i32, %arg0, %c0_i32_0 : i32, i32, i32
  }
  func.func @transform_2(%arg0: i32) -> (i32, i32) {
    %c0_i32 = arith.constant 0 : i32
    %c0_i32_0 = arith.constant 0 : i32
    return %arg0, %c0_i32 : i32, i32
  }
  func.func @transform_3(%arg0: i32) -> (i32, i32) {
    %c0_i32 = arith.constant 0 : i32
    %c0_i32_0 = arith.constant 0 : i32
    return %arg0, %c0_i32 : i32, i32
  }
  func.func @transform_4(%arg0: i32) -> (i32, i32) {
    %c0_i32 = arith.constant 0 : i32
    %c0_i32_0 = arith.constant 0 : i32
    return %arg0, %c0_i32 : i32, i32
  }
  func.func @transform_5(%arg0: i32) -> (i32, i32) {
    %c0_i32 = arith.constant 0 : i32
    %c0_i32_0 = arith.constant 0 : i32
    %c0_i32_1 = arith.constant 0 : i32
    return %c0_i32, %c0_i32_0 : i32, i32
  }
  func.func @transform_6(%arg0: i32) -> (i32, i32) {
    %c0_i32 = arith.constant 0 : i32
    %c0_i32_0 = arith.constant 0 : i32
    %c0_i32_1 = arith.constant 0 : i32
    return %c0_i32, %c0_i32_0 : i32, i32
  }
  func.func @transform_7(%arg0: i32) -> (i32, i32) {
    %c0_i32 = arith.constant 0 : i32
    %c0_i32_0 = arith.constant 0 : i32
    %c0_i32_1 = arith.constant 0 : i32
    return %c0_i32, %c0_i32_0 : i32, i32
  }
  func.func @transform_8(%arg0: i32) -> (i32, i32) {
    %c0_i32 = arith.constant 0 : i32
    %c0_i32_0 = arith.constant 0 : i32
    return %arg0, %c0_i32 : i32, i32
  }
}

module attributes {stable_mosaic.version = 14 : i64} {
  func.func @_tck3_body(%arg0: i32, %arg1: memref<2x2000x48xf32, #tpu.memory_space<vmem>>, %arg2: memref<2000x48xf32, #tpu.memory_space<vmem>>, %arg3: memref<2000x1xf32, #tpu.memory_space<vmem>>, %arg4: memref<1x40xf32, #tpu.memory_space<vmem>>, %arg5: memref<2000x40xf32, #tpu.memory_space<vmem>>) attributes {dimension_semantics = [#tpu.dimension_semantics<arbitrary>], iteration_bounds = array<i64: 5>, scalar_prefetch = 0 : i64, scratch_operands = 0 : i64, tpu.core_type = #tpu.core_type<tc>, window_params = [{transform_indices = @transform_0, window_bounds = array<i64: 2, 2000, 48>}, {transform_indices = @transform_1, window_bounds = array<i64: 2000, 48>}, {transform_indices = @transform_2, window_bounds = array<i64: 2000, 1>}, {pipeline_mode = #tpu.pipeline_mode<synchronous>, transform_indices = @transform_3, window_bounds = array<i64: 1, 40>}, {transform_indices = @transform_4, window_bounds = array<i64: 2000, 40>}]} {
    %get3A = arith.constant 0 : index
    %get3A_0 = arith.constant 0 : index
    %get3A_1 = vector.load %arg3[%get3A, %get3A_0] : memref<2000x1xf32, #tpu.memory_space<vmem>>, vector<2000x1xf32>
    %get3A_2 = arith.constant 0 : index
    %get3A_3 = arith.constant 0 : index
    %get3A_4 = arith.constant 0 : index
    %get3A_5 = vector.load %arg1[%get3A_2, %get3A_3, %get3A_4] : memref<2x2000x48xf32, #tpu.memory_space<vmem>>, vector<1x2000x40xf32>
    %get3A_6 = vector.shape_cast %get3A_5 : vector<1x2000x40xf32> to vector<2000x40xf32>
    %get3A_7 = arith.constant 1 : index
    %get3A_8 = arith.constant 0 : index
    %get3A_9 = arith.constant 0 : index
    %get3A_10 = vector.load %arg1[%get3A_7, %get3A_8, %get3A_9] : memref<2x2000x48xf32, #tpu.memory_space<vmem>>, vector<1x2000x40xf32>
    %get3A_11 = vector.shape_cast %get3A_10 : vector<1x2000x40xf32> to vector<2000x40xf32>
    %add3A = arith.addf %get3A_6, %get3A_11 : vector<2000x40xf32>
    %get3A_12 = arith.constant 0 : index
    %get3A_13 = arith.constant 0 : index
    %get3A_14 = vector.load %arg2[%get3A_12, %get3A_13] : memref<2000x48xf32, #tpu.memory_space<vmem>>, vector<2000x40xf32>
    %add3A_15 = arith.addf %add3A, %get3A_14 : vector<2000x40xf32>
    %mul3A = vector.broadcast %get3A_1 : vector<2000x1xf32> to vector<2000x40xf32>
    %mul3A_16 = arith.mulf %mul3A, %add3A_15 : vector<2000x40xf32>
    %get3A_17 = arith.constant 0 : index
    %get3A_18 = arith.constant 0 : index
    %get3A_19 = vector.load %arg4[%get3A_17, %get3A_18] : memref<1x40xf32, #tpu.memory_space<vmem>>, vector<1x40xf32>
    %add3A_20 = vector.broadcast %get3A_19 : vector<1x40xf32> to vector<2000x40xf32>
    %add3A_21 = arith.addf %mul3A_16, %add3A_20 : vector<2000x40xf32>
    %reduce_max3A = arith.constant dense<0xFF800000> : vector<2000xf32>
    %reduce_max3A_22 = vector.multi_reduction <maximumf>, %add3A_21, %reduce_max3A [1] : vector<2000x40xf32> to vector<2000xf32>
    %broadcast_in_dim3A = vector.shape_cast %reduce_max3A_22 : vector<2000xf32> to vector<2000x1xf32>
    %sub3A = vector.broadcast %broadcast_in_dim3A : vector<2000x1xf32> to vector<2000x40xf32>
    %sub3A_23 = arith.subf %add3A_21, %sub3A : vector<2000x40xf32>
    %exp3A = math.exp %sub3A_23 : vector<2000x40xf32>
    %sub3A_24 = vector.broadcast %broadcast_in_dim3A : vector<2000x1xf32> to vector<2000x40xf32>
    %sub3A_25 = arith.subf %add3A_21, %sub3A_24 : vector<2000x40xf32>
    %reduce_sum3A = arith.constant dense<0.000000e+00> : vector<2000xf32>
    %reduce_sum3A_26 = vector.multi_reduction <add>, %exp3A, %reduce_sum3A [1] : vector<2000x40xf32> to vector<2000xf32>
    %broadcast_in_dim3A_27 = vector.shape_cast %reduce_sum3A_26 : vector<2000xf32> to vector<2000x1xf32>
    %log3A = math.log %broadcast_in_dim3A_27 : vector<2000x1xf32>
    %sub3A_28 = vector.broadcast %log3A : vector<2000x1xf32> to vector<2000x40xf32>
    %sub3A_29 = arith.subf %sub3A_25, %sub3A_28 : vector<2000x40xf32>
    %swap3A = arith.constant 0 : index
    %swap3A_30 = arith.constant 0 : index
    %swap3A_31 = vector.load %arg5[%swap3A, %swap3A_30] : memref<2000x40xf32, #tpu.memory_space<vmem>>, vector<2000x40xf32>
    tpu.vector_store %arg5[%swap3A, %swap3A_30], %sub3A_29 {strides = array<i32>} : memref<2000x40xf32, #tpu.memory_space<vmem>>, vector<2000x40xf32>,
    return
  }
  func.func @transform_0(%arg0: i32) -> (i32, i32, i32) {
    %c0_i32 = arith.constant 0 : i32
    %c0_i32_0 = arith.constant 0 : i32
    %c0_i32_1 = arith.constant 0 : i32
    return %c0_i32, %arg0, %c0_i32_0 : i32, i32, i32
  }
  func.func @transform_1(%arg0: i32) -> (i32, i32) {
    %c0_i32 = arith.constant 0 : i32
    %c0_i32_0 = arith.constant 0 : i32
    return %arg0, %c0_i32 : i32, i32
  }
  func.func @transform_2(%arg0: i32) -> (i32, i32) {
    %c0_i32 = arith.constant 0 : i32
    %c0_i32_0 = arith.constant 0 : i32
    return %arg0, %c0_i32 : i32, i32
  }
  func.func @transform_3(%arg0: i32) -> (i32, i32) {
    %c0_i32 = arith.constant 0 : i32
    %c0_i32_0 = arith.constant 0 : i32
    %c0_i32_1 = arith.constant 0 : i32
    return %c0_i32, %c0_i32_0 : i32, i32
  }
  func.func @transform_4(%arg0: i32) -> (i32, i32) {
    %c0_i32 = arith.constant 0 : i32
    %c0_i32_0 = arith.constant 0 : i32
    return %arg0, %c0_i32 : i32, i32
  }
}

</mosaic_0001>

<sc_bundles>
// kernel: kernel.11.cloned.1.call-start
scs
__scs_entry_jumppad:
0x0: {  	(pc) =	sbr.rel $0x88, $3  }
0x1: {  	(tag) =	ssettag $0x0;
	lr =	simm.s32 $0x1  }
0x2: {  	[smem:$0x3F99] =	sst lr;
	_ =	strace $0xD0000000  }
0x3: {  	_ = 	snop  }
0x4: {  	_ = 	snop  }
0x5: {  	_ = 	snop  }
0x6: {  	_ = 	snop  }
0x7: {  	_ = 	snop  }
__scs_overlays_trampoline_lowered:
0x8: {  	[smem:$0x3FA8] =	sst s0  }
0x9: {  	[smem:$0x3FA9] =	sst s1  }
0xa: {  	[smem:$0x3FAA] =	sst s2  }
0xb: {  	[smem:$0x3FAB] =	sst s3  }
0xc: {  	[smem:$0x3FAC] =	sst s4  }
0xd: {  	[smem:$0x3FAD] =	sst s5  }
0xe: {  	[smem:$0x3FAE] =	sst s6  }
0xf: {  	[smem:$0x3FAF] =	sst s7  }
0x10: {  	[smem:$0x3FB0] =	sst s8  }
0x11: {  	[smem:$0x3FB1] =	sst s9;
	s0 =	simm.s32 @!p0 $0x0  }
0x12: {  	s1 =	sld [smem:$0x3F97];
	s0 =	simm.s32 @p0 $0x1  }
0x13: {  	[smem:$0x3FB2] =	sst s0;
	s0 =	simm.s32 @!p1 $0x0  }
0x14: {  	s2 =	sld [smem:$0x3F96];
	s0 =	simm.s32 @p1 $0x1  }
0x15: {  	[smem:$0x3FB3] =	sst s0;
	s0 =	simm.s32 @!p2 $0x0  }
0x16: {  	s3 =	sld [smem:$0x3FDB];
	s0 =	simm.s32 @p2 $0x1  }
0x17: {  	s4 =	simm.s32 $0x1BF5;
	[smem:$0x3FB5] =	sst s0  }
0x18: {  	s0 =	sld [smem:$0x3F98];
	_ =	swait.ge [sflag:s4], $0x0  }
0x19: {  	s7 =	sld [smem:$0x3F99]  }
0x1a: {  	s8 =	sadd.s32 $0xFFFFE003, lr  }
0x1b: {  	s9 =	sadd.s32 $0xFFFFFEF7, lr;
	s5 =	simm.s32 $0xFFFFFFFF;
	p2 =	slt.u32 s8, $0xFFFFF086  }
0x1c: {  	p1 =	slt.u32 s9, $0xF7A;
	s5 =	simm.s32 @!p2 $0x0  }
0x1d: {  	s5 =	simm.s32 @p1 $0x1;
	p0 =	seq.s32 s7, s2  }
0x1e: {  	s7 =	smul.u32 @!p0 $0xF7A, s2;
	p2 =	seq.s32 @!p0 s5, $0x0  }
0x1f: {  	s9 =	smul.u32 $0xF7A, s1;
	s8 =	simm.s32 @!p0 $0x1BF5;
	p2 =	por !p2, p0  }
0x20: {  	[sflag:s8] =	ssyncset.s32 @!p0 $0xFFFFF086;
	s6 =	sadd.s32 @!p0 s3, s7;
	s7 =	simm.s32 @!p0 $0x108  }
0x21: {  	s3 =	sadd.s32 s3, s9;
	s6 =	sadd.s32 @!p0 $0x88, s6;
	s7 =	simm.s32 @p2 $0x1082  }
0x22: {  	[simem:s7], [sflag:s8] =	dma.local @!p0 [hbm:s6], $0xF7A  }
0x23: {  	s9 =	sor.u32 $0xD0000000, s2;
	s6 =	simm.s32 $0x108;
	_ =	swait.ge @!p0 [sflag:s8], $0x0  }
0x24: {  	s3 =	sadd.s32 $0x88, s3;
	s6 =	simm.s32 @!p1 $0x1082;
	[sflag:s4] =	ssyncset.s32 $0xFFFFF086  }
0x25: {  	[simem:s6], [sflag:s4] =	dma.local [hbm:s3], $0xF7A  }
0x26: {  	[smem:$0x3F99] =	sst s1;
	(tag) =	ssettag s2;
	_ =	strace s9  }
0x27: {  	s1 =	sld [smem:$0x3FA9]  }
0x28: {  	s2 =	sld [smem:$0x3FAA]  }
0x29: {  	s4 =	sld [smem:$0x3FAC]  }
0x2a: {  	p0 =	seq.s32 s5, $0x0;
	s5 =	sld [smem:$0x3FAD]  }
0x2b: {  	s6 =	sld [smem:$0x3FAE]  }
0x2c: {  	s7 =	sld [smem:$0x3FAF]  }
0x2d: {  	s3 =	simm.s32 $0x108;
	s8 =	sld [smem:$0x3FB0]  }
0x2e: {  	s3 =	simm.s32 @!p0 $0x1082;
	s9 =	sld [smem:$0x3FB1]  }
0x2f: {  	lr =	sadd.s32 s0, s3;
	s0 =	sld [smem:$0x3FA8]  }
0x30: {  	s3 =	sld [smem:$0x3FAB]  }
0x31: {  	[smem:$0x3FB4] =	sst s10  }
0x32: {  	s10 =	sld [smem:$0x3FB2];
	_ =	sdelay $0x3  }
0x33: {  	p0 =	seq.s32 s10, $0x1;
	s10 =	sld [smem:$0x3FB4];
	_ =	sdelay $0x3  }
0x34: {  	[smem:$0x3FB4] =	sst s10  }
0x35: {  	s10 =	sld [smem:$0x3FB3];
	_ =	sdelay $0x3  }
0x36: {  	p1 =	seq.s32 s10, $0x1;
	s10 =	sld [smem:$0x3FB4];
	_ =	sdelay $0x3  }
0x37: {  	[smem:$0x3FB4] =	sst s10  }
0x38: {  	s10 =	sld [smem:$0x3FB5]  }
0x39: {  	_ = 	snop;
	(pc) =	sbr.ind lr, $3  }
0x3a: {  	_ = 	snop  }
0x3b: {  	_ = 	snop  }
0x3c: {  	p2 =	seq.s32 s10, $0x1;
	s10 =	sld [smem:$0x3FB4]  }
0x3d: {  	_ =	shalt  }
0x3e: {  	_ =	shalt  }
0x3f: {  	_ =	shalt  }
0x40: {  	_ =	shalt  }
0x41: {  	_ =	shalt  }
0x42: {  	_ =	shalt  }
0x43: {  	_ =	shalt  }
0x44: {  	_ =	shalt  }
0x45: {  	_ =	shalt  }
0x46: {  	_ =	shalt  }
0x47: {  	_ =	shalt  }
0x48: {  	_ =	shalt  }
0x49: {  	_ =	shalt  }
0x4a: {  	_ =	shalt  }
0x4b: {  	_ =	shalt  }
0x4c: {  	_ =	shalt  }
0x4d: {  	_ =	shalt  }
0x4e: {  	_ =	shalt  }
0x4f: {  	_ =	shalt  }
0x50: {  	_ =	shalt  }
0x51: {  	_ =	shalt  }
0x52: {  	_ =	shalt  }
0x53: {  	_ =	shalt  }
0x54: {  	_ =	shalt  }
0x55: {  	_ =	shalt  }
0x56: {  	_ =	shalt  }
0x57: {  	_ =	shalt  }
0x58: {  	_ =	shalt  }
0x59: {  	_ =	shalt  }
0x5a: {  	_ =	shalt  }
0x5b: {  	_ =	shalt  }
0x5c: {  	_ =	shalt  }
0x5d: {  	_ =	shalt  }
0x5e: {  	_ =	shalt  }
0x5f: {  	_ =	shalt  }
0x60: {  	_ =	shalt  }
0x61: {  	_ =	shalt  }
0x62: {  	_ =	shalt  }
0x63: {  	_ =	shalt  }
0x64: {  	_ =	shalt  }
0x65: {  	_ =	shalt  }
0x66: {  	_ =	shalt  }
0x67: {  	_ =	shalt  }
0x68: {  	_ =	shalt  }
0x69: {  	_ =	shalt  }
0x6a: {  	_ =	shalt  }
0x6b: {  	_ =	shalt  }
0x6c: {  	_ =	shalt  }
0x6d: {  	_ =	shalt  }
0x6e: {  	_ =	shalt  }
0x6f: {  	_ =	shalt  }
0x70: {  	_ =	shalt  }
0x71: {  	_ =	shalt  }
0x72: {  	_ =	shalt  }
0x73: {  	_ =	shalt  }
0x74: {  	_ =	shalt  }
0x75: {  	_ =	shalt  }
0x76: {  	_ =	shalt  }
0x77: {  	_ =	shalt  }
0x78: {  	_ =	shalt  }
0x79: {  	_ =	shalt  }
0x7a: {  	_ =	shalt  }
0x7b: {  	_ =	shalt  }
0x7c: {  	_ =	shalt  }
0x7d: {  	_ =	shalt  }
0x7e: {  	_ =	shalt  }
0x7f: {  	_ =	shalt  }
0x80: {  	_ =	shalt  }
0x81: {  	_ =	shalt  }
0x82: {  	_ =	shalt  }
0x83: {  	_ =	shalt  }
0x84: {  	_ =	shalt  }
0x85: {  	_ =	shalt  }
0x86: {  	_ =	shalt  }
0x87: {  	_ =	shalt  }
.Lfunc_end0:
.L_simem_size_0:
called_computation_lowered:
.L_overlay_start_0:
0x88: {  	s2 =	sld [smem:$0x3FD9]  }
0x89: {  	s3 =	sld [smem:$0x3FFE];
	_ =	sdelay $0x1  }
0x8a: {  	s1 =	srdreg.scid  }
0x8b: {  	s0 =	sand.u32 $0x1, s1  }
0x8c: {  	s17 =	sshll.u32 s0, $0xA;
	s2 =	sadd.s32 s3, s2  }
0x8d: {  	s2 =	sadd.s32 s2, s17  }
0x8e: {  	[smem:$0x3FC0] =	sst s2  }
0x8f: {  	_ = 	snop  }
0x90: {  	s2 =	sld [smem:$0x3FD0];
	(tm) =	ssettm $0x1  }
0x91: {  	s18 =	sld [smem:$0x3FFB];
	_ =	sdelay $0x3  }
0x92: {  	_ =	strace s18  }
0x93: {  	s3 =	sld [smem:$0x3FFC];
	_ =	sdelay $0x3  }
0x94: {  	_ =	strace s3  }
0x95: {  	s3 =	sld [smem:$0x3FFD];
	_ =	sdelay $0x3  }
0x96: {  	_ =	strace s3  }
0x97: {  	_ =	strace $0x8FFFFFFF  }
0x98: {  	s19 =	sld [smem:$0x3FDB];
	_ =	sdelay $0x1  }
0x99: {  	s4 =	simm.s32 $_scs_section_size  }
0x9a: {  	s5 =	simm.s32 $_size__tile_overlayer_lowered;
	s6 =	simm.s32 $_tile_overlayer_lowered  }
0x9b: {  	s22 =	simm.s32 $0x1BFF;
	s21 =	sshll.u32 s6, $0x1;
	s3 =	sadd.s32 s4, s19  }
0x9c: {  	s7 =	simm.s32 $0x0;
	s20 =	sshll.u32 s5, $0x1;
	s5 =	sadd.s32 s21, s3  }
0x9d: {  	[timem:s7], [sflag:s22] =	dma.local [hbm:s5], s20  }
0x9e: {  	_ =	swait.ge [sflag:s22], s20  }
0x9f: {  	s4 =	ssub.s32 $0x0, s20;
	[sflag:s22] =	ssyncset.done $0x0  }
0xa0: {  	[sflag:s22] =	ssyncadd.s32 s4;
	_ =	sdelay $0x1  }
0xa1: {  	s23 =	simm.s32 $0x1B8B  }
0xa2: {  	_ =	swait.ge [sflag:s23], $0x1  }
0xa3: {  	[sflag:s23] =	ssyncset.done $0x0  }
0xa4: {  	s25 =	simm.s32 $0x1B8E;
	s24 =	sld [smem:$0x3FFE];
	[sflag:s23] =	ssyncadd.s32 $0xFFFFFFFF  }
0xa5: {  	s26 =	simm.s32 $execute0_lowered;
	[smem:$0x3FD2] =	sst s25  }
0xa6: {  	s5 =	sshll.u32 s26, $0x1;
	_ =	strace $0x80000046;
	[dreg:$0x1] =	wrdreg $0xFFFFFFFF  }
0xa7: {  	s28 =	simm.s32 $_size_execute0_lowered;
	s3 =	sadd.s32 s3, s5;
	[dreg:$0x0] =	wrdreg $0x0  }
0xa8: {  	s5 =	sshll.u32 s28, $0x1;
	[dreg:$0x2] =	wrdreg s3  }
0xa9: {  	[dreg:$0x3] =	wrdreg s5  }
0xaa: {  	[dreg:$0x4] =	wrdreg $0xC0  }
0xab: {  	_ =	task [dreg:s7], $0x5FFFF  }
0xac: {  	[dreg:$0x1] =	wrdreg $0xFFFFFFFF  }
0xad: {  	[dreg:$0x0] =	wrdreg $0x60  }
0xae: {  	[dreg:$0x2] =	wrdreg s24  }
0xaf: {  	[dreg:$0x3] =	wrdreg s2  }
0xb0: {  	[dreg:$0x4] =	wrdreg $0x2B900  }
0xb1: {  	[dreg:$0x5] =	wrdreg $0x9  }
0xb2: {  	_ =	task.clear_ibuf [dreg:s7], $0x6FFFF;
	_ =	strace $0x90000046  }
0xb3: {  	s29 =	simm.s32 $0x9;
	_ =	strace $0x80000048  }
0xb4: {  	_ =	swait.ge [sflag:s29], $0x1  }
0xb5: {  	[sflag:s29] =	ssyncadd.s32 $0xFFFFFFFF  }
0xb6: {  	_ =	strace $0x90000048  }
0xb7: {  	_ =	sfence  }
0xb8: {  	s30 =	sld [smem:$0x0];
	_ =	sdelay $0x2  }
0xb9: {  	s31 =	sshll.u32 s1, $0xD;
	s1 =	sshrl.u32 s1, $0x2  }
0xba: {  	s3 =	sand.u32 $0x4000, s31;
	s1 =	sadd.s32 s1, s30  }
0xbb: {  	s0 =	sor.u32 s3, s0;
	s1 =	sshll.u32 s1, $0x11  }
0xbc: {  	s0 =	sor.u32 s1, s0  }
0xbd: {  	s0 =	sadd.s32 $0x8F2B, s0  }
0xbe: {  	[sflag:s0] =	ssyncadd.remote.s32 $0x1  }
0xbf: {  	_ =	sfence.sel $0xFFFF  }
0xc0: {  	[dreg:$0x0] =	wrdreg $0xFFFFFFFF;
	(pc) =	sbr.abs _section_cstart, $3  }
0xc1: {  	[dreg:$0x1] =	wrdreg $0xFFFFFFFF  }
0xc2: {  	_ =	task.clear_ibuf [dreg:s7], $0x2FFFF;
	_ =	strace $0x9FFFFFFF  }
0xc3: {  	(tm) =	ssettm $0x7FFFFFFF  }
tec
execute0_lowered:
.L_overlay_start_1:
0x0: {  	(tag) =	ssettag $0x1  }
0x1: {  	s4 =	rddreg [dreg:$0x0]  }
0x2: {  	s6 =	rddreg [dreg:$0x1]  }
0x3: {  	s1 =	srdreg.scid;
	s0 =	stileid.u32  }
0x4: {  	s2 =	rddreg [dreg:$0x2];
	s3 =	simm.s32 $0x0;
	s14 =	simm.s32 $0x0  }
0x5: {  	s5 =	sand.u32 $0x1, s1;
	s7 =	sshll.u32 s0, $0x1;
	s1 =	rddreg [dreg:$0x3]  }
0x6: {  	[smem:$0x7FF] =	sst s3;
	s9 =	smul.u32 $0x278, s0;
	s31 =	sshll.u32 s0, $0x6  }
0x7: {  	s7 =	sor.u32 s5, s7;
	s8 =	ssub.s32 $0x2, s5;
	s11 =	smul.u32 $0x4F0, s5  }
0x8: {  	_ =	strace $0x80000047;
	s7 =	smul.u32 $0x28A0, s7;
	s10 =	sshrl.u32 s8, $0x1  }
0x9: {  	s12 =	sshrl.u32 s9, $0x3;
	s8 =	ssub.s32 s8, s10;
	s11 =	sadd.s32 s6, s11  }
0xa: {  	s10 =	simm.s32 $0x28A0;
	s7 =	sshrl.u32 s7, $0x3;
	s6 =	smax.u32 s8, $0x1  }
0xb: {  	s8 =	simm.s32 $0x1;
	s11 =	sadd.s32 s12, s11;
	s12 =	sor.u32 $0x1C01, s31  }
0xc: {  	s7 =	sadd.s32 s4, s7;
	s4 =	sadd.s32 s9, s2;
	s9 =	simm.s32 $0x64  }
0xd: {  	v0 =	vimm.f32 $1.000000000e+00;
	v1 =	vimm.f32 $0.0e+00;
	s5 =	sadd.s32 $0xDE80, s7;
	s7 =	simm.s32 $0x2910;
	s13 =	sshrl.u32 s4, $0x3  }
.LBB2_1:
0xe: {  	[tilespmem:$0x28A0] =	vst v0  }
0xf: {  	[tilespmem:$0x28B0] =	vst v0  }
0x10: {  	[tilespmem:$0x28C0] =	vst v0  }
0x11: {  	[tilespmem:$0x28D0] =	vst v0  }
0x12: {  	[tilespmem:$0x28E0] =	vst v0  }
0x13: {  	[tilespmem:$0x28F0] =	vst v0  }
0x14: {  	[tilespmem:$0x2900] =	vst v0  }
0x15: {  	[tilespmem:$0x2910] =	vst v1  }
0x16: {  	[tilespmem:$0x2920] =	vst v1  }
0x17: {  	[tilespmem:$0x2930] =	vst v1  }
0x18: {  	[tilespmem:$0x2940] =	vst v1  }
0x19: {  	[tilespmem:$0x2950] =	vst v1  }
0x1a: {  	[tilespmem:$0x2960] =	vst v1  }
0x1b: {  	[tilespmem:$0x2970] =	vst v1  }
0x1c: {  	[tilespmem:$0x2980] =	vst v1  }
0x1d: {  	[tilespmem:$0x2990] =	vst v1  }
0x1e: {  	[tilespmem:$0x29A0] =	vst v1  }
0x1f: {  	[tilespmem:$0x29B0] =	vst v1  }
0x20: {  	[tilespmem:$0x29C0] =	vst v1  }
0x21: {  	[tilespmem:$0x29D0] =	vst v1  }
0x22: {  	[tilespmem:$0x29E0] =	vst v1  }
0x23: {  	[tilespmem:$0x29F0] =	vst v1  }
0x24: {  	[tilespmem:$0x2A00] =	vst v1  }
0x25: {  	[tilespmem:$0x2A10] =	vst v1  }
0x26: {  	[tilespmem:$0x2A20] =	vst v1  }
0x27: {  	[tilespmem:$0x2A30] =	vst v1  }
0x28: {  	[tilespmem:$0x2A40] =	vst v1  }
0x29: {  	[tilespmem:$0x2A50] =	vst v1  }
0x2a: {  	[tilespmem:$0x2A60] =	vst v1  }
0x2b: {  	[tilespmem:$0x2A70] =	vst v1  }
0x2c: {  	[tilespmem:$0x2A80] =	vst v1  }
0x2d: {  	[tilespmem:$0x2A90] =	vst v1  }
0x2e: {  	[tilespmem:$0x2AA0] =	vst v1  }
0x2f: {  	[tilespmem:$0x2AB0] =	vst v1  }
0x30: {  	[tilespmem:$0x2AC0] =	vst v1  }
0x31: {  	[tilespmem:$0x2AD0] =	vst v1  }
0x32: {  	[tilespmem:$0x2AE0] =	vst v1  }
0x33: {  	[tilespmem:$0x2AF0] =	vst v1  }
0x34: {  	[tilespmem:$0x2B00] =	vst v1  }
0x35: {  	[tilespmem:$0x2B10] =	vst v1  }
0x36: {  	[tilespmem:$0x2B20] =	vst v1  }
0x37: {  	[tilespmem:$0x2B30] =	vst v1  }
0x38: {  	[tilespmem:$0x2B40] =	vst v1  }
0x39: {  	[tilespmem:$0x2B50] =	vst v1  }
0x3a: {  	[tilespmem:$0x2B60] =	vst v1  }
0x3b: {  	[tilespmem:$0x2B70] =	vst v1  }
0x3c: {  	[tilespmem:$0x2B80] =	vst v1  }
0x3d: {  	[spmem:s4] =	stream.linear.scatter [tilespmem:s7], [sflag:$0x1], $0x278, $0x38;
	[tilespmem:$0x2E08] =	vst v63  }
0x3e: {  	_ =	swait.ge [sflag:s8], $0x278  }
0x3f: {  	[sflag:s8] =	ssyncset.done $0x0  }
0x40: {  	[sflag:s8] =	ssyncadd.s32 $0xFFFFFD88  }
0x41: {  	[tilespmem:s3], [sflag:$0x1] =	stream.linear.gather [hbm4b:s5+s3], $0x28A0, $0x38;
	[tilespmem:$0x2E08] =	vst v63  }
0x42: {  	_ =	swait.ge [sflag:s8], $0x28A0  }
0x43: {  	[sflag:s8] =	ssyncset.done $0x0  }
0x44: {  	[sflag:s8] =	ssyncadd.s32 $0xFFFFD760  }
0x45: {  	s15 =	simm.s32 $0x0;
	[bflag:$0x0] =	sbarrier.arrive $0xFFFF  }
0x46: {  	[spmem:s2] =	stream.indirect.scatter.add.f32 [tilespmem:s10], [sflag:$0x1], $0x1, s15, s9, $0xb8;
	[tilespmem:$0x2E08] =	vst v63  }
0x47: {  	_ =	swait.ge [sflag:s8], $0x64  }
0x48: {  	s15 =	simm.s32 $0x1A0;
	[sflag:s8] =	ssyncset.done $0x0  }
.LBB2_2:
0x49: {  	s16 =	sshra.s32 s15, $0x2;
	[sflag:s8] =	ssyncadd.s32 $0xFFFFFF9C;
	p0 =	sne.s32 s15, $0xA0E0  }
0x4a: {  	[spmem:s2] =	stream.indirect.scatter.add.f32 [tilespmem:s10], [sflag:$0x1], $0x1, s16, s9, $0xb8;
	[tilespmem:$0x2E08] =	vst v63  }
.Ltmp0:
0x4b: {  	_ = 	snop;
	(pc) =	sbr.rel @p0 .LBB2_2-.Ltmp0, $4  }
0x4c: {  	_ = 	snop  }
0x4d: {  	s15 =	sadd.s32 $0x1A0, s15  }
0x4e: {  	_ =	swait.ge [sflag:s8], $0x64  }
0x4f: {  	[sflag:s8] =	ssyncset.done $0x0  }
0x50: {  	s14 =	sadd.s32 $0x1, s14  }
0x51: {  	[sflag:s8] =	ssyncadd.s32 $0xFFFFFF9C;
	p0 =	sne.s32 s14, s6  }
.Ltmp1:
0x52: {  	[bflag:$0x0] =	sbarrier.arrive $0xFFFF;
	(pc) =	sbr.rel @p0 .LBB2_1-.Ltmp1, $4  }
0x53: {  	[hbm:s11], [sflag:s12] =	dma.local [spmem:s13], $0x4F  }
0x54: {  	_ =	swait.ge [sflag:s8], $0x4F  }
0x55: {  	[sflag:s8] =	ssyncset.done $0x0  }
0x56: {  	[sflag:s8] =	ssyncadd.s32 $0xFFFFFFB1  }
0x57: {  	_ =	sfence.sel $0x180000  }
0x58: {  	[bflag:$0x0] =	sbarrier.arrive $0xFFFF  }
0x59: {  	p0 =	sne.s32 s0, $0x0;
	_ =	strace $0x90000047  }
0x5a: {  	s0 =	sadd.s32 @!p0 $0x100000, s1;
	[bflag:$0x2] =	sbarrier.arrive $0xFFFF  }
0x5b: {  	[sflag:s0] =	ssyncadd.tile.s32 @!p0 $0x1;
	_ =	shalt  }
.Lfunc_end2:
_tile_overlayer_lowered:
.L_overlay_start_2:
0x5c: {  	(tag) =	ssettag $0x2  }
0x5d: {  	s0 =	rddreg [dreg:$0x0];
	s2 =	stileid.u32  }
0x5e: {  	s1 =	rddreg [dreg:$0x1];
	p0 =	sne.s32 s2, $0x0  }
0x5f: {  	s3 =	rddreg [dreg:$0x2];
	[bflag:$0x3] =	sbarrier.arrive $0xFFFF;
	s2 =	simm.s32 @!p0 $0x1C01  }
0x60: {  	[timem:s3], [sflag:s2] =	dma.local @!p0 [hbm:s0], s1  }
0x61: {  	s0 =	simm.s32 @!p0 $0x1  }
0x62: {  	_ =	swait.ge @!p0 [sflag:s0], s1  }
0x63: {  	s1 =	ssub.s32 @!p0 $0x0, s1;
	[sflag:s0] =	ssyncset.done @!p0 $0x0  }
0x64: {  	[sflag:s0] =	ssyncadd.s32 @!p0 s1  }
0x65: {  	[bflag:$0x3] =	sbarrier.arrive $0xFFFF  }
0x66: {  	_ =	shalt  }

// kernel: kernel.14.cloned.1.call-start
scs
__scs_entry_jumppad:
0x0: {  	(pc) =	sbr.rel $0x88, $3  }
0x1: {  	(tag) =	ssettag $0x0;
	lr =	simm.s32 $0x1  }
0x2: {  	[smem:$0x3F99] =	sst lr;
	_ =	strace $0xD0000000  }
0x3: {  	_ = 	snop  }
0x4: {  	_ = 	snop  }
0x5: {  	_ = 	snop  }
0x6: {  	_ = 	snop  }
0x7: {  	_ = 	snop  }
__scs_overlays_trampoline_lowered:
0x8: {  	[smem:$0x3FA8] =	sst s0  }
0x9: {  	[smem:$0x3FA9] =	sst s1  }
0xa: {  	[smem:$0x3FAA] =	sst s2  }
0xb: {  	[smem:$0x3FAB] =	sst s3  }
0xc: {  	[smem:$0x3FAC] =	sst s4  }
0xd: {  	[smem:$0x3FAD] =	sst s5  }
0xe: {  	[smem:$0x3FAE] =	sst s6  }
0xf: {  	[smem:$0x3FAF] =	sst s7  }
0x10: {  	[smem:$0x3FB0] =	sst s8  }
0x11: {  	[smem:$0x3FB1] =	sst s9;
	s0 =	simm.s32 @!p0 $0x0  }
0x12: {  	s1 =	sld [smem:$0x3F97];
	s0 =	simm.s32 @p0 $0x1  }
0x13: {  	[smem:$0x3FB2] =	sst s0;
	s0 =	simm.s32 @!p1 $0x0  }
0x14: {  	s2 =	sld [smem:$0x3F96];
	s0 =	simm.s32 @p1 $0x1  }
0x15: {  	[smem:$0x3FB3] =	sst s0;
	s0 =	simm.s32 @!p2 $0x0  }
0x16: {  	s3 =	sld [smem:$0x3FDB];
	s0 =	simm.s32 @p2 $0x1  }
0x17: {  	s4 =	simm.s32 $0x1BF5;
	[smem:$0x3FB5] =	sst s0  }
0x18: {  	s0 =	sld [smem:$0x3F98];
	_ =	swait.ge [sflag:s4], $0x0  }
0x19: {  	s7 =	sld [smem:$0x3F99]  }
0x1a: {  	s8 =	sadd.s32 $0xFFFFE003, lr  }
0x1b: {  	s9 =	sadd.s32 $0xFFFFFEF7, lr;
	s5 =	simm.s32 $0xFFFFFFFF;
	p2 =	slt.u32 s8, $0xFFFFF086  }
0x1c: {  	p1 =	slt.u32 s9, $0xF7A;
	s5 =	simm.s32 @!p2 $0x0  }
0x1d: {  	s5 =	simm.s32 @p1 $0x1;
	p0 =	seq.s32 s7, s2  }
0x1e: {  	s7 =	smul.u32 @!p0 $0xF7A, s2;
	p2 =	seq.s32 @!p0 s5, $0x0  }
0x1f: {  	s9 =	smul.u32 $0xF7A, s1;
	s8 =	simm.s32 @!p0 $0x1BF5;
	p2 =	por !p2, p0  }
0x20: {  	[sflag:s8] =	ssyncset.s32 @!p0 $0xFFFFF086;
	s6 =	sadd.s32 @!p0 s3, s7;
	s7 =	simm.s32 @!p0 $0x108  }
0x21: {  	s3 =	sadd.s32 s3, s9;
	s6 =	sadd.s32 @!p0 $0x88, s6;
	s7 =	simm.s32 @p2 $0x1082  }
0x22: {  	[simem:s7], [sflag:s8] =	dma.local @!p0 [hbm:s6], $0xF7A  }
0x23: {  	s9 =	sor.u32 $0xD0000000, s2;
	s6 =	simm.s32 $0x108;
	_ =	swait.ge @!p0 [sflag:s8], $0x0  }
0x24: {  	s3 =	sadd.s32 $0x88, s3;
	s6 =	simm.s32 @!p1 $0x1082;
	[sflag:s4] =	ssyncset.s32 $0xFFFFF086  }
0x25: {  	[simem:s6], [sflag:s4] =	dma.local [hbm:s3], $0xF7A  }
0x26: {  	[smem:$0x3F99] =	sst s1;
	(tag) =	ssettag s2;
	_ =	strace s9  }
0x27: {  	s1 =	sld [smem:$0x3FA9]  }
0x28: {  	s2 =	sld [smem:$0x3FAA]  }
0x29: {  	s4 =	sld [smem:$0x3FAC]  }
0x2a: {  	p0 =	seq.s32 s5, $0x0;
	s5 =	sld [smem:$0x3FAD]  }
0x2b: {  	s6 =	sld [smem:$0x3FAE]  }
0x2c: {  	s7 =	sld [smem:$0x3FAF]  }
0x2d: {  	s3 =	simm.s32 $0x108;
	s8 =	sld [smem:$0x3FB0]  }
0x2e: {  	s3 =	simm.s32 @!p0 $0x1082;
	s9 =	sld [smem:$0x3FB1]  }
0x2f: {  	lr =	sadd.s32 s0, s3;
	s0 =	sld [smem:$0x3FA8]  }
0x30: {  	s3 =	sld [smem:$0x3FAB]  }
0x31: {  	[smem:$0x3FB4] =	sst s10  }
0x32: {  	s10 =	sld [smem:$0x3FB2];
	_ =	sdelay $0x3  }
0x33: {  	p0 =	seq.s32 s10, $0x1;
	s10 =	sld [smem:$0x3FB4];
	_ =	sdelay $0x3  }
0x34: {  	[smem:$0x3FB4] =	sst s10  }
0x35: {  	s10 =	sld [smem:$0x3FB3];
	_ =	sdelay $0x3  }
0x36: {  	p1 =	seq.s32 s10, $0x1;
	s10 =	sld [smem:$0x3FB4];
	_ =	sdelay $0x3  }
0x37: {  	[smem:$0x3FB4] =	sst s10  }
0x38: {  	s10 =	sld [smem:$0x3FB5]  }
0x39: {  	_ = 	snop;
	(pc) =	sbr.ind lr, $3  }
0x3a: {  	_ = 	snop  }
0x3b: {  	_ = 	snop  }
0x3c: {  	p2 =	seq.s32 s10, $0x1;
	s10 =	sld [smem:$0x3FB4]  }
0x3d: {  	_ =	shalt  }
0x3e: {  	_ =	shalt  }
0x3f: {  	_ =	shalt  }
0x40: {  	_ =	shalt  }
0x41: {  	_ =	shalt  }
0x42: {  	_ =	shalt  }
0x43: {  	_ =	shalt  }
0x44: {  	_ =	shalt  }
0x45: {  	_ =	shalt  }
0x46: {  	_ =	shalt  }
0x47: {  	_ =	shalt  }
0x48: {  	_ =	shalt  }
0x49: {  	_ =	shalt  }
0x4a: {  	_ =	shalt  }
0x4b: {  	_ =	shalt  }
0x4c: {  	_ =	shalt  }
0x4d: {  	_ =	shalt  }
0x4e: {  	_ =	shalt  }
0x4f: {  	_ =	shalt  }
0x50: {  	_ =	shalt  }
0x51: {  	_ =	shalt  }
0x52: {  	_ =	shalt  }
0x53: {  	_ =	shalt  }
0x54: {  	_ =	shalt  }
0x55: {  	_ =	shalt  }
0x56: {  	_ =	shalt  }
0x57: {  	_ =	shalt  }
0x58: {  	_ =	shalt  }
0x59: {  	_ =	shalt  }
0x5a: {  	_ =	shalt  }
0x5b: {  	_ =	shalt  }
0x5c: {  	_ =	shalt  }
0x5d: {  	_ =	shalt  }
0x5e: {  	_ =	shalt  }
0x5f: {  	_ =	shalt  }
0x60: {  	_ =	shalt  }
0x61: {  	_ =	shalt  }
0x62: {  	_ =	shalt  }
0x63: {  	_ =	shalt  }
0x64: {  	_ =	shalt  }
0x65: {  	_ =	shalt  }
0x66: {  	_ =	shalt  }
0x67: {  	_ =	shalt  }
0x68: {  	_ =	shalt  }
0x69: {  	_ =	shalt  }
0x6a: {  	_ =	shalt  }
0x6b: {  	_ =	shalt  }
0x6c: {  	_ =	shalt  }
0x6d: {  	_ =	shalt  }
0x6e: {  	_ =	shalt  }
0x6f: {  	_ =	shalt  }
0x70: {  	_ =	shalt  }
0x71: {  	_ =	shalt  }
0x72: {  	_ =	shalt  }
0x73: {  	_ =	shalt  }
0x74: {  	_ =	shalt  }
0x75: {  	_ =	shalt  }
0x76: {  	_ =	shalt  }
0x77: {  	_ =	shalt  }
0x78: {  	_ =	shalt  }
0x79: {  	_ =	shalt  }
0x7a: {  	_ =	shalt  }
0x7b: {  	_ =	shalt  }
0x7c: {  	_ =	shalt  }
0x7d: {  	_ =	shalt  }
0x7e: {  	_ =	shalt  }
0x7f: {  	_ =	shalt  }
0x80: {  	_ =	shalt  }
0x81: {  	_ =	shalt  }
0x82: {  	_ =	shalt  }
0x83: {  	_ =	shalt  }
0x84: {  	_ =	shalt  }
0x85: {  	_ =	shalt  }
0x86: {  	_ =	shalt  }
0x87: {  	_ =	shalt  }
.Lfunc_end0:
.L_simem_size_0:
called_computation.1_lowered:
.L_overlay_start_0:
0x88: {  	s2 =	sld [smem:$0x3FD9]  }
0x89: {  	s3 =	sld [smem:$0x3FFE];
	_ =	sdelay $0x1  }
0x8a: {  	s1 =	srdreg.scid  }
0x8b: {  	s0 =	sand.u32 $0x1, s1  }
0x8c: {  	s16 =	sshll.u32 s0, $0xA;
	s2 =	sadd.s32 s3, s2  }
0x8d: {  	s2 =	sadd.s32 s2, s16  }
0x8e: {  	[smem:$0x3FC0] =	sst s2  }
0x8f: {  	_ = 	snop  }
0x90: {  	(tm) =	ssettm $0x1  }
0x91: {  	s17 =	sld [smem:$0x3FFB];
	_ =	sdelay $0x3  }
0x92: {  	_ =	strace s17  }
0x93: {  	s2 =	sld [smem:$0x3FFC];
	_ =	sdelay $0x3  }
0x94: {  	_ =	strace s2  }
0x95: {  	s2 =	sld [smem:$0x3FFD];
	_ =	sdelay $0x3  }
0x96: {  	_ =	strace s2  }
0x97: {  	_ =	strace $0x8FFFFFFF  }
0x98: {  	s18 =	sld [smem:$0x3FDB];
	_ =	sdelay $0x1  }
0x99: {  	s19 =	simm.s32 $_scs_section_size  }
0x9a: {  	s4 =	simm.s32 $_size__tile_overlayer_lowered;
	s5 =	simm.s32 $_tile_overlayer_lowered  }
0x9b: {  	s22 =	simm.s32 $0x1BFF;
	s21 =	sshll.u32 s5, $0x1;
	s2 =	sadd.s32 s19, s18  }
0x9c: {  	s6 =	simm.s32 $0x0;
	s20 =	sshll.u32 s4, $0x1;
	s4 =	sadd.s32 s21, s2  }
0x9d: {  	[timem:s6], [sflag:s22] =	dma.local [hbm:s4], s20  }
0x9e: {  	_ =	swait.ge [sflag:s22], s20  }
0x9f: {  	s3 =	ssub.s32 $0x0, s20;
	[sflag:s22] =	ssyncset.done $0x0  }
0xa0: {  	[sflag:s22] =	ssyncadd.s32 s3;
	_ =	sdelay $0x1  }
0xa1: {  	s23 =	simm.s32 $0x1B8B  }
0xa2: {  	_ =	swait.ge [sflag:s23], $0x1  }
0xa3: {  	[sflag:s23] =	ssyncset.done $0x0  }
0xa4: {  	s25 =	simm.s32 $0x1B8E;
	s24 =	sld [smem:$0x3FFE];
	[sflag:s23] =	ssyncadd.s32 $0xFFFFFFFF  }
0xa5: {  	s26 =	simm.s32 $execute0_lowered;
	[smem:$0x3FD2] =	sst s25  }
0xa6: {  	s4 =	sshll.u32 s26, $0x1;
	_ =	strace $0x80000049;
	[dreg:$0x1] =	wrdreg $0xFFFFFFFF  }
0xa7: {  	s28 =	simm.s32 $_size_execute0_lowered;
	s2 =	sadd.s32 s2, s4;
	[dreg:$0x0] =	wrdreg $0x0  }
0xa8: {  	s4 =	sshll.u32 s28, $0x1;
	[dreg:$0x2] =	wrdreg s2  }
0xa9: {  	[dreg:$0x3] =	wrdreg s4  }
0xaa: {  	[dreg:$0x4] =	wrdreg $0xC0  }
0xab: {  	_ =	task [dreg:s6], $0x5FFFF  }
0xac: {  	[dreg:$0x1] =	wrdreg $0xFFFFFFFF  }
0xad: {  	[dreg:$0x0] =	wrdreg $0x60  }
0xae: {  	[dreg:$0x2] =	wrdreg s24  }
0xaf: {  	[dreg:$0x3] =	wrdreg $0xB9400  }
0xb0: {  	[dreg:$0x4] =	wrdreg $0x9  }
0xb1: {  	_ =	task.clear_ibuf [dreg:s6], $0x5FFFF;
	_ =	strace $0x90000049  }
0xb2: {  	s29 =	simm.s32 $0x9;
	_ =	strace $0x8000004B  }
0xb3: {  	_ =	swait.ge [sflag:s29], $0x1  }
0xb4: {  	[sflag:s29] =	ssyncadd.s32 $0xFFFFFFFF  }
0xb5: {  	_ =	strace $0x9000004B  }
0xb6: {  	_ =	sfence  }
0xb7: {  	s30 =	sld [smem:$0x0];
	_ =	sdelay $0x2  }
0xb8: {  	s31 =	sshll.u32 s1, $0xD;
	s1 =	sshrl.u32 s1, $0x2  }
0xb9: {  	s3 =	sand.u32 $0x4000, s31;
	s1 =	sadd.s32 s1, s30  }
0xba: {  	s0 =	sor.u32 s3, s0;
	s1 =	sshll.u32 s1, $0x11  }
0xbb: {  	s0 =	sor.u32 s1, s0  }
0xbc: {  	s0 =	sadd.s32 $0x8F2B, s0  }
0xbd: {  	[sflag:s0] =	ssyncadd.remote.s32 $0x1  }
0xbe: {  	_ =	sfence.sel $0xFFFF  }
0xbf: {  	[dreg:$0x0] =	wrdreg $0xFFFFFFFF;
	(pc) =	sbr.abs _section_cstart, $3  }
0xc0: {  	[dreg:$0x1] =	wrdreg $0xFFFFFFFF  }
0xc1: {  	_ =	task.clear_ibuf [dreg:s6], $0x2FFFF;
	_ =	strace $0x9FFFFFFF  }
0xc2: {  	(tm) =	ssettm $0x7FFFFFFF  }
0xc3: {  	_ =	shalt  }
tec
execute0_lowered:
.L_overlay_start_1:
0x0: {  	(tag) =	ssettag $0x1  }
0x1: {  	s1 =	srdreg.scid  }
0x2: {  	s0 =	stileid.u32;
	s5 =	rddreg [dreg:$0x0]  }
0x3: {  	s2 =	rddreg [dreg:$0x1];
	s3 =	simm.s32 $0x0;
	s12 =	simm.s32 $0x64  }
0x4: {  	s13 =	simm.s32 $0x5140;
	s14 =	simm.s32 $0x68;
	s15 =	simm.s32 $0x8340  }
0x5: {  	s16 =	simm.s32 $0x1;
	s17 =	simm.s32 $0x2;
	s18 =	simm.s32 $0x3  }
0x6: {  	s19 =	simm.s32 $0x4;
	s20 =	simm.s32 $0x5070;
	s21 =	simm.s32 $0x50D8  }
0x7: {  	s6 =	sand.u32 $0x1, s1;
	s1 =	rddreg [dreg:$0x2];
	s9 =	smul.u32 $0x4F000, s0  }
0x8: {  	s28 =	sshll.u32 s0, $0x1;
	[smem:$0x7FF] =	sst s3;
	s11 =	smul.u32 $0x13C00, s0  }
0x9: {  	s4 =	sor.u32 s6, s28;
	s7 =	smul.u32 $0x27800, s6;
	s6 =	ssub.s32 $0x2, s6  }
0xa: {  	_ =	strace $0x8000004A;
	s4 =	smul.u32 $0x28A0, s4;
	s29 =	sshrl.u32 s6, $0x1  }
0xb: {  	s30 =	sshrl.u32 s9, $0x2;
	s23 =	sshrl.u32 s11, $0x3;
	s24 =	sadd.s32 s11, s2  }
0xc: {  	s9 =	simm.s32 $0xB540;
	s11 =	simm.s32 $0x28A0;
	s10 =	sadd.s32 s7, s5  }
0xd: {  	s31 =	ssub.s32 s6, s29;
	s8 =	sshrl.u32 s4, $0x3;
	s4 =	sadd.s32 $0x18200, s5  }
0xe: {  	s22 =	sadd.s32 $0x3F400, s10;
	s10 =	simm.s32 $0x5;
	s8 =	sadd.s32 s8, s5  }
0xf: {  	s5 =	sadd.s32 s30, s2;
	s22 =	sadd.s32 s23, s22;
	s23 =	sshrl.u32 s24, $0x3  }
0x10: {  	v0 =	vimm.f32 $0.0e+00;
	s6 =	sadd.s32 $0x3C00, s8;
	s7 =	sadd.s32 $0xDE80, s8;
	s8 =	smax.u32 s31, $0x1  }
.LBB2_1:
0x11: {  	[tilespmem:$0xB540] =	vst v0  }
0x12: {  	[tilespmem:$0xB550] =	vst v0  }
0x13: {  	[tilespmem:$0xB560] =	vst v0  }
0x14: {  	[tilespmem:$0xB570] =	vst v0  }
0x15: {  	[tilespmem:$0xB580] =	vst v0  }
0x16: {  	[tilespmem:$0xB590] =	vst v0  }
0x17: {  	[tilespmem:$0xB5A0] =	vst v0  }
0x18: {  	[tilespmem:$0xB5B0] =	vst v0  }
0x19: {  	[tilespmem:$0xB5C0] =	vst v0  }
0x1a: {  	[tilespmem:$0xB5D0] =	vst v0  }
0x1b: {  	[tilespmem:$0xB5E0] =	vst v0  }
0x1c: {  	[tilespmem:$0xB5F0] =	vst v0  }
0x1d: {  	[tilespmem:$0xB600] =	vst v0  }
0x1e: {  	[tilespmem:$0xB610] =	vst v0  }
0x1f: {  	[tilespmem:$0xB620] =	vst v0  }
0x20: {  	[tilespmem:$0xB630] =	vst v0  }
0x21: {  	[tilespmem:$0xB640] =	vst v0  }
0x22: {  	[tilespmem:$0xB650] =	vst v0  }
0x23: {  	[tilespmem:$0xB660] =	vst v0  }
0x24: {  	[tilespmem:$0xB670] =	vst v0  }
0x25: {  	[tilespmem:$0xB680] =	vst v0  }
0x26: {  	[tilespmem:$0xB690] =	vst v0  }
0x27: {  	[tilespmem:$0xB6A0] =	vst v0  }
0x28: {  	[tilespmem:$0xB6B0] =	vst v0  }
0x29: {  	[tilespmem:$0xB6C0] =	vst v0  }
0x2a: {  	[tilespmem:$0xB6D0] =	vst v0  }
0x2b: {  	[tilespmem:$0xB6E0] =	vst v0  }
0x2c: {  	[tilespmem:$0xB6F0] =	vst v0  }
0x2d: {  	[tilespmem:$0xB700] =	vst v0  }
0x2e: {  	[tilespmem:$0xB710] =	vst v0  }
0x2f: {  	[tilespmem:$0xB720] =	vst v0  }
0x30: {  	[tilespmem:$0xB730] =	vst v0  }
0x31: {  	[tilespmem:$0xB740] =	vst v0  }
0x32: {  	[tilespmem:$0xB750] =	vst v0  }
0x33: {  	[tilespmem:$0xB760] =	vst v0  }
0x34: {  	[tilespmem:$0xB770] =	vst v0  }
0x35: {  	[tilespmem:$0xB780] =	vst v0  }
0x36: {  	[tilespmem:$0xB790] =	vst v0  }
0x37: {  	[tilespmem:$0xB7A0] =	vst v0  }
0x38: {  	[tilespmem:$0xB7B0] =	vst v0  }
0x39: {  	[tilespmem:$0xB7C0] =	vst v0  }
0x3a: {  	[tilespmem:$0xB7D0] =	vst v0  }
0x3b: {  	[tilespmem:$0xB7E0] =	vst v0  }
0x3c: {  	[tilespmem:$0xB7F0] =	vst v0  }
0x3d: {  	[tilespmem:$0xB800] =	vst v0  }
0x3e: {  	[tilespmem:$0xB810] =	vst v0  }
0x3f: {  	[tilespmem:$0xB820] =	vst v0  }
0x40: {  	[tilespmem:$0xB830] =	vst v0  }
0x41: {  	[tilespmem:$0xB840] =	vst v0  }
0x42: {  	[tilespmem:$0xB850] =	vst v0  }
0x43: {  	[tilespmem:$0xB860] =	vst v0  }
0x44: {  	[tilespmem:$0xB870] =	vst v0  }
0x45: {  	[tilespmem:$0xB880] =	vst v0  }
0x46: {  	[tilespmem:$0xB890] =	vst v0  }
0x47: {  	[tilespmem:$0xB8A0] =	vst v0  }
0x48: {  	[tilespmem:$0xB8B0] =	vst v0  }
0x49: {  	[tilespmem:$0xB8C0] =	vst v0  }
0x4a: {  	[tilespmem:$0xB8D0] =	vst v0  }
0x4b: {  	[tilespmem:$0xB8E0] =	vst v0  }
0x4c: {  	[tilespmem:$0xB8F0] =	vst v0  }
0x4d: {  	[tilespmem:$0xB900] =	vst v0  }
0x4e: {  	[tilespmem:$0xB910] =	vst v0  }
0x4f: {  	[tilespmem:$0xB920] =	vst v0  }
0x50: {  	[tilespmem:$0xB930] =	vst v0;
	s24 =	sadd.s32 $0x0, s5  }
0x51: {  	[spmem:s24] =	stream.linear.scatter [tilespmem:s9], [sflag:$0x5], $0x400, $0x38;
	[tilespmem:$0x1F540] =	vst v63  }
0x52: {  	s24 =	simm.s32 $0x1000;
	_ =	swait.ge [sflag:s10], $0x400  }
.LBB2_2:
0x53: {  	s25 =	sshra.s32 s24, $0x2;
	[sflag:s10] =	ssyncset.done $0x0;
	p0 =	sne.s32 s24, $0x4E000  }
.Ltmp0:
0x54: {  	s25 =	sadd.s32 s25, s5;
	[sflag:s10] =	ssyncadd.s32 $0xFFFFFC00;
	(pc) =	sbr.rel @p0 .LBB2_2-.Ltmp0, $3  }
0x55: {  	[spmem:s25] =	stream.linear.scatter [tilespmem:s9], [sflag:$0x5], $0x400, $0x38;
	[tilespmem:$0x1F540] =	vst v63  }
0x56: {  	s24 =	sadd.s32 $0x1000, s24;
	_ =	sdelay $0x1  }
0x57: {  	_ =	swait.ge [sflag:s10], $0x400  }
0x58: {  	[sflag:s10] =	ssyncset.done $0x0  }
0x59: {  	s24 =	simm.s32 $0x0;
	[sflag:s10] =	ssyncadd.s32 $0xFFFFFC00  }
0x5a: {  	[tilespmem:s24], [sflag:$0x5] =	stream.linear.gather [hbm4b:s6+s24], $0x28A0, $0x38;
	[tilespmem:$0x1F540] =	vst v63  }
0x5b: {  	_ =	swait.ge [sflag:s10], $0x28A0  }
0x5c: {  	[sflag:s10] =	ssyncset.done $0x0  }
0x5d: {  	[sflag:s10] =	ssyncadd.s32 $0xFFFFD760  }
0x5e: {  	[tilespmem:s11], [sflag:$0x5] =	stream.linear.gather [hbm4b:s7+s24], $0x28A0, $0x38;
	[tilespmem:$0x1F540] =	vst v63  }
0x5f: {  	_ =	swait.ge [sflag:s10], $0x28A0  }
0x60: {  	[sflag:s10] =	ssyncset.done $0x0  }
0x61: {  	[sflag:s10] =	ssyncadd.s32 $0xFFFFD760  }
0x62: {  	[bflag:$0x0] =	sbarrier.arrive $0xFFFF  }
0x63: {  	[tilespmem:s13], [sflag:$0x1] =	stream.indirect.gather [hbm4b:s4+s12], $0x80, s24, s12, $0xb8;
	[tilespmem:$0x1F540] =	vst v63  }
0x64: {  	_ = 	snop  }
0x65: {  	[tilespmem:s15], [sflag:$0x2] =	stream.indirect.gather [hbm4b:s4+s12], $0x80, s14, s12, $0xb8;
	[tilespmem:$0x1F540] =	vst v63  }
0x66: {  	_ =	swait.ge [sflag:s16], $0x3200  }
0x67: {  	[sflag:s16] =	ssyncset.done $0x0  }
0x68: {  	s29 =	simm.s32 $0x28A0;
	[sflag:s16] =	ssyncadd.s32 $0xFFFFCE00  }
0x69: {  	[spmem:s2] =	stream.indirect.scatter.add.f32 [tilespmem:s13], [sflag:$0x3], $0x80, s29, s12, $0xb8;
	[tilespmem:$0x1F540] =	vst v63  }
0x6a: {  	_ =	swait.ge [sflag:s17], $0x3200  }
0x6b: {  	[sflag:s17] =	ssyncset.done $0x0  }
0x6c: {  	s30 =	simm.s32 $0x2908;
	[sflag:s17] =	ssyncadd.s32 $0xFFFFCE00  }
0x6d: {  	[spmem:s2] =	stream.indirect.scatter.add.f32 [tilespmem:s15], [sflag:$0x4], $0x80, s30, s12, $0xb8;
	[tilespmem:$0x1F540] =	vst v63  }
0x6e: {  	_ =	swait.ge [sflag:s18], $0x3200  }
0x6f: {  	[sflag:s18] =	ssyncset.done $0x0  }
0x70: {  	s31 =	simm.s32 $0xD0;
	[sflag:s18] =	ssyncadd.s32 $0xFFFFCE00  }
0x71: {  	[tilespmem:s13], [sflag:$0x1] =	stream.indirect.gather [hbm4b:s4+s12], $0x80, s31, s12, $0xb8;
	[tilespmem:$0x1F540] =	vst v63  }
0x72: {  	_ =	swait.ge [sflag:s19], $0x3200  }
0x73: {  	[sflag:s19] =	ssyncset.done $0x0  }
0x74: {  	s25 =	simm.s32 $0x138;
	s24 =	simm.s32 $0x340;
	[sflag:s19] =	ssyncadd.s32 $0xFFFFCE00  }
.LBB2_4:
0x75: {  	[tilespmem:s15], [sflag:$0x2] =	stream.indirect.gather [hbm4b:s4+s12], $0x80, s25, s12, $0xb8;
	[tilespmem:$0x1F540] =	vst v63  }
0x76: {  	s25 =	smov.u32 s24  }
0x77: {  	p0 =	sne.s32 s24, $0x9C00;
	s24 =	sadd.s32 $0x340, s24;
	_ =	swait.ge [sflag:s16], $0x3200  }
0x78: {  	s25 =	sshra.s32 s25, $0x2;
	[sflag:s16] =	ssyncset.done $0x0  }
0x79: {  	s26 =	sadd.s32 $0x28A0, s25;
	[sflag:s16] =	ssyncadd.s32 $0xFFFFCE00  }
0x7a: {  	[spmem:s2] =	stream.indirect.scatter.add.f32 [tilespmem:s13], [sflag:$0x3], $0x80, s26, s12, $0xb8;
	[tilespmem:$0x1F540] =	vst v63  }
0x7b: {  	_ =	swait.ge [sflag:s17], $0x3200  }
0x7c: {  	[sflag:s17] =	ssyncset.done $0x0  }
0x7d: {  	s26 =	sadd.s32 $0x2908, s25;
	[sflag:s17] =	ssyncadd.s32 $0xFFFFCE00  }
0x7e: {  	[spmem:s2] =	stream.indirect.scatter.add.f32 [tilespmem:s15], [sflag:$0x4], $0x80, s26, s12, $0xb8;
	[tilespmem:$0x1F540] =	vst v63  }
0x7f: {  	_ =	swait.ge [sflag:s18], $0x3200  }
0x80: {  	[sflag:s18] =	ssyncset.done $0x0  }
.Ltmp1:
0x81: {  	s26 =	sadd.s32 $0xD0, s25;
	[sflag:s18] =	ssyncadd.s32 $0xFFFFCE00;
	(pc) =	sbr.rel @p0 .LBB2_4-.Ltmp1, $4  }
0x82: {  	[tilespmem:s13], [sflag:$0x1] =	stream.indirect.gather [hbm4b:s4+s12], $0x80, s26, s12, $0xb8;
	[tilespmem:$0x1F540] =	vst v63  }
0x83: {  	_ =	swait.ge [sflag:s19], $0x3200  }
0x84: {  	[sflag:s19] =	ssyncset.done $0x0  }
0x85: {  	s25 =	sadd.s32 $0x138, s25;
	[sflag:s19] =	ssyncadd.s32 $0xFFFFCE00  }
0x86: {  	[tilespmem:s15], [sflag:$0x2] =	stream.indirect.gather [hbm4b:s4+s12], $0x80, s25, s12, $0xb8;
	[tilespmem:$0x1F540] =	vst v63  }
0x87: {  	_ =	swait.ge [sflag:s16], $0x3200  }
0x88: {  	[sflag:s16] =	ssyncset.done $0x0  }
0x89: {  	[sflag:s16] =	ssyncadd.s32 $0xFFFFCE00  }
0x8a: {  	[spmem:s2] =	stream.indirect.scatter.add.f32 [tilespmem:s13], [sflag:$0x3], $0x80, s20, s12, $0xb8;
	[tilespmem:$0x1F540] =	vst v63  }
0x8b: {  	_ =	swait.ge [sflag:s17], $0x3200  }
0x8c: {  	[sflag:s17] =	ssyncset.done $0x0  }
0x8d: {  	[sflag:s17] =	ssyncadd.s32 $0xFFFFCE00  }
0x8e: {  	[spmem:s2] =	stream.indirect.scatter.add.f32 [tilespmem:s15], [sflag:$0x4], $0x80, s21, s12, $0xb8;
	[tilespmem:$0x1F540] =	vst v63  }
0x8f: {  	_ =	swait.ge [sflag:s18], $0x3200  }
0x90: {  	[sflag:s18] =	ssyncset.done $0x0  }
0x91: {  	[sflag:s18] =	ssyncadd.s32 $0xFFFFCE00  }
0x92: {  	_ =	swait.ge [sflag:s19], $0x3200  }
0x93: {  	s3 =	sadd.s32 $0x1, s3;
	[sflag:s19] =	ssyncset.done $0x0  }
0x94: {  	s24 =	sshll.u32 s0, $0x6;
	p0 =	sne.s32 s3, s8;
	[sflag:s19] =	ssyncadd.s32 $0xFFFFCE00  }
.Ltmp2:
0x95: {  	s24 =	sor.u32 $0x1C05, s24;
	[bflag:$0x0] =	sbarrier.arrive $0xFFFF;
	(pc) =	sbr.rel @p0 .LBB2_1-.Ltmp2, $4  }
0x96: {  	[hbm:s22], [sflag:s24] =	dma.local [spmem:s23], $0x2780  }
0x97: {  	_ =	swait.ge [sflag:s10], $0x2780  }
0x98: {  	[sflag:s10] =	ssyncset.done $0x0  }
0x99: {  	[sflag:s10] =	ssyncadd.s32 $0xFFFFD880  }
0x9a: {  	_ =	sfence.sel $0x180000  }
0x9b: {  	[bflag:$0x0] =	sbarrier.arrive $0xFFFF  }
0x9c: {  	p0 =	sne.s32 s0, $0x0;
	_ =	strace $0x9000004A  }
0x9d: {  	s0 =	sadd.s32 @!p0 $0x100000, s1;
	[bflag:$0x2] =	sbarrier.arrive $0xFFFF  }
0x9e: {  	[sflag:s0] =	ssyncadd.tile.s32 @!p0 $0x1;
	_ =	shalt  }
.Lfunc_end2:
_tile_overlayer_lowered:
.L_overlay_start_2:
0x9f: {  	(tag) =	ssettag $0x2  }
0xa0: {  	s0 =	rddreg [dreg:$0x0];
	s2 =	stileid.u32  }
0xa1: {  	s1 =	rddreg [dreg:$0x1];
	p0 =	sne.s32 s2, $0x0  }
0xa2: {  	s3 =	rddreg [dreg:$0x2];
	[bflag:$0x3] =	sbarrier.arrive $0xFFFF;
	s2 =	simm.s32 @!p0 $0x1C05  }
0xa3: {  	[timem:s3], [sflag:s2] =	dma.local @!p0 [hbm:s0], s1  }
0xa4: {  	s0 =	simm.s32 @!p0 $0x5  }
0xa5: {  	_ =	swait.ge @!p0 [sflag:s0], s1  }
0xa6: {  	s1 =	ssub.s32 @!p0 $0x0, s1;
	[sflag:s0] =	ssyncset.done @!p0 $0x0  }
0xa7: {  	[sflag:s0] =	ssyncadd.s32 @!p0 s1  }
0xa8: {  	[bflag:$0x3] =	sbarrier.arrive $0xFFFF  }
0xa9: {  	_ =	shalt  }

// kernel: kernel.17.cloned.1.call-start
scs
__scs_entry_jumppad:
0x0: {  	(pc) =	sbr.rel $0x88, $3  }
0x1: {  	(tag) =	ssettag $0x0;
	lr =	simm.s32 $0x1  }
0x2: {  	[smem:$0x3F99] =	sst lr;
	_ =	strace $0xD0000000  }
0x3: {  	_ = 	snop  }
0x4: {  	_ = 	snop  }
0x5: {  	_ = 	snop  }
0x6: {  	_ = 	snop  }
0x7: {  	_ = 	snop  }
__scs_overlays_trampoline_lowered:
0x8: {  	[smem:$0x3FA8] =	sst s0  }
0x9: {  	[smem:$0x3FA9] =	sst s1  }
0xa: {  	[smem:$0x3FAA] =	sst s2  }
0xb: {  	[smem:$0x3FAB] =	sst s3  }
0xc: {  	[smem:$0x3FAC] =	sst s4  }
0xd: {  	[smem:$0x3FAD] =	sst s5  }
0xe: {  	[smem:$0x3FAE] =	sst s6  }
0xf: {  	[smem:$0x3FAF] =	sst s7  }
0x10: {  	[smem:$0x3FB0] =	sst s8  }
0x11: {  	[smem:$0x3FB1] =	sst s9;
	s0 =	simm.s32 @!p0 $0x0  }
0x12: {  	s1 =	sld [smem:$0x3F97];
	s0 =	simm.s32 @p0 $0x1  }
0x13: {  	[smem:$0x3FB2] =	sst s0;
	s0 =	simm.s32 @!p1 $0x0  }
0x14: {  	s2 =	sld [smem:$0x3F96];
	s0 =	simm.s32 @p1 $0x1  }
0x15: {  	[smem:$0x3FB3] =	sst s0;
	s0 =	simm.s32 @!p2 $0x0  }
0x16: {  	s3 =	sld [smem:$0x3FDB];
	s0 =	simm.s32 @p2 $0x1  }
0x17: {  	s4 =	simm.s32 $0x1BF5;
	[smem:$0x3FB5] =	sst s0  }
0x18: {  	s0 =	sld [smem:$0x3F98];
	_ =	swait.ge [sflag:s4], $0x0  }
0x19: {  	s7 =	sld [smem:$0x3F99]  }
0x1a: {  	s8 =	sadd.s32 $0xFFFFE003, lr  }
0x1b: {  	s9 =	sadd.s32 $0xFFFFFEF7, lr;
	s5 =	simm.s32 $0xFFFFFFFF;
	p2 =	slt.u32 s8, $0xFFFFF086  }
0x1c: {  	p1 =	slt.u32 s9, $0xF7A;
	s5 =	simm.s32 @!p2 $0x0  }
0x1d: {  	s5 =	simm.s32 @p1 $0x1;
	p0 =	seq.s32 s7, s2  }
0x1e: {  	s7 =	smul.u32 @!p0 $0xF7A, s2;
	p2 =	seq.s32 @!p0 s5, $0x0  }
0x1f: {  	s9 =	smul.u32 $0xF7A, s1;
	s8 =	simm.s32 @!p0 $0x1BF5;
	p2 =	por !p2, p0  }
0x20: {  	[sflag:s8] =	ssyncset.s32 @!p0 $0xFFFFF086;
	s6 =	sadd.s32 @!p0 s3, s7;
	s7 =	simm.s32 @!p0 $0x108  }
0x21: {  	s3 =	sadd.s32 s3, s9;
	s6 =	sadd.s32 @!p0 $0x88, s6;
	s7 =	simm.s32 @p2 $0x1082  }
0x22: {  	[simem:s7], [sflag:s8] =	dma.local @!p0 [hbm:s6], $0xF7A  }
0x23: {  	s9 =	sor.u32 $0xD0000000, s2;
	s6 =	simm.s32 $0x108;
	_ =	swait.ge @!p0 [sflag:s8], $0x0  }
0x24: {  	s3 =	sadd.s32 $0x88, s3;
	s6 =	simm.s32 @!p1 $0x1082;
	[sflag:s4] =	ssyncset.s32 $0xFFFFF086  }
0x25: {  	[simem:s6], [sflag:s4] =	dma.local [hbm:s3], $0xF7A  }
0x26: {  	[smem:$0x3F99] =	sst s1;
	(tag) =	ssettag s2;
	_ =	strace s9  }
0x27: {  	s1 =	sld [smem:$0x3FA9]  }
0x28: {  	s2 =	sld [smem:$0x3FAA]  }
0x29: {  	s4 =	sld [smem:$0x3FAC]  }
0x2a: {  	p0 =	seq.s32 s5, $0x0;
	s5 =	sld [smem:$0x3FAD]  }
0x2b: {  	s6 =	sld [smem:$0x3FAE]  }
0x2c: {  	s7 =	sld [smem:$0x3FAF]  }
0x2d: {  	s3 =	simm.s32 $0x108;
	s8 =	sld [smem:$0x3FB0]  }
0x2e: {  	s3 =	simm.s32 @!p0 $0x1082;
	s9 =	sld [smem:$0x3FB1]  }
0x2f: {  	lr =	sadd.s32 s0, s3;
	s0 =	sld [smem:$0x3FA8]  }
0x30: {  	s3 =	sld [smem:$0x3FAB]  }
0x31: {  	[smem:$0x3FB4] =	sst s10  }
0x32: {  	s10 =	sld [smem:$0x3FB2];
	_ =	sdelay $0x3  }
0x33: {  	p0 =	seq.s32 s10, $0x1;
	s10 =	sld [smem:$0x3FB4];
	_ =	sdelay $0x3  }
0x34: {  	[smem:$0x3FB4] =	sst s10  }
0x35: {  	s10 =	sld [smem:$0x3FB3];
	_ =	sdelay $0x3  }
0x36: {  	p1 =	seq.s32 s10, $0x1;
	s10 =	sld [smem:$0x3FB4];
	_ =	sdelay $0x3  }
0x37: {  	[smem:$0x3FB4] =	sst s10  }
0x38: {  	s10 =	sld [smem:$0x3FB5]  }
0x39: {  	_ = 	snop;
	(pc) =	sbr.ind lr, $3  }
0x3a: {  	_ = 	snop  }
0x3b: {  	_ = 	snop  }
0x3c: {  	p2 =	seq.s32 s10, $0x1;
	s10 =	sld [smem:$0x3FB4]  }
0x3d: {  	_ =	shalt  }
0x3e: {  	_ =	shalt  }
0x3f: {  	_ =	shalt  }
0x40: {  	_ =	shalt  }
0x41: {  	_ =	shalt  }
0x42: {  	_ =	shalt  }
0x43: {  	_ =	shalt  }
0x44: {  	_ =	shalt  }
0x45: {  	_ =	shalt  }
0x46: {  	_ =	shalt  }
0x47: {  	_ =	shalt  }
0x48: {  	_ =	shalt  }
0x49: {  	_ =	shalt  }
0x4a: {  	_ =	shalt  }
0x4b: {  	_ =	shalt  }
0x4c: {  	_ =	shalt  }
0x4d: {  	_ =	shalt  }
0x4e: {  	_ =	shalt  }
0x4f: {  	_ =	shalt  }
0x50: {  	_ =	shalt  }
0x51: {  	_ =	shalt  }
0x52: {  	_ =	shalt  }
0x53: {  	_ =	shalt  }
0x54: {  	_ =	shalt  }
0x55: {  	_ =	shalt  }
0x56: {  	_ =	shalt  }
0x57: {  	_ =	shalt  }
0x58: {  	_ =	shalt  }
0x59: {  	_ =	shalt  }
0x5a: {  	_ =	shalt  }
0x5b: {  	_ =	shalt  }
0x5c: {  	_ =	shalt  }
0x5d: {  	_ =	shalt  }
0x5e: {  	_ =	shalt  }
0x5f: {  	_ =	shalt  }
0x60: {  	_ =	shalt  }
0x61: {  	_ =	shalt  }
0x62: {  	_ =	shalt  }
0x63: {  	_ =	shalt  }
0x64: {  	_ =	shalt  }
0x65: {  	_ =	shalt  }
0x66: {  	_ =	shalt  }
0x67: {  	_ =	shalt  }
0x68: {  	_ =	shalt  }
0x69: {  	_ =	shalt  }
0x6a: {  	_ =	shalt  }
0x6b: {  	_ =	shalt  }
0x6c: {  	_ =	shalt  }
0x6d: {  	_ =	shalt  }
0x6e: {  	_ =	shalt  }
0x6f: {  	_ =	shalt  }
0x70: {  	_ =	shalt  }
0x71: {  	_ =	shalt  }
0x72: {  	_ =	shalt  }
0x73: {  	_ =	shalt  }
0x74: {  	_ =	shalt  }
0x75: {  	_ =	shalt  }
0x76: {  	_ =	shalt  }
0x77: {  	_ =	shalt  }
0x78: {  	_ =	shalt  }
0x79: {  	_ =	shalt  }
0x7a: {  	_ =	shalt  }
0x7b: {  	_ =	shalt  }
0x7c: {  	_ =	shalt  }
0x7d: {  	_ =	shalt  }
0x7e: {  	_ =	shalt  }
0x7f: {  	_ =	shalt  }
0x80: {  	_ =	shalt  }
0x81: {  	_ =	shalt  }
0x82: {  	_ =	shalt  }
0x83: {  	_ =	shalt  }
0x84: {  	_ =	shalt  }
0x85: {  	_ =	shalt  }
0x86: {  	_ =	shalt  }
0x87: {  	_ =	shalt  }
.Lfunc_end0:
.L_simem_size_0:
called_computation.2_lowered:
.L_overlay_start_0:
0x88: {  	s2 =	sld [smem:$0x3FD9]  }
0x89: {  	s3 =	sld [smem:$0x3FFE];
	_ =	sdelay $0x1  }
0x8a: {  	s1 =	srdreg.scid  }
0x8b: {  	s0 =	sand.u32 $0x1, s1  }
0x8c: {  	s17 =	sshll.u32 s0, $0xA;
	s2 =	sadd.s32 s3, s2  }
0x8d: {  	s2 =	sadd.s32 s2, s17  }
0x8e: {  	[smem:$0x3FC0] =	sst s2  }
0x8f: {  	_ = 	snop  }
0x90: {  	(tm) =	ssettm $0x1  }
0x91: {  	s18 =	sld [smem:$0x3FFB];
	_ =	sdelay $0x3  }
0x92: {  	_ =	strace s18  }
0x93: {  	s2 =	sld [smem:$0x3FFC];
	_ =	sdelay $0x3  }
0x94: {  	_ =	strace s2  }
0x95: {  	s2 =	sld [smem:$0x3FFD];
	_ =	sdelay $0x3  }
0x96: {  	_ =	strace s2  }
0x97: {  	_ =	strace $0x8FFFFFFF  }
0x98: {  	s19 =	sld [smem:$0x3FDB];
	_ =	sdelay $0x1  }
0x99: {  	s20 =	simm.s32 $_scs_section_size  }
0x9a: {  	s4 =	simm.s32 $_size__tile_overlayer_lowered;
	s5 =	simm.s32 $_tile_overlayer_lowered  }
0x9b: {  	s6 =	simm.s32 $0x1BFF;
	s21 =	sshll.u32 s5, $0x1;
	s3 =	sadd.s32 s20, s19  }
0x9c: {  	s22 =	simm.s32 $0x0;
	s4 =	sshll.u32 s4, $0x1;
	s5 =	sadd.s32 s21, s3  }
0x9d: {  	[timem:s22], [sflag:s6] =	dma.local [hbm:s5], s4  }
0x9e: {  	_ =	swait.ge [sflag:s6], s4  }
0x9f: {  	s4 =	ssub.s32 $0x0, s4;
	[sflag:s6] =	ssyncset.done $0x0  }
0xa0: {  	[sflag:s6] =	ssyncadd.s32 s4;
	_ =	sdelay $0x1  }
0xa1: {  	s23 =	simm.s32 $0x1B8B  }
0xa2: {  	_ =	swait.ge [sflag:s23], $0x1  }
0xa3: {  	[sflag:s23] =	ssyncset.done $0x0  }
0xa4: {  	[sflag:s23] =	ssyncadd.s32 $0xFFFFFFFF  }
0xa5: {  	s4 =	sld [smem:$0x0]  }
0xa6: {  	s5 =	sand.u32 $0xFFFFFFFE, s1  }
0xa7: {  	p0 =	sne.s32 s1, s5  }
0xa8: {  	s5 =	sshll.u32 @p0 s5, $0xE  }
0xa9: {  	s5 =	sadd.s32 @p0 $0x11B8D, s5;
	s6 =	sshll.u32 @p0 s4, $0x11  }
0xaa: {  	s5 =	sor.u32 @p0 s6, s5  }
0xab: {  	[sflag:s5] =	ssyncadd.remote.s32 @p0 $0x1;
	_ =	sdelay $0x1  }
0xac: {  	s5 =	simm.s32 @p0 $0x1B8D  }
0xad: {  	_ =	swait.eq @p0 [sflag:s5], $0x1  }
0xae: {  	[sflag:s5] =	ssyncadd.s32 @p0 $0xFFFFFFFF  }
0xaf: {  	s6 =	sshll.u32 @!p0 s1, $0xE  }
0xb0: {  	s6 =	sor.u32 @!p0 $0x4000, s6;
	s5 =	simm.s32 @!p0 $0x1B8D  }
0xb1: {  	s4 =	sshll.u32 @!p0 s4, $0x11;
	s6 =	sadd.s32 @!p0 $0x11B8D, s6;
	_ =	swait.eq @!p0 [sflag:s5], $0x1  }
0xb2: {  	s4 =	sor.u32 @!p0 s4, s6;
	[sflag:s5] =	ssyncadd.s32 @!p0 $0xFFFFFFFF  }
0xb3: {  	s25 =	simm.s32 $0x1B8E;
	s24 =	sld [smem:$0x3FFE];
	[sflag:s4] =	ssyncadd.remote.s32 @!p0 $0x1  }
0xb4: {  	s26 =	simm.s32 $execute0_lowered;
	[smem:$0x3FD2] =	sst s25  }
0xb5: {  	s5 =	sshll.u32 s26, $0x1;
	_ =	strace $0x8000004F;
	[dreg:$0x1] =	wrdreg $0xFFFFFFFF  }
0xb6: {  	s28 =	simm.s32 $_size_execute0_lowered;
	s3 =	sadd.s32 s3, s5;
	[dreg:$0x0] =	wrdreg $0x0  }
0xb7: {  	s5 =	sshll.u32 s28, $0x1;
	[dreg:$0x2] =	wrdreg s3  }
0xb8: {  	[dreg:$0x3] =	wrdreg s5  }
0xb9: {  	[dreg:$0x4] =	wrdreg $0xC0  }
0xba: {  	_ =	task [dreg:s22], $0x5FFFF  }
0xbb: {  	[dreg:$0x1] =	wrdreg $0xFFFFFFFF  }
0xbc: {  	[dreg:$0x0] =	wrdreg $0x60  }
0xbd: {  	[dreg:$0x2] =	wrdreg s24  }
0xbe: {  	[dreg:$0x3] =	wrdreg $0xB9400  }
0xbf: {  	[dreg:$0x4] =	wrdreg $0x9  }
0xc0: {  	_ =	task.clear_ibuf [dreg:s22], $0x5FFFF;
	_ =	strace $0x9000004F  }
0xc1: {  	s29 =	simm.s32 $0x9;
	_ =	strace $0x80000051  }
0xc2: {  	_ =	swait.ge [sflag:s29], $0x1  }
0xc3: {  	[sflag:s29] =	ssyncadd.s32 $0xFFFFFFFF  }
0xc4: {  	_ =	strace $0x90000051  }
0xc5: {  	_ =	sfence  }
0xc6: {  	s30 =	sld [smem:$0x0];
	_ =	sdelay $0x2  }
0xc7: {  	s31 =	sshll.u32 s1, $0xD;
	s1 =	sshrl.u32 s1, $0x2  }
0xc8: {  	s4 =	sand.u32 $0x4000, s31;
	s1 =	sadd.s32 s1, s30  }
0xc9: {  	s0 =	sor.u32 s4, s0;
	s1 =	sshll.u32 s1, $0x11  }
0xca: {  	s0 =	sor.u32 s1, s0  }
0xcb: {  	s0 =	sadd.s32 $0x8F2B, s0  }
0xcc: {  	[sflag:s0] =	ssyncadd.remote.s32 $0x1  }
0xcd: {  	_ =	sfence.sel $0xFFFF  }
0xce: {  	[dreg:$0x0] =	wrdreg $0xFFFFFFFF;
	(pc) =	sbr.abs _section_cstart, $3  }
0xcf: {  	[dreg:$0x1] =	wrdreg $0xFFFFFFFF  }
0xd0: {  	_ =	task.clear_ibuf [dreg:s22], $0x2FFFF;
	_ =	strace $0x9FFFFFFF  }
0xd1: {  	(tm) =	ssettm $0x7FFFFFFF  }
tec
execute0_lowered:
.L_overlay_start_1:
0x0: {  	(tag) =	ssettag $0x1  }
0x1: {  	s1 =	srdreg.scid  }
0x2: {  	s0 =	stileid.u32;
	s5 =	rddreg [dreg:$0x0]  }
0x3: {  	s2 =	rddreg [dreg:$0x1];
	s3 =	simm.s32 $0x0;
	s12 =	simm.s32 $0x64  }
0x4: {  	s13 =	simm.s32 $0x5140;
	s14 =	simm.s32 $0x68;
	s15 =	simm.s32 $0x8340  }
0x5: {  	s16 =	simm.s32 $0x1;
	s17 =	simm.s32 $0x2;
	s18 =	simm.s32 $0x3  }
0x6: {  	s19 =	simm.s32 $0x4;
	s20 =	simm.s32 $0x5070;
	s21 =	simm.s32 $0x50D8  }
0x7: {  	s6 =	sand.u32 $0x1, s1;
	s1 =	rddreg [dreg:$0x2];
	s9 =	smul.u32 $0x4F000, s0  }
0x8: {  	s28 =	sshll.u32 s0, $0x1;
	[smem:$0x7FF] =	sst s3;
	s11 =	smul.u32 $0x13C00, s0  }
0x9: {  	s4 =	sor.u32 s6, s28;
	s7 =	smul.u32 $0x27800, s6;
	s6 =	ssub.s32 $0x2, s6  }
0xa: {  	_ =	strace $0x80000050;
	s4 =	smul.u32 $0x28A0, s4;
	s29 =	sshrl.u32 s6, $0x1  }
0xb: {  	s30 =	sshrl.u32 s9, $0x2;
	s23 =	sshrl.u32 s11, $0x3;
	s24 =	sadd.s32 s11, s2  }
0xc: {  	s9 =	simm.s32 $0xB540;
	s11 =	simm.s32 $0x28A0;
	s10 =	sadd.s32 s7, s5  }
0xd: {  	s31 =	ssub.s32 s6, s29;
	s8 =	sshrl.u32 s4, $0x3;
	s4 =	sadd.s32 $0x3F400, s5  }
0xe: {  	s22 =	sadd.s32 $0xB5600, s10;
	s10 =	simm.s32 $0x5;
	s8 =	sadd.s32 s8, s5  }
0xf: {  	s5 =	sadd.s32 s30, s2;
	s22 =	sadd.s32 s23, s22;
	s23 =	sshrl.u32 s24, $0x3  }
0x10: {  	v0 =	vimm.f32 $0.0e+00;
	s6 =	sadd.s32 $0x3C00, s8;
	s7 =	sadd.s32 $0xDE80, s8;
	s8 =	smax.u32 s31, $0x1  }
.LBB2_1:
0x11: {  	[tilespmem:$0xB540] =	vst v0  }
0x12: {  	[tilespmem:$0xB550] =	vst v0  }
0x13: {  	[tilespmem:$0xB560] =	vst v0  }
0x14: {  	[tilespmem:$0xB570] =	vst v0  }
0x15: {  	[tilespmem:$0xB580] =	vst v0  }
0x16: {  	[tilespmem:$0xB590] =	vst v0  }
0x17: {  	[tilespmem:$0xB5A0] =	vst v0  }
0x18: {  	[tilespmem:$0xB5B0] =	vst v0  }
0x19: {  	[tilespmem:$0xB5C0] =	vst v0  }
0x1a: {  	[tilespmem:$0xB5D0] =	vst v0  }
0x1b: {  	[tilespmem:$0xB5E0] =	vst v0  }
0x1c: {  	[tilespmem:$0xB5F0] =	vst v0  }
0x1d: {  	[tilespmem:$0xB600] =	vst v0  }
0x1e: {  	[tilespmem:$0xB610] =	vst v0  }
0x1f: {  	[tilespmem:$0xB620] =	vst v0  }
0x20: {  	[tilespmem:$0xB630] =	vst v0  }
0x21: {  	[tilespmem:$0xB640] =	vst v0  }
0x22: {  	[tilespmem:$0xB650] =	vst v0  }
0x23: {  	[tilespmem:$0xB660] =	vst v0  }
0x24: {  	[tilespmem:$0xB670] =	vst v0  }
0x25: {  	[tilespmem:$0xB680] =	vst v0  }
0x26: {  	[tilespmem:$0xB690] =	vst v0  }
0x27: {  	[tilespmem:$0xB6A0] =	vst v0  }
0x28: {  	[tilespmem:$0xB6B0] =	vst v0  }
0x29: {  	[tilespmem:$0xB6C0] =	vst v0  }
0x2a: {  	[tilespmem:$0xB6D0] =	vst v0  }
0x2b: {  	[tilespmem:$0xB6E0] =	vst v0  }
0x2c: {  	[tilespmem:$0xB6F0] =	vst v0  }
0x2d: {  	[tilespmem:$0xB700] =	vst v0  }
0x2e: {  	[tilespmem:$0xB710] =	vst v0  }
0x2f: {  	[tilespmem:$0xB720] =	vst v0  }
0x30: {  	[tilespmem:$0xB730] =	vst v0  }
0x31: {  	[tilespmem:$0xB740] =	vst v0  }
0x32: {  	[tilespmem:$0xB750] =	vst v0  }
0x33: {  	[tilespmem:$0xB760] =	vst v0  }
0x34: {  	[tilespmem:$0xB770] =	vst v0  }
0x35: {  	[tilespmem:$0xB780] =	vst v0  }
0x36: {  	[tilespmem:$0xB790] =	vst v0  }
0x37: {  	[tilespmem:$0xB7A0] =	vst v0  }
0x38: {  	[tilespmem:$0xB7B0] =	vst v0  }
0x39: {  	[tilespmem:$0xB7C0] =	vst v0  }
0x3a: {  	[tilespmem:$0xB7D0] =	vst v0  }
0x3b: {  	[tilespmem:$0xB7E0] =	vst v0  }
0x3c: {  	[tilespmem:$0xB7F0] =	vst v0  }
0x3d: {  	[tilespmem:$0xB800] =	vst v0  }
0x3e: {  	[tilespmem:$0xB810] =	vst v0  }
0x3f: {  	[tilespmem:$0xB820] =	vst v0  }
0x40: {  	[tilespmem:$0xB830] =	vst v0  }
0x41: {  	[tilespmem:$0xB840] =	vst v0  }
0x42: {  	[tilespmem:$0xB850] =	vst v0  }
0x43: {  	[tilespmem:$0xB860] =	vst v0  }
0x44: {  	[tilespmem:$0xB870] =	vst v0  }
0x45: {  	[tilespmem:$0xB880] =	vst v0  }
0x46: {  	[tilespmem:$0xB890] =	vst v0  }
0x47: {  	[tilespmem:$0xB8A0] =	vst v0  }
0x48: {  	[tilespmem:$0xB8B0] =	vst v0  }
0x49: {  	[tilespmem:$0xB8C0] =	vst v0  }
0x4a: {  	[tilespmem:$0xB8D0] =	vst v0  }
0x4b: {  	[tilespmem:$0xB8E0] =	vst v0  }
0x4c: {  	[tilespmem:$0xB8F0] =	vst v0  }
0x4d: {  	[tilespmem:$0xB900] =	vst v0  }
0x4e: {  	[tilespmem:$0xB910] =	vst v0  }
0x4f: {  	[tilespmem:$0xB920] =	vst v0  }
0x50: {  	[tilespmem:$0xB930] =	vst v0;
	s24 =	sadd.s32 $0x0, s5  }
0x51: {  	[spmem:s24] =	stream.linear.scatter [tilespmem:s9], [sflag:$0x5], $0x400, $0x38;
	[tilespmem:$0x1F540] =	vst v63  }
0x52: {  	s24 =	simm.s32 $0x1000;
	_ =	swait.ge [sflag:s10], $0x400  }
.LBB2_2:
0x53: {  	s25 =	sshra.s32 s24, $0x2;
	[sflag:s10] =	ssyncset.done $0x0;
	p0 =	sne.s32 s24, $0x4E000  }
.Ltmp0:
0x54: {  	s25 =	sadd.s32 s25, s5;
	[sflag:s10] =	ssyncadd.s32 $0xFFFFFC00;
	(pc) =	sbr.rel @p0 .LBB2_2-.Ltmp0, $3  }
0x55: {  	[spmem:s25] =	stream.linear.scatter [tilespmem:s9], [sflag:$0x5], $0x400, $0x38;
	[tilespmem:$0x1F540] =	vst v63  }
0x56: {  	s24 =	sadd.s32 $0x1000, s24;
	_ =	sdelay $0x1  }
0x57: {  	_ =	swait.ge [sflag:s10], $0x400  }
0x58: {  	[sflag:s10] =	ssyncset.done $0x0  }
0x59: {  	s24 =	simm.s32 $0x0;
	[sflag:s10] =	ssyncadd.s32 $0xFFFFFC00  }
0x5a: {  	[tilespmem:s24], [sflag:$0x5] =	stream.linear.gather [hbm4b:s6+s24], $0x28A0, $0x38;
	[tilespmem:$0x1F540] =	vst v63  }
0x5b: {  	_ =	swait.ge [sflag:s10], $0x28A0  }
0x5c: {  	[sflag:s10] =	ssyncset.done $0x0  }
0x5d: {  	[sflag:s10] =	ssyncadd.s32 $0xFFFFD760  }
0x5e: {  	[tilespmem:s11], [sflag:$0x5] =	stream.linear.gather [hbm4b:s7+s24], $0x28A0, $0x38;
	[tilespmem:$0x1F540] =	vst v63  }
0x5f: {  	_ =	swait.ge [sflag:s10], $0x28A0  }
0x60: {  	[sflag:s10] =	ssyncset.done $0x0  }
0x61: {  	[sflag:s10] =	ssyncadd.s32 $0xFFFFD760  }
0x62: {  	[bflag:$0x0] =	sbarrier.arrive $0xFFFF  }
0x63: {  	[tilespmem:s13], [sflag:$0x1] =	stream.indirect.gather [hbm4b:s4+s12], $0x80, s24, s12, $0xb8;
	[tilespmem:$0x1F540] =	vst v63  }
0x64: {  	_ = 	snop  }
0x65: {  	[tilespmem:s15], [sflag:$0x2] =	stream.indirect.gather [hbm4b:s4+s12], $0x80, s14, s12, $0xb8;
	[tilespmem:$0x1F540] =	vst v63  }
0x66: {  	_ =	swait.ge [sflag:s16], $0x3200  }
0x67: {  	[sflag:s16] =	ssyncset.done $0x0  }
0x68: {  	s29 =	simm.s32 $0x28A0;
	[sflag:s16] =	ssyncadd.s32 $0xFFFFCE00  }
0x69: {  	[spmem:s2] =	stream.indirect.scatter.add.f32 [tilespmem:s13], [sflag:$0x3], $0x80, s29, s12, $0xb8;
	[tilespmem:$0x1F540] =	vst v63  }
0x6a: {  	_ =	swait.ge [sflag:s17], $0x3200  }
0x6b: {  	[sflag:s17] =	ssyncset.done $0x0  }
0x6c: {  	s30 =	simm.s32 $0x2908;
	[sflag:s17] =	ssyncadd.s32 $0xFFFFCE00  }
0x6d: {  	[spmem:s2] =	stream.indirect.scatter.add.f32 [tilespmem:s15], [sflag:$0x4], $0x80, s30, s12, $0xb8;
	[tilespmem:$0x1F540] =	vst v63  }
0x6e: {  	_ =	swait.ge [sflag:s18], $0x3200  }
0x6f: {  	[sflag:s18] =	ssyncset.done $0x0  }
0x70: {  	s31 =	simm.s32 $0xD0;
	[sflag:s18] =	ssyncadd.s32 $0xFFFFCE00  }
0x71: {  	[tilespmem:s13], [sflag:$0x1] =	stream.indirect.gather [hbm4b:s4+s12], $0x80, s31, s12, $0xb8;
	[tilespmem:$0x1F540] =	vst v63  }
0x72: {  	_ =	swait.ge [sflag:s19], $0x3200  }
0x73: {  	[sflag:s19] =	ssyncset.done $0x0  }
0x74: {  	s25 =	simm.s32 $0x138;
	s24 =	simm.s32 $0x340;
	[sflag:s19] =	ssyncadd.s32 $0xFFFFCE00  }
.LBB2_4:
0x75: {  	[tilespmem:s15], [sflag:$0x2] =	stream.indirect.gather [hbm4b:s4+s12], $0x80, s25, s12, $0xb8;
	[tilespmem:$0x1F540] =	vst v63  }
0x76: {  	s25 =	smov.u32 s24  }
0x77: {  	p0 =	sne.s32 s24, $0x9C00;
	s24 =	sadd.s32 $0x340, s24;
	_ =	swait.ge [sflag:s16], $0x3200  }
0x78: {  	s25 =	sshra.s32 s25, $0x2;
	[sflag:s16] =	ssyncset.done $0x0  }
0x79: {  	s26 =	sadd.s32 $0x28A0, s25;
	[sflag:s16] =	ssyncadd.s32 $0xFFFFCE00  }
0x7a: {  	[spmem:s2] =	stream.indirect.scatter.add.f32 [tilespmem:s13], [sflag:$0x3], $0x80, s26, s12, $0xb8;
	[tilespmem:$0x1F540] =	vst v63  }
0x7b: {  	_ =	swait.ge [sflag:s17], $0x3200  }
0x7c: {  	[sflag:s17] =	ssyncset.done $0x0  }
0x7d: {  	s26 =	sadd.s32 $0x2908, s25;
	[sflag:s17] =	ssyncadd.s32 $0xFFFFCE00  }
0x7e: {  	[spmem:s2] =	stream.indirect.scatter.add.f32 [tilespmem:s15], [sflag:$0x4], $0x80, s26, s12, $0xb8;
	[tilespmem:$0x1F540] =	vst v63  }
0x7f: {  	_ =	swait.ge [sflag:s18], $0x3200  }
0x80: {  	[sflag:s18] =	ssyncset.done $0x0  }
.Ltmp1:
0x81: {  	s26 =	sadd.s32 $0xD0, s25;
	[sflag:s18] =	ssyncadd.s32 $0xFFFFCE00;
	(pc) =	sbr.rel @p0 .LBB2_4-.Ltmp1, $4  }
0x82: {  	[tilespmem:s13], [sflag:$0x1] =	stream.indirect.gather [hbm4b:s4+s12], $0x80, s26, s12, $0xb8;
	[tilespmem:$0x1F540] =	vst v63  }
0x83: {  	_ =	swait.ge [sflag:s19], $0x3200  }
0x84: {  	[sflag:s19] =	ssyncset.done $0x0  }
0x85: {  	s25 =	sadd.s32 $0x138, s25;
	[sflag:s19] =	ssyncadd.s32 $0xFFFFCE00  }
0x86: {  	[tilespmem:s15], [sflag:$0x2] =	stream.indirect.gather [hbm4b:s4+s12], $0x80, s25, s12, $0xb8;
	[tilespmem:$0x1F540] =	vst v63  }
0x87: {  	_ =	swait.ge [sflag:s16], $0x3200  }
0x88: {  	[sflag:s16] =	ssyncset.done $0x0  }
0x89: {  	[sflag:s16] =	ssyncadd.s32 $0xFFFFCE00  }
0x8a: {  	[spmem:s2] =	stream.indirect.scatter.add.f32 [tilespmem:s13], [sflag:$0x3], $0x80, s20, s12, $0xb8;
	[tilespmem:$0x1F540] =	vst v63  }
0x8b: {  	_ =	swait.ge [sflag:s17], $0x3200  }
0x8c: {  	[sflag:s17] =	ssyncset.done $0x0  }
0x8d: {  	[sflag:s17] =	ssyncadd.s32 $0xFFFFCE00  }
0x8e: {  	[spmem:s2] =	stream.indirect.scatter.add.f32 [tilespmem:s15], [sflag:$0x4], $0x80, s21, s12, $0xb8;
	[tilespmem:$0x1F540] =	vst v63  }
0x8f: {  	_ =	swait.ge [sflag:s18], $0x3200  }
0x90: {  	[sflag:s18] =	ssyncset.done $0x0  }
0x91: {  	[sflag:s18] =	ssyncadd.s32 $0xFFFFCE00  }
0x92: {  	_ =	swait.ge [sflag:s19], $0x3200  }
0x93: {  	s3 =	sadd.s32 $0x1, s3;
	[sflag:s19] =	ssyncset.done $0x0  }
0x94: {  	s24 =	sshll.u32 s0, $0x6;
	p0 =	sne.s32 s3, s8;
	[sflag:s19] =	ssyncadd.s32 $0xFFFFCE00  }
.Ltmp2:
0x95: {  	s24 =	sor.u32 $0x1C05, s24;
	[bflag:$0x0] =	sbarrier.arrive $0xFFFF;
	(pc) =	sbr.rel @p0 .LBB2_1-.Ltmp2, $4  }
0x96: {  	[hbm:s22], [sflag:s24] =	dma.local [spmem:s23], $0x2780  }
0x97: {  	_ =	swait.ge [sflag:s10], $0x2780  }
0x98: {  	[sflag:s10] =	ssyncset.done $0x0  }
0x99: {  	[sflag:s10] =	ssyncadd.s32 $0xFFFFD880  }
0x9a: {  	_ =	sfence.sel $0x180000  }
0x9b: {  	[bflag:$0x0] =	sbarrier.arrive $0xFFFF  }
0x9c: {  	p0 =	sne.s32 s0, $0x0;
	_ =	strace $0x90000050  }
0x9d: {  	s0 =	sadd.s32 @!p0 $0x100000, s1;
	[bflag:$0x2] =	sbarrier.arrive $0xFFFF  }
0x9e: {  	[sflag:s0] =	ssyncadd.tile.s32 @!p0 $0x1;
	_ =	shalt  }
.Lfunc_end2:
_tile_overlayer_lowered:
.L_overlay_start_2:
0x9f: {  	(tag) =	ssettag $0x2  }
0xa0: {  	s0 =	rddreg [dreg:$0x0];
	s2 =	stileid.u32  }
0xa1: {  	s1 =	rddreg [dreg:$0x1];
	p0 =	sne.s32 s2, $0x0  }
0xa2: {  	s3 =	rddreg [dreg:$0x2];
	[bflag:$0x3] =	sbarrier.arrive $0xFFFF;
	s2 =	simm.s32 @!p0 $0x1C05  }
0xa3: {  	[timem:s3], [sflag:s2] =	dma.local @!p0 [hbm:s0], s1  }
0xa4: {  	s0 =	simm.s32 @!p0 $0x5  }
0xa5: {  	_ =	swait.ge @!p0 [sflag:s0], s1  }
0xa6: {  	s1 =	ssub.s32 @!p0 $0x0, s1;
	[sflag:s0] =	ssyncset.done @!p0 $0x0  }
0xa7: {  	[sflag:s0] =	ssyncadd.s32 @!p0 s1  }
0xa8: {  	[bflag:$0x3] =	sbarrier.arrive $0xFFFF  }
0xa9: {  	_ =	shalt  }

// kernel: kernel.20.cloned.1.call-start
scs
__scs_entry_jumppad:
0x0: {  	(pc) =	sbr.rel $0x88, $3  }
0x1: {  	(tag) =	ssettag $0x0;
	lr =	simm.s32 $0x1  }
0x2: {  	[smem:$0x3F99] =	sst lr;
	_ =	strace $0xD0000000  }
0x3: {  	_ = 	snop  }
0x4: {  	_ = 	snop  }
0x5: {  	_ = 	snop  }
0x6: {  	_ = 	snop  }
0x7: {  	_ = 	snop  }
__scs_overlays_trampoline_lowered:
0x8: {  	[smem:$0x3FA8] =	sst s0  }
0x9: {  	[smem:$0x3FA9] =	sst s1  }
0xa: {  	[smem:$0x3FAA] =	sst s2  }
0xb: {  	[smem:$0x3FAB] =	sst s3  }
0xc: {  	[smem:$0x3FAC] =	sst s4  }
0xd: {  	[smem:$0x3FAD] =	sst s5  }
0xe: {  	[smem:$0x3FAE] =	sst s6  }
0xf: {  	[smem:$0x3FAF] =	sst s7  }
0x10: {  	[smem:$0x3FB0] =	sst s8  }
0x11: {  	[smem:$0x3FB1] =	sst s9;
	s0 =	simm.s32 @!p0 $0x0  }
0x12: {  	s1 =	sld [smem:$0x3F97];
	s0 =	simm.s32 @p0 $0x1  }
0x13: {  	[smem:$0x3FB2] =	sst s0;
	s0 =	simm.s32 @!p1 $0x0  }
0x14: {  	s2 =	sld [smem:$0x3F96];
	s0 =	simm.s32 @p1 $0x1  }
0x15: {  	[smem:$0x3FB3] =	sst s0;
	s0 =	simm.s32 @!p2 $0x0  }
0x16: {  	s3 =	sld [smem:$0x3FDB];
	s0 =	simm.s32 @p2 $0x1  }
0x17: {  	s4 =	simm.s32 $0x1BF5;
	[smem:$0x3FB5] =	sst s0  }
0x18: {  	s0 =	sld [smem:$0x3F98];
	_ =	swait.ge [sflag:s4], $0x0  }
0x19: {  	s7 =	sld [smem:$0x3F99]  }
0x1a: {  	s8 =	sadd.s32 $0xFFFFE003, lr  }
0x1b: {  	s9 =	sadd.s32 $0xFFFFFEF7, lr;
	s5 =	simm.s32 $0xFFFFFFFF;
	p2 =	slt.u32 s8, $0xFFFFF086  }
0x1c: {  	p1 =	slt.u32 s9, $0xF7A;
	s5 =	simm.s32 @!p2 $0x0  }
0x1d: {  	s5 =	simm.s32 @p1 $0x1;
	p0 =	seq.s32 s7, s2  }
0x1e: {  	s7 =	smul.u32 @!p0 $0xF7A, s2;
	p2 =	seq.s32 @!p0 s5, $0x0  }
0x1f: {  	s9 =	smul.u32 $0xF7A, s1;
	s8 =	simm.s32 @!p0 $0x1BF5;
	p2 =	por !p2, p0  }
0x20: {  	[sflag:s8] =	ssyncset.s32 @!p0 $0xFFFFF086;
	s6 =	sadd.s32 @!p0 s3, s7;
	s7 =	simm.s32 @!p0 $0x108  }
0x21: {  	s3 =	sadd.s32 s3, s9;
	s6 =	sadd.s32 @!p0 $0x88, s6;
	s7 =	simm.s32 @p2 $0x1082  }
0x22: {  	[simem:s7], [sflag:s8] =	dma.local @!p0 [hbm:s6], $0xF7A  }
0x23: {  	s9 =	sor.u32 $0xD0000000, s2;
	s6 =	simm.s32 $0x108;
	_ =	swait.ge @!p0 [sflag:s8], $0x0  }
0x24: {  	s3 =	sadd.s32 $0x88, s3;
	s6 =	simm.s32 @!p1 $0x1082;
	[sflag:s4] =	ssyncset.s32 $0xFFFFF086  }
0x25: {  	[simem:s6], [sflag:s4] =	dma.local [hbm:s3], $0xF7A  }
0x26: {  	[smem:$0x3F99] =	sst s1;
	(tag) =	ssettag s2;
	_ =	strace s9  }
0x27: {  	s1 =	sld [smem:$0x3FA9]  }
0x28: {  	s2 =	sld [smem:$0x3FAA]  }
0x29: {  	s4 =	sld [smem:$0x3FAC]  }
0x2a: {  	p0 =	seq.s32 s5, $0x0;
	s5 =	sld [smem:$0x3FAD]  }
0x2b: {  	s6 =	sld [smem:$0x3FAE]  }
0x2c: {  	s7 =	sld [smem:$0x3FAF]  }
0x2d: {  	s3 =	simm.s32 $0x108;
	s8 =	sld [smem:$0x3FB0]  }
0x2e: {  	s3 =	simm.s32 @!p0 $0x1082;
	s9 =	sld [smem:$0x3FB1]  }
0x2f: {  	lr =	sadd.s32 s0, s3;
	s0 =	sld [smem:$0x3FA8]  }
0x30: {  	s3 =	sld [smem:$0x3FAB]  }
0x31: {  	[smem:$0x3FB4] =	sst s10  }
0x32: {  	s10 =	sld [smem:$0x3FB2];
	_ =	sdelay $0x3  }
0x33: {  	p0 =	seq.s32 s10, $0x1;
	s10 =	sld [smem:$0x3FB4];
	_ =	sdelay $0x3  }
0x34: {  	[smem:$0x3FB4] =	sst s10  }
0x35: {  	s10 =	sld [smem:$0x3FB3];
	_ =	sdelay $0x3  }
0x36: {  	p1 =	seq.s32 s10, $0x1;
	s10 =	sld [smem:$0x3FB4];
	_ =	sdelay $0x3  }
0x37: {  	[smem:$0x3FB4] =	sst s10  }
0x38: {  	s10 =	sld [smem:$0x3FB5]  }
0x39: {  	_ = 	snop;
	(pc) =	sbr.ind lr, $3  }
0x3a: {  	_ = 	snop  }
0x3b: {  	_ = 	snop  }
0x3c: {  	p2 =	seq.s32 s10, $0x1;
	s10 =	sld [smem:$0x3FB4]  }
0x3d: {  	_ =	shalt  }
0x3e: {  	_ =	shalt  }
0x3f: {  	_ =	shalt  }
0x40: {  	_ =	shalt  }
0x41: {  	_ =	shalt  }
0x42: {  	_ =	shalt  }
0x43: {  	_ =	shalt  }
0x44: {  	_ =	shalt  }
0x45: {  	_ =	shalt  }
0x46: {  	_ =	shalt  }
0x47: {  	_ =	shalt  }
0x48: {  	_ =	shalt  }
0x49: {  	_ =	shalt  }
0x4a: {  	_ =	shalt  }
0x4b: {  	_ =	shalt  }
0x4c: {  	_ =	shalt  }
0x4d: {  	_ =	shalt  }
0x4e: {  	_ =	shalt  }
0x4f: {  	_ =	shalt  }
0x50: {  	_ =	shalt  }
0x51: {  	_ =	shalt  }
0x52: {  	_ =	shalt  }
0x53: {  	_ =	shalt  }
0x54: {  	_ =	shalt  }
0x55: {  	_ =	shalt  }
0x56: {  	_ =	shalt  }
0x57: {  	_ =	shalt  }
0x58: {  	_ =	shalt  }
0x59: {  	_ =	shalt  }
0x5a: {  	_ =	shalt  }
0x5b: {  	_ =	shalt  }
0x5c: {  	_ =	shalt  }
0x5d: {  	_ =	shalt  }
0x5e: {  	_ =	shalt  }
0x5f: {  	_ =	shalt  }
0x60: {  	_ =	shalt  }
0x61: {  	_ =	shalt  }
0x62: {  	_ =	shalt  }
0x63: {  	_ =	shalt  }
0x64: {  	_ =	shalt  }
0x65: {  	_ =	shalt  }
0x66: {  	_ =	shalt  }
0x67: {  	_ =	shalt  }
0x68: {  	_ =	shalt  }
0x69: {  	_ =	shalt  }
0x6a: {  	_ =	shalt  }
0x6b: {  	_ =	shalt  }
0x6c: {  	_ =	shalt  }
0x6d: {  	_ =	shalt  }
0x6e: {  	_ =	shalt  }
0x6f: {  	_ =	shalt  }
0x70: {  	_ =	shalt  }
0x71: {  	_ =	shalt  }
0x72: {  	_ =	shalt  }
0x73: {  	_ =	shalt  }
0x74: {  	_ =	shalt  }
0x75: {  	_ =	shalt  }
0x76: {  	_ =	shalt  }
0x77: {  	_ =	shalt  }
0x78: {  	_ =	shalt  }
0x79: {  	_ =	shalt  }
0x7a: {  	_ =	shalt  }
0x7b: {  	_ =	shalt  }
0x7c: {  	_ =	shalt  }
0x7d: {  	_ =	shalt  }
0x7e: {  	_ =	shalt  }
0x7f: {  	_ =	shalt  }
0x80: {  	_ =	shalt  }
0x81: {  	_ =	shalt  }
0x82: {  	_ =	shalt  }
0x83: {  	_ =	shalt  }
0x84: {  	_ =	shalt  }
0x85: {  	_ =	shalt  }
0x86: {  	_ =	shalt  }
0x87: {  	_ =	shalt  }
.Lfunc_end0:
.L_simem_size_0:
called_computation.3_lowered:
.L_overlay_start_0:
0x88: {  	s2 =	sld [smem:$0x3FD9]  }
0x89: {  	s3 =	sld [smem:$0x3FFE];
	_ =	sdelay $0x1  }
0x8a: {  	s1 =	srdreg.scid  }
0x8b: {  	s0 =	sand.u32 $0x1, s1  }
0x8c: {  	s16 =	sshll.u32 s0, $0xA;
	s2 =	sadd.s32 s3, s2  }
0x8d: {  	s2 =	sadd.s32 s2, s16  }
0x8e: {  	[smem:$0x3FC0] =	sst s2  }
0x8f: {  	_ = 	snop  }
0x90: {  	(tm) =	ssettm $0x1  }
0x91: {  	s17 =	sld [smem:$0x3FFB];
	_ =	sdelay $0x3  }
0x92: {  	_ =	strace s17  }
0x93: {  	s2 =	sld [smem:$0x3FFC];
	_ =	sdelay $0x3  }
0x94: {  	_ =	strace s2  }
0x95: {  	s2 =	sld [smem:$0x3FFD];
	_ =	sdelay $0x3  }
0x96: {  	_ =	strace s2  }
0x97: {  	_ =	strace $0x8FFFFFFF  }
0x98: {  	s18 =	sld [smem:$0x3FDB];
	_ =	sdelay $0x1  }
0x99: {  	s19 =	simm.s32 $_scs_section_size  }
0x9a: {  	s4 =	simm.s32 $_size__tile_overlayer_lowered;
	s5 =	simm.s32 $_tile_overlayer_lowered  }
0x9b: {  	s22 =	simm.s32 $0x1BFF;
	s21 =	sshll.u32 s5, $0x1;
	s2 =	sadd.s32 s19, s18  }
0x9c: {  	s6 =	simm.s32 $0x0;
	s20 =	sshll.u32 s4, $0x1;
	s4 =	sadd.s32 s21, s2  }
0x9d: {  	[timem:s6], [sflag:s22] =	dma.local [hbm:s4], s20  }
0x9e: {  	_ =	swait.ge [sflag:s22], s20  }
0x9f: {  	s3 =	ssub.s32 $0x0, s20;
	[sflag:s22] =	ssyncset.done $0x0  }
0xa0: {  	[sflag:s22] =	ssyncadd.s32 s3;
	_ =	sdelay $0x1  }
0xa1: {  	s23 =	simm.s32 $0x1B8B  }
0xa2: {  	_ =	swait.ge [sflag:s23], $0x1  }
0xa3: {  	[sflag:s23] =	ssyncset.done $0x0  }
0xa4: {  	s25 =	simm.s32 $0x1B8E;
	s24 =	sld [smem:$0x3FFE];
	[sflag:s23] =	ssyncadd.s32 $0xFFFFFFFF  }
0xa5: {  	s26 =	simm.s32 $execute0_lowered;
	[smem:$0x3FD2] =	sst s25  }
0xa6: {  	s4 =	sshll.u32 s26, $0x1;
	_ =	strace $0x8000004C;
	[dreg:$0x1] =	wrdreg $0xFFFFFFFF  }
0xa7: {  	s28 =	simm.s32 $_size_execute0_lowered;
	s2 =	sadd.s32 s2, s4;
	[dreg:$0x0] =	wrdreg $0x0  }
0xa8: {  	s4 =	sshll.u32 s28, $0x1;
	[dreg:$0x2] =	wrdreg s2  }
0xa9: {  	[dreg:$0x3] =	wrdreg s4  }
0xaa: {  	[dreg:$0x4] =	wrdreg $0xC0  }
0xab: {  	_ =	task [dreg:s6], $0x5FFFF  }
0xac: {  	[dreg:$0x1] =	wrdreg $0xFFFFFFFF  }
0xad: {  	[dreg:$0x0] =	wrdreg $0x60  }
0xae: {  	[dreg:$0x2] =	wrdreg s24  }
0xaf: {  	[dreg:$0x3] =	wrdreg $0xB9400  }
0xb0: {  	[dreg:$0x4] =	wrdreg $0xA  }
0xb1: {  	_ =	task.clear_ibuf [dreg:s6], $0x5FFFF;
	_ =	strace $0x9000004C  }
0xb2: {  	s29 =	simm.s32 $0xA;
	_ =	strace $0x8000004E  }
0xb3: {  	_ =	swait.ge [sflag:s29], $0x1  }
0xb4: {  	[sflag:s29] =	ssyncadd.s32 $0xFFFFFFFF  }
0xb5: {  	_ =	strace $0x9000004E  }
0xb6: {  	_ =	sfence  }
0xb7: {  	s30 =	sld [smem:$0x0];
	_ =	sdelay $0x2  }
0xb8: {  	s31 =	sshll.u32 s1, $0xD;
	s1 =	sshrl.u32 s1, $0x2  }
0xb9: {  	s3 =	sand.u32 $0x4000, s31;
	s1 =	sadd.s32 s1, s30  }
0xba: {  	s0 =	sor.u32 s3, s0;
	s1 =	sshll.u32 s1, $0x11  }
0xbb: {  	s0 =	sor.u32 s1, s0  }
0xbc: {  	s0 =	sadd.s32 $0x8F2B, s0  }
0xbd: {  	[sflag:s0] =	ssyncadd.remote.s32 $0x1  }
0xbe: {  	_ =	sfence.sel $0xFFFF  }
0xbf: {  	[dreg:$0x0] =	wrdreg $0xFFFFFFFF;
	(pc) =	sbr.abs _section_cstart, $3  }
0xc0: {  	[dreg:$0x1] =	wrdreg $0xFFFFFFFF  }
0xc1: {  	_ =	task.clear_ibuf [dreg:s6], $0x2FFFF;
	_ =	strace $0x9FFFFFFF  }
0xc2: {  	(tm) =	ssettm $0x7FFFFFFF  }
0xc3: {  	_ =	shalt  }
tec
execute0_lowered:
.L_overlay_start_1:
0x0: {  	(tag) =	ssettag $0x1  }
0x1: {  	s1 =	srdreg.scid  }
0x2: {  	s0 =	stileid.u32;
	s5 =	rddreg [dreg:$0x0]  }
0x3: {  	s2 =	rddreg [dreg:$0x1];
	s3 =	simm.s32 $0x0;
	s12 =	simm.s32 $0x64  }
0x4: {  	s13 =	simm.s32 $0x5140;
	s14 =	simm.s32 $0x68;
	s15 =	simm.s32 $0x8340  }
0x5: {  	s16 =	simm.s32 $0x1;
	s17 =	simm.s32 $0x2;
	s18 =	simm.s32 $0x3  }
0x6: {  	s19 =	simm.s32 $0x4;
	s20 =	simm.s32 $0x5070;
	s21 =	simm.s32 $0x50D8  }
0x7: {  	s6 =	sand.u32 $0x1, s1;
	s1 =	rddreg [dreg:$0x2];
	s9 =	smul.u32 $0x4F000, s0  }
0x8: {  	s28 =	sshll.u32 s0, $0x1;
	[smem:$0x7FF] =	sst s3;
	s11 =	smul.u32 $0x13C00, s0  }
0x9: {  	s4 =	sor.u32 s6, s28;
	s7 =	smul.u32 $0x27800, s6;
	s6 =	ssub.s32 $0x2, s6  }
0xa: {  	_ =	strace $0x8000004D;
	s4 =	smul.u32 $0x28A0, s4;
	s29 =	sshrl.u32 s6, $0x1  }
0xb: {  	s30 =	sshrl.u32 s9, $0x2;
	s23 =	sshrl.u32 s11, $0x3;
	s24 =	sadd.s32 s11, s2  }
0xc: {  	s9 =	simm.s32 $0xB540;
	s11 =	simm.s32 $0x28A0;
	s10 =	sadd.s32 s7, s5  }
0xd: {  	s31 =	ssub.s32 s6, s29;
	s8 =	sshrl.u32 s4, $0x3;
	s4 =	sadd.s32 $0x18200, s5  }
0xe: {  	s22 =	sadd.s32 $0x66600, s10;
	s10 =	simm.s32 $0x5;
	s8 =	sadd.s32 s8, s5  }
0xf: {  	s5 =	sadd.s32 s30, s2;
	s22 =	sadd.s32 s23, s22;
	s23 =	sshrl.u32 s24, $0x3  }
0x10: {  	v0 =	vimm.f32 $0.0e+00;
	s6 =	sadd.s32 $0x3C00, s8;
	s7 =	sadd.s32 $0xDE80, s8;
	s8 =	smax.u32 s31, $0x1  }
.LBB2_1:
0x11: {  	[tilespmem:$0xB540] =	vst v0  }
0x12: {  	[tilespmem:$0xB550] =	vst v0  }
0x13: {  	[tilespmem:$0xB560] =	vst v0  }
0x14: {  	[tilespmem:$0xB570] =	vst v0  }
0x15: {  	[tilespmem:$0xB580] =	vst v0  }
0x16: {  	[tilespmem:$0xB590] =	vst v0  }
0x17: {  	[tilespmem:$0xB5A0] =	vst v0  }
0x18: {  	[tilespmem:$0xB5B0] =	vst v0  }
0x19: {  	[tilespmem:$0xB5C0] =	vst v0  }
0x1a: {  	[tilespmem:$0xB5D0] =	vst v0  }
0x1b: {  	[tilespmem:$0xB5E0] =	vst v0  }
0x1c: {  	[tilespmem:$0xB5F0] =	vst v0  }
0x1d: {  	[tilespmem:$0xB600] =	vst v0  }
0x1e: {  	[tilespmem:$0xB610] =	vst v0  }
0x1f: {  	[tilespmem:$0xB620] =	vst v0  }
0x20: {  	[tilespmem:$0xB630] =	vst v0  }
0x21: {  	[tilespmem:$0xB640] =	vst v0  }
0x22: {  	[tilespmem:$0xB650] =	vst v0  }
0x23: {  	[tilespmem:$0xB660] =	vst v0  }
0x24: {  	[tilespmem:$0xB670] =	vst v0  }
0x25: {  	[tilespmem:$0xB680] =	vst v0  }
0x26: {  	[tilespmem:$0xB690] =	vst v0  }
0x27: {  	[tilespmem:$0xB6A0] =	vst v0  }
0x28: {  	[tilespmem:$0xB6B0] =	vst v0  }
0x29: {  	[tilespmem:$0xB6C0] =	vst v0  }
0x2a: {  	[tilespmem:$0xB6D0] =	vst v0  }
0x2b: {  	[tilespmem:$0xB6E0] =	vst v0  }
0x2c: {  	[tilespmem:$0xB6F0] =	vst v0  }
0x2d: {  	[tilespmem:$0xB700] =	vst v0  }
0x2e: {  	[tilespmem:$0xB710] =	vst v0  }
0x2f: {  	[tilespmem:$0xB720] =	vst v0  }
0x30: {  	[tilespmem:$0xB730] =	vst v0  }
0x31: {  	[tilespmem:$0xB740] =	vst v0  }
0x32: {  	[tilespmem:$0xB750] =	vst v0  }
0x33: {  	[tilespmem:$0xB760] =	vst v0  }
0x34: {  	[tilespmem:$0xB770] =	vst v0  }
0x35: {  	[tilespmem:$0xB780] =	vst v0  }
0x36: {  	[tilespmem:$0xB790] =	vst v0  }
0x37: {  	[tilespmem:$0xB7A0] =	vst v0  }
0x38: {  	[tilespmem:$0xB7B0] =	vst v0  }
0x39: {  	[tilespmem:$0xB7C0] =	vst v0  }
0x3a: {  	[tilespmem:$0xB7D0] =	vst v0  }
0x3b: {  	[tilespmem:$0xB7E0] =	vst v0  }
0x3c: {  	[tilespmem:$0xB7F0] =	vst v0  }
0x3d: {  	[tilespmem:$0xB800] =	vst v0  }
0x3e: {  	[tilespmem:$0xB810] =	vst v0  }
0x3f: {  	[tilespmem:$0xB820] =	vst v0  }
0x40: {  	[tilespmem:$0xB830] =	vst v0  }
0x41: {  	[tilespmem:$0xB840] =	vst v0  }
0x42: {  	[tilespmem:$0xB850] =	vst v0  }
0x43: {  	[tilespmem:$0xB860] =	vst v0  }
0x44: {  	[tilespmem:$0xB870] =	vst v0  }
0x45: {  	[tilespmem:$0xB880] =	vst v0  }
0x46: {  	[tilespmem:$0xB890] =	vst v0  }
0x47: {  	[tilespmem:$0xB8A0] =	vst v0  }
0x48: {  	[tilespmem:$0xB8B0] =	vst v0  }
0x49: {  	[tilespmem:$0xB8C0] =	vst v0  }
0x4a: {  	[tilespmem:$0xB8D0] =	vst v0  }
0x4b: {  	[tilespmem:$0xB8E0] =	vst v0  }
0x4c: {  	[tilespmem:$0xB8F0] =	vst v0  }
0x4d: {  	[tilespmem:$0xB900] =	vst v0  }
0x4e: {  	[tilespmem:$0xB910] =	vst v0  }
0x4f: {  	[tilespmem:$0xB920] =	vst v0  }
0x50: {  	[tilespmem:$0xB930] =	vst v0;
	s24 =	sadd.s32 $0x0, s5  }
0x51: {  	[spmem:s24] =	stream.linear.scatter [tilespmem:s9], [sflag:$0x5], $0x400, $0x38;
	[tilespmem:$0x1F540] =	vst v63  }
0x52: {  	s24 =	simm.s32 $0x1000;
	_ =	swait.ge [sflag:s10], $0x400  }
.LBB2_2:
0x53: {  	s25 =	sshra.s32 s24, $0x2;
	[sflag:s10] =	ssyncset.done $0x0;
	p0 =	sne.s32 s24, $0x4E000  }
.Ltmp0:
0x54: {  	s25 =	sadd.s32 s25, s5;
	[sflag:s10] =	ssyncadd.s32 $0xFFFFFC00;
	(pc) =	sbr.rel @p0 .LBB2_2-.Ltmp0, $3  }
0x55: {  	[spmem:s25] =	stream.linear.scatter [tilespmem:s9], [sflag:$0x5], $0x400, $0x38;
	[tilespmem:$0x1F540] =	vst v63  }
0x56: {  	s24 =	sadd.s32 $0x1000, s24;
	_ =	sdelay $0x1  }
0x57: {  	_ =	swait.ge [sflag:s10], $0x400  }
0x58: {  	[sflag:s10] =	ssyncset.done $0x0  }
0x59: {  	s24 =	simm.s32 $0x0;
	[sflag:s10] =	ssyncadd.s32 $0xFFFFFC00  }
0x5a: {  	[tilespmem:s24], [sflag:$0x5] =	stream.linear.gather [hbm4b:s6+s24], $0x28A0, $0x38;
	[tilespmem:$0x1F540] =	vst v63  }
0x5b: {  	_ =	swait.ge [sflag:s10], $0x28A0  }
0x5c: {  	[sflag:s10] =	ssyncset.done $0x0  }
0x5d: {  	[sflag:s10] =	ssyncadd.s32 $0xFFFFD760  }
0x5e: {  	[tilespmem:s11], [sflag:$0x5] =	stream.linear.gather [hbm4b:s7+s24], $0x28A0, $0x38;
	[tilespmem:$0x1F540] =	vst v63  }
0x5f: {  	_ =	swait.ge [sflag:s10], $0x28A0  }
0x60: {  	[sflag:s10] =	ssyncset.done $0x0  }
0x61: {  	[sflag:s10] =	ssyncadd.s32 $0xFFFFD760  }
0x62: {  	[bflag:$0x0] =	sbarrier.arrive $0xFFFF  }
0x63: {  	[tilespmem:s13], [sflag:$0x1] =	stream.indirect.gather [hbm4b:s4+s12], $0x80, s24, s12, $0xb8;
	[tilespmem:$0x1F540] =	vst v63  }
0x64: {  	_ = 	snop  }
0x65: {  	[tilespmem:s15], [sflag:$0x2] =	stream.indirect.gather [hbm4b:s4+s12], $0x80, s14, s12, $0xb8;
	[tilespmem:$0x1F540] =	vst v63  }
0x66: {  	_ =	swait.ge [sflag:s16], $0x3200  }
0x67: {  	[sflag:s16] =	ssyncset.done $0x0  }
0x68: {  	s29 =	simm.s32 $0x28A0;
	[sflag:s16] =	ssyncadd.s32 $0xFFFFCE00  }
0x69: {  	[spmem:s2] =	stream.indirect.scatter.add.f32 [tilespmem:s13], [sflag:$0x3], $0x80, s29, s12, $0xb8;
	[tilespmem:$0x1F540] =	vst v63  }
0x6a: {  	_ =	swait.ge [sflag:s17], $0x3200  }
0x6b: {  	[sflag:s17] =	ssyncset.done $0x0  }
0x6c: {  	s30 =	simm.s32 $0x2908;
	[sflag:s17] =	ssyncadd.s32 $0xFFFFCE00  }
0x6d: {  	[spmem:s2] =	stream.indirect.scatter.add.f32 [tilespmem:s15], [sflag:$0x4], $0x80, s30, s12, $0xb8;
	[tilespmem:$0x1F540] =	vst v63  }
0x6e: {  	_ =	swait.ge [sflag:s18], $0x3200  }
0x6f: {  	[sflag:s18] =	ssyncset.done $0x0  }
0x70: {  	s31 =	simm.s32 $0xD0;
	[sflag:s18] =	ssyncadd.s32 $0xFFFFCE00  }
0x71: {  	[tilespmem:s13], [sflag:$0x1] =	stream.indirect.gather [hbm4b:s4+s12], $0x80, s31, s12, $0xb8;
	[tilespmem:$0x1F540] =	vst v63  }
0x72: {  	_ =	swait.ge [sflag:s19], $0x3200  }
0x73: {  	[sflag:s19] =	ssyncset.done $0x0  }
0x74: {  	s25 =	simm.s32 $0x138;
	s24 =	simm.s32 $0x340;
	[sflag:s19] =	ssyncadd.s32 $0xFFFFCE00  }
.LBB2_4:
0x75: {  	[tilespmem:s15], [sflag:$0x2] =	stream.indirect.gather [hbm4b:s4+s12], $0x80, s25, s12, $0xb8;
	[tilespmem:$0x1F540] =	vst v63  }
0x76: {  	s25 =	smov.u32 s24  }
0x77: {  	p0 =	sne.s32 s24, $0x9C00;
	s24 =	sadd.s32 $0x340, s24;
	_ =	swait.ge [sflag:s16], $0x3200  }
0x78: {  	s25 =	sshra.s32 s25, $0x2;
	[sflag:s16] =	ssyncset.done $0x0  }
0x79: {  	s26 =	sadd.s32 $0x28A0, s25;
	[sflag:s16] =	ssyncadd.s32 $0xFFFFCE00  }
0x7a: {  	[spmem:s2] =	stream.indirect.scatter.add.f32 [tilespmem:s13], [sflag:$0x3], $0x80, s26, s12, $0xb8;
	[tilespmem:$0x1F540] =	vst v63  }
0x7b: {  	_ =	swait.ge [sflag:s17], $0x3200  }
0x7c: {  	[sflag:s17] =	ssyncset.done $0x0  }
0x7d: {  	s26 =	sadd.s32 $0x2908, s25;
	[sflag:s17] =	ssyncadd.s32 $0xFFFFCE00  }
0x7e: {  	[spmem:s2] =	stream.indirect.scatter.add.f32 [tilespmem:s15], [sflag:$0x4], $0x80, s26, s12, $0xb8;
	[tilespmem:$0x1F540] =	vst v63  }
0x7f: {  	_ =	swait.ge [sflag:s18], $0x3200  }
0x80: {  	[sflag:s18] =	ssyncset.done $0x0  }
.Ltmp1:
0x81: {  	s26 =	sadd.s32 $0xD0, s25;
	[sflag:s18] =	ssyncadd.s32 $0xFFFFCE00;
	(pc) =	sbr.rel @p0 .LBB2_4-.Ltmp1, $4  }
0x82: {  	[tilespmem:s13], [sflag:$0x1] =	stream.indirect.gather [hbm4b:s4+s12], $0x80, s26, s12, $0xb8;
	[tilespmem:$0x1F540] =	vst v63  }
0x83: {  	_ =	swait.ge [sflag:s19], $0x3200  }
0x84: {  	[sflag:s19] =	ssyncset.done $0x0  }
0x85: {  	s25 =	sadd.s32 $0x138, s25;
	[sflag:s19] =	ssyncadd.s32 $0xFFFFCE00  }
0x86: {  	[tilespmem:s15], [sflag:$0x2] =	stream.indirect.gather [hbm4b:s4+s12], $0x80, s25, s12, $0xb8;
	[tilespmem:$0x1F540] =	vst v63  }
0x87: {  	_ =	swait.ge [sflag:s16], $0x3200  }
0x88: {  	[sflag:s16] =	ssyncset.done $0x0  }
0x89: {  	[sflag:s16] =	ssyncadd.s32 $0xFFFFCE00  }
0x8a: {  	[spmem:s2] =	stream.indirect.scatter.add.f32 [tilespmem:s13], [sflag:$0x3], $0x80, s20, s12, $0xb8;
	[tilespmem:$0x1F540] =	vst v63  }
0x8b: {  	_ =	swait.ge [sflag:s17], $0x3200  }
0x8c: {  	[sflag:s17] =	ssyncset.done $0x0  }
0x8d: {  	[sflag:s17] =	ssyncadd.s32 $0xFFFFCE00  }
0x8e: {  	[spmem:s2] =	stream.indirect.scatter.add.f32 [tilespmem:s15], [sflag:$0x4], $0x80, s21, s12, $0xb8;
	[tilespmem:$0x1F540] =	vst v63  }
0x8f: {  	_ =	swait.ge [sflag:s18], $0x3200  }
0x90: {  	[sflag:s18] =	ssyncset.done $0x0  }
0x91: {  	[sflag:s18] =	ssyncadd.s32 $0xFFFFCE00  }
0x92: {  	_ =	swait.ge [sflag:s19], $0x3200  }
0x93: {  	s3 =	sadd.s32 $0x1, s3;
	[sflag:s19] =	ssyncset.done $0x0  }
0x94: {  	s24 =	sshll.u32 s0, $0x6;
	p0 =	sne.s32 s3, s8;
	[sflag:s19] =	ssyncadd.s32 $0xFFFFCE00  }
.Ltmp2:
0x95: {  	s24 =	sor.u32 $0x1C05, s24;
	[bflag:$0x0] =	sbarrier.arrive $0xFFFF;
	(pc) =	sbr.rel @p0 .LBB2_1-.Ltmp2, $4  }
0x96: {  	[hbm:s22], [sflag:s24] =	dma.local [spmem:s23], $0x2780  }
0x97: {  	_ =	swait.ge [sflag:s10], $0x2780  }
0x98: {  	[sflag:s10] =	ssyncset.done $0x0  }
0x99: {  	[sflag:s10] =	ssyncadd.s32 $0xFFFFD880  }
0x9a: {  	_ =	sfence.sel $0x180000  }
0x9b: {  	[bflag:$0x0] =	sbarrier.arrive $0xFFFF  }
0x9c: {  	p0 =	sne.s32 s0, $0x0;
	_ =	strace $0x9000004D  }
0x9d: {  	s0 =	sadd.s32 @!p0 $0x100000, s1;
	[bflag:$0x2] =	sbarrier.arrive $0xFFFF  }
0x9e: {  	[sflag:s0] =	ssyncadd.tile.s32 @!p0 $0x1;
	_ =	shalt  }
.Lfunc_end2:
_tile_overlayer_lowered:
.L_overlay_start_2:
0x9f: {  	(tag) =	ssettag $0x2  }
0xa0: {  	s0 =	rddreg [dreg:$0x0];
	s2 =	stileid.u32  }
0xa1: {  	s1 =	rddreg [dreg:$0x1];
	p0 =	sne.s32 s2, $0x0  }
0xa2: {  	s3 =	rddreg [dreg:$0x2];
	[bflag:$0x3] =	sbarrier.arrive $0xFFFF;
	s2 =	simm.s32 @!p0 $0x1C05  }
0xa3: {  	[timem:s3], [sflag:s2] =	dma.local @!p0 [hbm:s0], s1  }
0xa4: {  	s0 =	simm.s32 @!p0 $0x5  }
0xa5: {  	_ =	swait.ge @!p0 [sflag:s0], s1  }
0xa6: {  	s1 =	ssub.s32 @!p0 $0x0, s1;
	[sflag:s0] =	ssyncset.done @!p0 $0x0  }
0xa7: {  	[sflag:s0] =	ssyncadd.s32 @!p0 s1  }
0xa8: {  	[bflag:$0x3] =	sbarrier.arrive $0xFFFF  }
0xa9: {  	_ =	shalt  }

// kernel: kernel.23.cloned.1.call-start
scs
__scs_entry_jumppad:
0x0: {  	(pc) =	sbr.rel $0x88, $3  }
0x1: {  	(tag) =	ssettag $0x0;
	lr =	simm.s32 $0x1  }
0x2: {  	[smem:$0x3F99] =	sst lr;
	_ =	strace $0xD0000000  }
0x3: {  	_ = 	snop  }
0x4: {  	_ = 	snop  }
0x5: {  	_ = 	snop  }
0x6: {  	_ = 	snop  }
0x7: {  	_ = 	snop  }
__scs_overlays_trampoline_lowered:
0x8: {  	[smem:$0x3FA8] =	sst s0  }
0x9: {  	[smem:$0x3FA9] =	sst s1  }
0xa: {  	[smem:$0x3FAA] =	sst s2  }
0xb: {  	[smem:$0x3FAB] =	sst s3  }
0xc: {  	[smem:$0x3FAC] =	sst s4  }
0xd: {  	[smem:$0x3FAD] =	sst s5  }
0xe: {  	[smem:$0x3FAE] =	sst s6  }
0xf: {  	[smem:$0x3FAF] =	sst s7  }
0x10: {  	[smem:$0x3FB0] =	sst s8  }
0x11: {  	[smem:$0x3FB1] =	sst s9;
	s0 =	simm.s32 @!p0 $0x0  }
0x12: {  	s1 =	sld [smem:$0x3F97];
	s0 =	simm.s32 @p0 $0x1  }
0x13: {  	[smem:$0x3FB2] =	sst s0;
	s0 =	simm.s32 @!p1 $0x0  }
0x14: {  	s2 =	sld [smem:$0x3F96];
	s0 =	simm.s32 @p1 $0x1  }
0x15: {  	[smem:$0x3FB3] =	sst s0;
	s0 =	simm.s32 @!p2 $0x0  }
0x16: {  	s3 =	sld [smem:$0x3FDB];
	s0 =	simm.s32 @p2 $0x1  }
0x17: {  	s4 =	simm.s32 $0x1BF5;
	[smem:$0x3FB5] =	sst s0  }
0x18: {  	s0 =	sld [smem:$0x3F98];
	_ =	swait.ge [sflag:s4], $0x0  }
0x19: {  	s7 =	sld [smem:$0x3F99]  }
0x1a: {  	s8 =	sadd.s32 $0xFFFFE003, lr  }
0x1b: {  	s9 =	sadd.s32 $0xFFFFFEF7, lr;
	s5 =	simm.s32 $0xFFFFFFFF;
	p2 =	slt.u32 s8, $0xFFFFF086  }
0x1c: {  	p1 =	slt.u32 s9, $0xF7A;
	s5 =	simm.s32 @!p2 $0x0  }
0x1d: {  	s5 =	simm.s32 @p1 $0x1;
	p0 =	seq.s32 s7, s2  }
0x1e: {  	s7 =	smul.u32 @!p0 $0xF7A, s2;
	p2 =	seq.s32 @!p0 s5, $0x0  }
0x1f: {  	s9 =	smul.u32 $0xF7A, s1;
	s8 =	simm.s32 @!p0 $0x1BF5;
	p2 =	por !p2, p0  }
0x20: {  	[sflag:s8] =	ssyncset.s32 @!p0 $0xFFFFF086;
	s6 =	sadd.s32 @!p0 s3, s7;
	s7 =	simm.s32 @!p0 $0x108  }
0x21: {  	s3 =	sadd.s32 s3, s9;
	s6 =	sadd.s32 @!p0 $0x88, s6;
	s7 =	simm.s32 @p2 $0x1082  }
0x22: {  	[simem:s7], [sflag:s8] =	dma.local @!p0 [hbm:s6], $0xF7A  }
0x23: {  	s9 =	sor.u32 $0xD0000000, s2;
	s6 =	simm.s32 $0x108;
	_ =	swait.ge @!p0 [sflag:s8], $0x0  }
0x24: {  	s3 =	sadd.s32 $0x88, s3;
	s6 =	simm.s32 @!p1 $0x1082;
	[sflag:s4] =	ssyncset.s32 $0xFFFFF086  }
0x25: {  	[simem:s6], [sflag:s4] =	dma.local [hbm:s3], $0xF7A  }
0x26: {  	[smem:$0x3F99] =	sst s1;
	(tag) =	ssettag s2;
	_ =	strace s9  }
0x27: {  	s1 =	sld [smem:$0x3FA9]  }
0x28: {  	s2 =	sld [smem:$0x3FAA]  }
0x29: {  	s4 =	sld [smem:$0x3FAC]  }
0x2a: {  	p0 =	seq.s32 s5, $0x0;
	s5 =	sld [smem:$0x3FAD]  }
0x2b: {  	s6 =	sld [smem:$0x3FAE]  }
0x2c: {  	s7 =	sld [smem:$0x3FAF]  }
0x2d: {  	s3 =	simm.s32 $0x108;
	s8 =	sld [smem:$0x3FB0]  }
0x2e: {  	s3 =	simm.s32 @!p0 $0x1082;
	s9 =	sld [smem:$0x3FB1]  }
0x2f: {  	lr =	sadd.s32 s0, s3;
	s0 =	sld [smem:$0x3FA8]  }
0x30: {  	s3 =	sld [smem:$0x3FAB]  }
0x31: {  	[smem:$0x3FB4] =	sst s10  }
0x32: {  	s10 =	sld [smem:$0x3FB2];
	_ =	sdelay $0x3  }
0x33: {  	p0 =	seq.s32 s10, $0x1;
	s10 =	sld [smem:$0x3FB4];
	_ =	sdelay $0x3  }
0x34: {  	[smem:$0x3FB4] =	sst s10  }
0x35: {  	s10 =	sld [smem:$0x3FB3];
	_ =	sdelay $0x3  }
0x36: {  	p1 =	seq.s32 s10, $0x1;
	s10 =	sld [smem:$0x3FB4];
	_ =	sdelay $0x3  }
0x37: {  	[smem:$0x3FB4] =	sst s10  }
0x38: {  	s10 =	sld [smem:$0x3FB5]  }
0x39: {  	_ = 	snop;
	(pc) =	sbr.ind lr, $3  }
0x3a: {  	_ = 	snop  }
0x3b: {  	_ = 	snop  }
0x3c: {  	p2 =	seq.s32 s10, $0x1;
	s10 =	sld [smem:$0x3FB4]  }
0x3d: {  	_ =	shalt  }
0x3e: {  	_ =	shalt  }
0x3f: {  	_ =	shalt  }
0x40: {  	_ =	shalt  }
0x41: {  	_ =	shalt  }
0x42: {  	_ =	shalt  }
0x43: {  	_ =	shalt  }
0x44: {  	_ =	shalt  }
0x45: {  	_ =	shalt  }
0x46: {  	_ =	shalt  }
0x47: {  	_ =	shalt  }
0x48: {  	_ =	shalt  }
0x49: {  	_ =	shalt  }
0x4a: {  	_ =	shalt  }
0x4b: {  	_ =	shalt  }
0x4c: {  	_ =	shalt  }
0x4d: {  	_ =	shalt  }
0x4e: {  	_ =	shalt  }
0x4f: {  	_ =	shalt  }
0x50: {  	_ =	shalt  }
0x51: {  	_ =	shalt  }
0x52: {  	_ =	shalt  }
0x53: {  	_ =	shalt  }
0x54: {  	_ =	shalt  }
0x55: {  	_ =	shalt  }
0x56: {  	_ =	shalt  }
0x57: {  	_ =	shalt  }
0x58: {  	_ =	shalt  }
0x59: {  	_ =	shalt  }
0x5a: {  	_ =	shalt  }
0x5b: {  	_ =	shalt  }
0x5c: {  	_ =	shalt  }
0x5d: {  	_ =	shalt  }
0x5e: {  	_ =	shalt  }
0x5f: {  	_ =	shalt  }
0x60: {  	_ =	shalt  }
0x61: {  	_ =	shalt  }
0x62: {  	_ =	shalt  }
0x63: {  	_ =	shalt  }
0x64: {  	_ =	shalt  }
0x65: {  	_ =	shalt  }
0x66: {  	_ =	shalt  }
0x67: {  	_ =	shalt  }
0x68: {  	_ =	shalt  }
0x69: {  	_ =	shalt  }
0x6a: {  	_ =	shalt  }
0x6b: {  	_ =	shalt  }
0x6c: {  	_ =	shalt  }
0x6d: {  	_ =	shalt  }
0x6e: {  	_ =	shalt  }
0x6f: {  	_ =	shalt  }
0x70: {  	_ =	shalt  }
0x71: {  	_ =	shalt  }
0x72: {  	_ =	shalt  }
0x73: {  	_ =	shalt  }
0x74: {  	_ =	shalt  }
0x75: {  	_ =	shalt  }
0x76: {  	_ =	shalt  }
0x77: {  	_ =	shalt  }
0x78: {  	_ =	shalt  }
0x79: {  	_ =	shalt  }
0x7a: {  	_ =	shalt  }
0x7b: {  	_ =	shalt  }
0x7c: {  	_ =	shalt  }
0x7d: {  	_ =	shalt  }
0x7e: {  	_ =	shalt  }
0x7f: {  	_ =	shalt  }
0x80: {  	_ =	shalt  }
0x81: {  	_ =	shalt  }
0x82: {  	_ =	shalt  }
0x83: {  	_ =	shalt  }
0x84: {  	_ =	shalt  }
0x85: {  	_ =	shalt  }
0x86: {  	_ =	shalt  }
0x87: {  	_ =	shalt  }
.Lfunc_end0:
.L_simem_size_0:
called_computation.4_lowered:
.L_overlay_start_0:
0x88: {  	s2 =	sld [smem:$0x3FD9]  }
0x89: {  	s3 =	sld [smem:$0x3FFE];
	_ =	sdelay $0x1  }
0x8a: {  	s1 =	srdreg.scid  }
0x8b: {  	s0 =	sand.u32 $0x1, s1  }
0x8c: {  	s16 =	sshll.u32 s0, $0xA;
	s2 =	sadd.s32 s3, s2  }
0x8d: {  	s2 =	sadd.s32 s2, s16  }
0x8e: {  	[smem:$0x3FC0] =	sst s2  }
0x8f: {  	_ = 	snop  }
0x90: {  	(tm) =	ssettm $0x1  }
0x91: {  	s17 =	sld [smem:$0x3FFB];
	_ =	sdelay $0x3  }
0x92: {  	_ =	strace s17  }
0x93: {  	s2 =	sld [smem:$0x3FFC];
	_ =	sdelay $0x3  }
0x94: {  	_ =	strace s2  }
0x95: {  	s2 =	sld [smem:$0x3FFD];
	_ =	sdelay $0x3  }
0x96: {  	_ =	strace s2  }
0x97: {  	_ =	strace $0x8FFFFFFF  }
0x98: {  	s18 =	sld [smem:$0x3FDB];
	_ =	sdelay $0x1  }
0x99: {  	s19 =	simm.s32 $_scs_section_size  }
0x9a: {  	s4 =	simm.s32 $_size__tile_overlayer_lowered;
	s5 =	simm.s32 $_tile_overlayer_lowered  }
0x9b: {  	s22 =	simm.s32 $0x1BFF;
	s21 =	sshll.u32 s5, $0x1;
	s2 =	sadd.s32 s19, s18  }
0x9c: {  	s6 =	simm.s32 $0x0;
	s20 =	sshll.u32 s4, $0x1;
	s4 =	sadd.s32 s21, s2  }
0x9d: {  	[timem:s6], [sflag:s22] =	dma.local [hbm:s4], s20  }
0x9e: {  	_ =	swait.ge [sflag:s22], s20  }
0x9f: {  	s3 =	ssub.s32 $0x0, s20;
	[sflag:s22] =	ssyncset.done $0x0  }
0xa0: {  	[sflag:s22] =	ssyncadd.s32 s3;
	_ =	sdelay $0x1  }
0xa1: {  	s23 =	simm.s32 $0x1B8B  }
0xa2: {  	_ =	swait.ge [sflag:s23], $0x1  }
0xa3: {  	[sflag:s23] =	ssyncset.done $0x0  }
0xa4: {  	s25 =	simm.s32 $0x1B8E;
	s24 =	sld [smem:$0x3FFE];
	[sflag:s23] =	ssyncadd.s32 $0xFFFFFFFF  }
0xa5: {  	s26 =	simm.s32 $execute0_lowered;
	[smem:$0x3FD2] =	sst s25  }
0xa6: {  	s4 =	sshll.u32 s26, $0x1;
	_ =	strace $0x80000052;
	[dreg:$0x1] =	wrdreg $0xFFFFFFFF  }
0xa7: {  	s28 =	simm.s32 $_size_execute0_lowered;
	s2 =	sadd.s32 s2, s4;
	[dreg:$0x0] =	wrdreg $0x0  }
0xa8: {  	s4 =	sshll.u32 s28, $0x1;
	[dreg:$0x2] =	wrdreg s2  }
0xa9: {  	[dreg:$0x3] =	wrdreg s4  }
0xaa: {  	[dreg:$0x4] =	wrdreg $0xC0  }
0xab: {  	_ =	task [dreg:s6], $0x5FFFF  }
0xac: {  	[dreg:$0x1] =	wrdreg $0xFFFFFFFF  }
0xad: {  	[dreg:$0x0] =	wrdreg $0x60  }
0xae: {  	[dreg:$0x2] =	wrdreg s24  }
0xaf: {  	[dreg:$0x3] =	wrdreg $0x78400  }
0xb0: {  	[dreg:$0x4] =	wrdreg $0x9  }
0xb1: {  	_ =	task.clear_ibuf [dreg:s6], $0x5FFFF;
	_ =	strace $0x90000052  }
0xb2: {  	s29 =	simm.s32 $0x9;
	_ =	strace $0x80000054  }
0xb3: {  	_ =	swait.ge [sflag:s29], $0x1  }
0xb4: {  	[sflag:s29] =	ssyncadd.s32 $0xFFFFFFFF  }
0xb5: {  	_ =	strace $0x90000054  }
0xb6: {  	_ =	sfence  }
0xb7: {  	s30 =	sld [smem:$0x0];
	_ =	sdelay $0x2  }
0xb8: {  	s31 =	sshll.u32 s1, $0xD;
	s1 =	sshrl.u32 s1, $0x2  }
0xb9: {  	s3 =	sand.u32 $0x4000, s31;
	s1 =	sadd.s32 s1, s30  }
0xba: {  	s0 =	sor.u32 s3, s0;
	s1 =	sshll.u32 s1, $0x11  }
0xbb: {  	s0 =	sor.u32 s1, s0  }
0xbc: {  	s0 =	sadd.s32 $0x8F2B, s0  }
0xbd: {  	[sflag:s0] =	ssyncadd.remote.s32 $0x1  }
0xbe: {  	_ =	sfence.sel $0xFFFF  }
0xbf: {  	[dreg:$0x0] =	wrdreg $0xFFFFFFFF;
	(pc) =	sbr.abs _section_cstart, $3  }
0xc0: {  	[dreg:$0x1] =	wrdreg $0xFFFFFFFF  }
0xc1: {  	_ =	task.clear_ibuf [dreg:s6], $0x2FFFF;
	_ =	strace $0x9FFFFFFF  }
0xc2: {  	(tm) =	ssettm $0x7FFFFFFF  }
0xc3: {  	_ =	shalt  }
tec
execute0_lowered:
.L_overlay_start_1:
0x0: {  	(tag) =	ssettag $0x1  }
0x1: {  	s5 =	rddreg [dreg:$0x0]  }
0x2: {  	s1 =	srdreg.scid;
	s0 =	stileid.u32  }
0x3: {  	s2 =	rddreg [dreg:$0x1];
	s3 =	simm.s32 $0x0;
	s12 =	simm.s32 $0x64  }
0x4: {  	s13 =	simm.s32 $0x5140;
	s14 =	simm.s32 $0x68;
	s15 =	simm.s32 $0x6400  }
0x5: {  	s16 =	simm.s32 $0x1;
	s17 =	simm.s32 $0x2;
	s18 =	simm.s32 $0x3  }
0x6: {  	s19 =	simm.s32 $0x4;
	s20 =	simm.s32 $0x5070;
	s21 =	simm.s32 $0x50D8  }
0x7: {  	s6 =	sand.u32 $0x1, s1;
	s1 =	rddreg [dreg:$0x2];
	s9 =	smul.u32 $0x7680, s0  }
0x8: {  	s4 =	sshll.u32 s0, $0x1;
	[smem:$0x7FF] =	sst s3;
	s10 =	smul.u32 $0x1DA00, s0  }
0x9: {  	s4 =	sor.u32 s6, s4;
	_ =	strace $0x80000053;
	s8 =	smul.u32 $0xED00, s6  }
0xa: {  	s6 =	ssub.s32 $0x2, s6;
	s7 =	smul.u32 $0x28A0, s4;
	s4 =	sadd.s32 $0x18200, s5  }
0xb: {  	s30 =	sshrl.u32 s6, $0x1;
	s23 =	sshrl.u32 s9, $0x3;
	s31 =	sshrl.u32 s10, $0x2  }
0xc: {  	s24 =	sadd.s32 s9, s2;
	s9 =	simm.s32 $0x76C0;
	s10 =	simm.s32 $0x5  }
0xd: {  	s8 =	sadd.s32 s8, s5;
	s11 =	ssub.s32 s6, s30;
	s7 =	sshrl.u32 s7, $0x3  }
0xe: {  	s22 =	sadd.s32 $0x26E00, s8;
	s8 =	sadd.s32 s31, s2;
	s7 =	sadd.s32 s7, s5  }
0xf: {  	s22 =	sadd.s32 s23, s22;
	s23 =	sshrl.u32 s24, $0x3;
	s5 =	sadd.s32 $0x3C00, s7  }
0x10: {  	v0 =	vimm.f32 $0.0e+00;
	s6 =	sadd.s32 $0xDE80, s7;
	s7 =	smax.u32 s11, $0x1;
	s11 =	simm.s32 $0x28A0  }
.LBB2_1:
0x11: {  	[tilespmem:$0x76C0] =	vst v0  }
0x12: {  	[tilespmem:$0x76D0] =	vst v0  }
0x13: {  	[tilespmem:$0x76E0] =	vst v0  }
0x14: {  	[tilespmem:$0x76F0] =	vst v0  }
0x15: {  	[tilespmem:$0x7700] =	vst v0  }
0x16: {  	[tilespmem:$0x7710] =	vst v0  }
0x17: {  	[tilespmem:$0x7720] =	vst v0  }
0x18: {  	[tilespmem:$0x7730] =	vst v0  }
0x19: {  	[tilespmem:$0x7740] =	vst v0  }
0x1a: {  	[tilespmem:$0x7750] =	vst v0  }
0x1b: {  	[tilespmem:$0x7760] =	vst v0  }
0x1c: {  	[tilespmem:$0x7770] =	vst v0  }
0x1d: {  	[tilespmem:$0x7780] =	vst v0  }
0x1e: {  	[tilespmem:$0x7790] =	vst v0  }
0x1f: {  	[tilespmem:$0x77A0] =	vst v0  }
0x20: {  	[tilespmem:$0x77B0] =	vst v0  }
0x21: {  	[tilespmem:$0x77C0] =	vst v0  }
0x22: {  	[tilespmem:$0x77D0] =	vst v0  }
0x23: {  	[tilespmem:$0x77E0] =	vst v0  }
0x24: {  	[tilespmem:$0x77F0] =	vst v0  }
0x25: {  	[tilespmem:$0x7800] =	vst v0  }
0x26: {  	[tilespmem:$0x7810] =	vst v0  }
0x27: {  	[tilespmem:$0x7820] =	vst v0  }
0x28: {  	[tilespmem:$0x7830] =	vst v0;
	s24 =	sadd.s32 $0x0, s8  }
0x29: {  	[spmem:s24] =	stream.linear.scatter [tilespmem:s9], [sflag:$0x5], $0x180, $0x38;
	[tilespmem:$0xEEC0] =	vst v63  }
0x2a: {  	s24 =	simm.s32 $0x600;
	_ =	swait.ge [sflag:s10], $0x180  }
.LBB2_2:
0x2b: {  	s25 =	sshra.s32 s24, $0x2;
	[sflag:s10] =	ssyncset.done $0x0;
	p0 =	sne.s32 s24, $0x1D400  }
.Ltmp0:
0x2c: {  	s25 =	sadd.s32 s25, s8;
	[sflag:s10] =	ssyncadd.s32 $0xFFFFFE80;
	(pc) =	sbr.rel @p0 .LBB2_2-.Ltmp0, $3  }
0x2d: {  	[spmem:s25] =	stream.linear.scatter [tilespmem:s9], [sflag:$0x5], $0x180, $0x38;
	[tilespmem:$0xEEC0] =	vst v63  }
0x2e: {  	s24 =	sadd.s32 $0x600, s24;
	_ =	sdelay $0x1  }
0x2f: {  	_ =	swait.ge [sflag:s10], $0x180  }
0x30: {  	[sflag:s10] =	ssyncset.done $0x0  }
0x31: {  	s24 =	simm.s32 $0x0;
	[sflag:s10] =	ssyncadd.s32 $0xFFFFFE80  }
0x32: {  	[tilespmem:s24], [sflag:$0x5] =	stream.linear.gather [hbm4b:s5+s24], $0x28A0, $0x38;
	[tilespmem:$0xEEC0] =	vst v63  }
0x33: {  	_ =	swait.ge [sflag:s10], $0x28A0  }
0x34: {  	[sflag:s10] =	ssyncset.done $0x0  }
0x35: {  	[sflag:s10] =	ssyncadd.s32 $0xFFFFD760  }
0x36: {  	[tilespmem:s11], [sflag:$0x5] =	stream.linear.gather [hbm4b:s6+s24], $0x28A0, $0x38;
	[tilespmem:$0xEEC0] =	vst v63  }
0x37: {  	_ =	swait.ge [sflag:s10], $0x28A0  }
0x38: {  	[sflag:s10] =	ssyncset.done $0x0  }
0x39: {  	[sflag:s10] =	ssyncadd.s32 $0xFFFFD760  }
0x3a: {  	[bflag:$0x0] =	sbarrier.arrive $0xFFFF  }
0x3b: {  	[tilespmem:s13], [sflag:$0x1] =	stream.indirect.gather [hbm4b:s4+s12], $0x30, s24, s12, $0xb8;
	[tilespmem:$0xEEC0] =	vst v63  }
0x3c: {  	_ = 	snop  }
0x3d: {  	[tilespmem:s15], [sflag:$0x2] =	stream.indirect.gather [hbm4b:s4+s12], $0x30, s14, s12, $0xb8;
	[tilespmem:$0xEEC0] =	vst v63  }
0x3e: {  	_ =	swait.ge [sflag:s16], $0x12C0  }
0x3f: {  	[sflag:s16] =	ssyncset.done $0x0  }
0x40: {  	s29 =	simm.s32 $0x28A0;
	[sflag:s16] =	ssyncadd.s32 $0xFFFFED40  }
0x41: {  	[spmem:s2] =	stream.indirect.scatter.add.f32 [tilespmem:s13], [sflag:$0x3], $0x30, s29, s12, $0xb8;
	[tilespmem:$0xEEC0] =	vst v63  }
0x42: {  	_ =	swait.ge [sflag:s17], $0x12C0  }
0x43: {  	[sflag:s17] =	ssyncset.done $0x0  }
0x44: {  	s30 =	simm.s32 $0x2908;
	[sflag:s17] =	ssyncadd.s32 $0xFFFFED40  }
0x45: {  	[spmem:s2] =	stream.indirect.scatter.add.f32 [tilespmem:s15], [sflag:$0x4], $0x30, s30, s12, $0xb8;
	[tilespmem:$0xEEC0] =	vst v63  }
0x46: {  	_ =	swait.ge [sflag:s18], $0x12C0  }
0x47: {  	[sflag:s18] =	ssyncset.done $0x0  }
0x48: {  	s31 =	simm.s32 $0xD0;
	[sflag:s18] =	ssyncadd.s32 $0xFFFFED40  }
0x49: {  	[tilespmem:s13], [sflag:$0x1] =	stream.indirect.gather [hbm4b:s4+s12], $0x30, s31, s12, $0xb8;
	[tilespmem:$0xEEC0] =	vst v63  }
0x4a: {  	_ =	swait.ge [sflag:s19], $0x12C0  }
0x4b: {  	[sflag:s19] =	ssyncset.done $0x0  }
0x4c: {  	s25 =	simm.s32 $0x138;
	s24 =	simm.s32 $0x340;
	[sflag:s19] =	ssyncadd.s32 $0xFFFFED40  }
.LBB2_4:
0x4d: {  	[tilespmem:s15], [sflag:$0x2] =	stream.indirect.gather [hbm4b:s4+s12], $0x30, s25, s12, $0xb8;
	[tilespmem:$0xEEC0] =	vst v63  }
0x4e: {  	s25 =	smov.u32 s24  }
0x4f: {  	p0 =	sne.s32 s24, $0x9C00;
	s24 =	sadd.s32 $0x340, s24;
	_ =	swait.ge [sflag:s16], $0x12C0  }
0x50: {  	s25 =	sshra.s32 s25, $0x2;
	[sflag:s16] =	ssyncset.done $0x0  }
0x51: {  	s26 =	sadd.s32 $0x28A0, s25;
	[sflag:s16] =	ssyncadd.s32 $0xFFFFED40  }
0x52: {  	[spmem:s2] =	stream.indirect.scatter.add.f32 [tilespmem:s13], [sflag:$0x3], $0x30, s26, s12, $0xb8;
	[tilespmem:$0xEEC0] =	vst v63  }
0x53: {  	_ =	swait.ge [sflag:s17], $0x12C0  }
0x54: {  	[sflag:s17] =	ssyncset.done $0x0  }
0x55: {  	s26 =	sadd.s32 $0x2908, s25;
	[sflag:s17] =	ssyncadd.s32 $0xFFFFED40  }
0x56: {  	[spmem:s2] =	stream.indirect.scatter.add.f32 [tilespmem:s15], [sflag:$0x4], $0x30, s26, s12, $0xb8;
	[tilespmem:$0xEEC0] =	vst v63  }
0x57: {  	_ =	swait.ge [sflag:s18], $0x12C0  }
0x58: {  	[sflag:s18] =	ssyncset.done $0x0  }
.Ltmp1:
0x59: {  	s26 =	sadd.s32 $0xD0, s25;
	[sflag:s18] =	ssyncadd.s32 $0xFFFFED40;
	(pc) =	sbr.rel @p0 .LBB2_4-.Ltmp1, $4  }
0x5a: {  	[tilespmem:s13], [sflag:$0x1] =	stream.indirect.gather [hbm4b:s4+s12], $0x30, s26, s12, $0xb8;
	[tilespmem:$0xEEC0] =	vst v63  }
0x5b: {  	_ =	swait.ge [sflag:s19], $0x12C0  }
0x5c: {  	[sflag:s19] =	ssyncset.done $0x0  }
0x5d: {  	s25 =	sadd.s32 $0x138, s25;
	[sflag:s19] =	ssyncadd.s32 $0xFFFFED40  }
0x5e: {  	[tilespmem:s15], [sflag:$0x2] =	stream.indirect.gather [hbm4b:s4+s12], $0x30, s25, s12, $0xb8;
	[tilespmem:$0xEEC0] =	vst v63  }
0x5f: {  	_ =	swait.ge [sflag:s16], $0x12C0  }
0x60: {  	[sflag:s16] =	ssyncset.done $0x0  }
0x61: {  	[sflag:s16] =	ssyncadd.s32 $0xFFFFED40  }
0x62: {  	[spmem:s2] =	stream.indirect.scatter.add.f32 [tilespmem:s13], [sflag:$0x3], $0x30, s20, s12, $0xb8;
	[tilespmem:$0xEEC0] =	vst v63  }
0x63: {  	_ =	swait.ge [sflag:s17], $0x12C0  }
0x64: {  	[sflag:s17] =	ssyncset.done $0x0  }
0x65: {  	[sflag:s17] =	ssyncadd.s32 $0xFFFFED40  }
0x66: {  	[spmem:s2] =	stream.indirect.scatter.add.f32 [tilespmem:s15], [sflag:$0x4], $0x30, s21, s12, $0xb8;
	[tilespmem:$0xEEC0] =	vst v63  }
0x67: {  	_ =	swait.ge [sflag:s18], $0x12C0  }
0x68: {  	[sflag:s18] =	ssyncset.done $0x0  }
0x69: {  	[sflag:s18] =	ssyncadd.s32 $0xFFFFED40  }
0x6a: {  	_ =	swait.ge [sflag:s19], $0x12C0  }
0x6b: {  	s3 =	sadd.s32 $0x1, s3;
	[sflag:s19] =	ssyncset.done $0x0  }
0x6c: {  	s24 =	sshll.u32 s0, $0x6;
	p0 =	sne.s32 s3, s7;
	[sflag:s19] =	ssyncadd.s32 $0xFFFFED40  }
.Ltmp2:
0x6d: {  	s24 =	sor.u32 $0x1C05, s24;
	[bflag:$0x0] =	sbarrier.arrive $0xFFFF;
	(pc) =	sbr.rel @p0 .LBB2_1-.Ltmp2, $4  }
0x6e: {  	[hbm:s22], [sflag:s24] =	dma.local [spmem:s23], $0xED0  }
0x6f: {  	_ =	swait.ge [sflag:s10], $0xED0  }
0x70: {  	[sflag:s10] =	ssyncset.done $0x0  }
0x71: {  	[sflag:s10] =	ssyncadd.s32 $0xFFFFF130  }
0x72: {  	_ =	sfence.sel $0x180000  }
0x73: {  	[bflag:$0x0] =	sbarrier.arrive $0xFFFF  }
0x74: {  	p0 =	sne.s32 s0, $0x0;
	_ =	strace $0x90000053  }
0x75: {  	s0 =	sadd.s32 @!p0 $0x100000, s1;
	[bflag:$0x2] =	sbarrier.arrive $0xFFFF  }
0x76: {  	[sflag:s0] =	ssyncadd.tile.s32 @!p0 $0x1;
	_ =	shalt  }
.Lfunc_end2:
_tile_overlayer_lowered:
.L_overlay_start_2:
0x77: {  	(tag) =	ssettag $0x2  }
0x78: {  	s0 =	rddreg [dreg:$0x0];
	s2 =	stileid.u32  }
0x79: {  	s1 =	rddreg [dreg:$0x1];
	p0 =	sne.s32 s2, $0x0  }
0x7a: {  	s3 =	rddreg [dreg:$0x2];
	[bflag:$0x3] =	sbarrier.arrive $0xFFFF;
	s2 =	simm.s32 @!p0 $0x1C05  }
0x7b: {  	[timem:s3], [sflag:s2] =	dma.local @!p0 [hbm:s0], s1  }
0x7c: {  	s0 =	simm.s32 @!p0 $0x5  }
0x7d: {  	_ =	swait.ge @!p0 [sflag:s0], s1  }
0x7e: {  	s1 =	ssub.s32 @!p0 $0x0, s1;
	[sflag:s0] =	ssyncset.done @!p0 $0x0  }
0x7f: {  	[sflag:s0] =	ssyncadd.s32 @!p0 s1  }
0x80: {  	[bflag:$0x3] =	sbarrier.arrive $0xFFFF  }
0x81: {  	_ =	shalt  }

</sc_bundles>
